<compile_context>
chip_gen: v7x
topology: tpu7x:2x2x1
jax: 0.10.2.dev20260603
libtpu: 0.0.44.dev20260713+nightly
codegen_flags: <defaults>
</compile_context>

<pallas_src>
import functools

import numpy as np
import jax
import jax.numpy as jnp
from jax import lax
from jax.experimental import pallas as pl
from jax.experimental.pallas import tpu as pltpu
from jax.experimental.pallas import tpu_sc as plsc

VOCAB = 100000
EMB = 128
HID = 1024
TAGS = 1000
B = 4096
L = 200

NC = 2
NS = 16
NW = NC * NS
BPW = B // NW
LANES = 16
NCH = EMB // LANES

LCH = (48, 48, 48, 56)
LOFF = (0, 48, 96, 144)


NBUF = 4


def _pool_body(bpw, x_hbm, emb_hbm, out_hbm, *refs):
    idx_all = refs[0]
    rows = list(refs[1:1 + NBUF])
    acc = list(refs[1 + NBUF:1 + 2 * NBUF])
    gsem = list(refs[1 + 2 * NBUF:1 + 3 * NBUF])
    osem = list(refs[1 + 3 * NBUF:1 + 4 * NBUF])
    BPW = bpw
    wid = lax.axis_index("s") * NC + lax.axis_index("c")
    base = wid * BPW

    def fire_gather(s, r):
        for off, n in zip(LOFF, LCH):
            pltpu.async_copy(
                emb_hbm.at[idx_all.at[pl.ds(r * L + off, n)]],
                rows[s].at[pl.ds(off, n)], gsem[s])

    def wait_gather(s):
        pltpu.make_async_copy(emb_hbm.at[pl.ds(0, L)], rows[s], gsem[s]).wait()

    pltpu.sync_copy(x_hbm.at[pl.ds(base * L, BPW * L)], idx_all)
    for s in range(NBUF - 1):
        fire_gather(s, s)

    @pl.loop(0, BPW, step=NBUF)
    def _outer(io):
        for s in range(NBUF):
            i = io + s
            nxt = (s + NBUF - 1) % NBUF
            wait_gather(s)

            @pl.when(i + NBUF - 1 < BPW)
            def _():
                fire_gather(nxt, i + NBUF - 1)

            cfull = jnp.zeros((LANES,), jnp.float32)
            for k in range(L // LANES):
                v = idx_all[pl.ds(i * L + k * LANES, LANES)]
                cfull += jnp.where(v != 0, 1.0, 0.0)
            vt = idx_all[pl.ds(i * L + L - LANES, LANES)]
            lane = lax.iota(jnp.int32, LANES)
            tail = jnp.where((vt != 0) & (lane >= LANES - L % LANES), 1.0, 0.0)
            cnt = jnp.sum(cfull + tail)
            sv = 1.0 / (jnp.full((LANES,), cnt, jnp.float32) + 1e-05)

            @pl.when(i >= NBUF)
            def _():
                pltpu.make_async_copy(
                    acc[s], out_hbm.at[base + i - NBUF], osem[s]).wait()

            zeros = tuple(jnp.zeros((LANES,), jnp.float32) for _ in range(NCH))

            @pl.loop(0, L, init_carry=zeros, unroll=2)
            def _acc(l, carry):
                return tuple(
                    c + rows[s][l, pl.ds(j * LANES, LANES)]
                    for j, c in enumerate(carry))

            for j in range(NCH):
                acc[s][pl.ds(j * LANES, LANES)] = _acc[j] * sv
            pltpu.async_copy(acc[s], out_hbm.at[base + i], osem[s])

    for s in range(NBUF):
        pltpu.make_async_copy(
            acc[s], out_hbm.at[base + BPW - NBUF + s], osem[s]).wait()


@functools.lru_cache(maxsize=None)
def _make_pool(nb):
    return pl.kernel(
        functools.partial(_pool_body, nb // NW),
        out_type=jax.ShapeDtypeStruct((nb, EMB), jnp.float32),
        mesh=plsc.VectorSubcoreMesh(core_axis_name="c", subcore_axis_name="s"),
        compiler_params=pltpu.CompilerParams(needs_layout_passes=False),
        scratch_types=(
            [pltpu.VMEM((nb // NW * L,), jnp.int32)]
            + [pltpu.VMEM((L, EMB), jnp.float32)] * NBUF
            + [pltpu.VMEM((EMB,), jnp.float32)] * NBUF
            + [pltpu.SemaphoreType.DMA] * (2 * NBUF)
        ),
    )


BB = 1024


def _mlp_body(p_ref, w1_ref, b1_ref, w2_ref, b2_ref, wf_ref, bf_ref, o_ref):
    h = p_ref[...].astype(jnp.bfloat16)
    h = lax.dot_general(h, w1_ref[...], (((1,), (1,)), ((), ())),
                        preferred_element_type=jnp.float32) + b1_ref[...]
    h = jnp.where(h > 0, h, 0.2 * h).astype(jnp.bfloat16)
    h = lax.dot_general(h, w2_ref[...], (((1,), (1,)), ((), ())),
                        preferred_element_type=jnp.float32) + b2_ref[...]
    h = jnp.where(h > 0, h, 0.2 * h).astype(jnp.bfloat16)
    o_ref[...] = lax.dot_general(h, wf_ref[...], (((1,), (1,)), ((), ())),
                                 preferred_element_type=jnp.float32) + bf_ref[...]


def _mlp(pooled, W1, b1, W2, b2, Wf, bf):
    nb = pooled.shape[0]
    grid = (nb // BB,)
    return pl.pallas_call(
        _mlp_body,
        grid=grid,
        in_specs=[
            pl.BlockSpec((BB, EMB), lambda i: (i, 0)),
            pl.BlockSpec((HID, EMB), lambda i: (0, 0)),
            pl.BlockSpec((1, HID), lambda i: (0, 0)),
            pl.BlockSpec((HID, HID), lambda i: (0, 0)),
            pl.BlockSpec((1, HID), lambda i: (0, 0)),
            pl.BlockSpec((TAGS, HID), lambda i: (0, 0)),
            pl.BlockSpec((1, TAGS), lambda i: (0, 0)),
        ],
        out_specs=pl.BlockSpec((BB, TAGS), lambda i: (i, 0)),
        out_shape=jax.ShapeDtypeStruct((nb, TAGS), jnp.float32),
    )(pooled, W1, b1, W2, b2, Wf, bf)


@jax.jit
def kernel(x, emb, W1, b1, W2, b2, Wf, bf):
    pooled = _make_pool(B)(x.reshape(-1), emb)
    return _mlp(pooled, W1.astype(jnp.bfloat16), b1[None, :],
                W2.astype(jnp.bfloat16), b2[None, :],
                Wf.astype(jnp.bfloat16), bf[None, :])

# --- scband reference (transcript-rebuilt; emitter-appended) ---
"""Pipeline reference for scband-dan-model-19018115187042 (READ-ONLY COPY).

The authoritative reference and input builder live on the scoring server;
editing this copy changes nothing except your own understanding.
"""

import jax, jax.numpy as jnp
import numpy as np

VOCAB = 100000
EMB = 128
HID = 1024
TAGS = 1000
B = 4096
L = 200


def setup_inputs(seed: int = 0) -> dict:
    key = jax.random.key(seed)
    ks = jax.random.split(key, 8)
    # token indices in [0, VOCAB); int32 used for portability under default jax x32 config
    x = jax.random.randint(ks[0], (B, L), 0, VOCAB, dtype=jnp.int32)
    # all parameters initialized uniform in [-0.08, 0.08] as in init_model_parameters()
    def u(k, shape):
        return jax.random.uniform(k, shape, jnp.float32, minval=-0.08, maxval=0.08)
    emb = u(ks[1], (VOCAB, EMB))
    W1 = u(ks[2], (HID, EMB))
    b1 = u(ks[3], (HID,))
    W2 = u(ks[4], (HID, HID))
    b2 = u(ks[5], (HID,))
    Wf = u(ks[6], (TAGS, HID))
    bf = u(ks[7], (TAGS,))
    return {"x": x, "emb": emb, "W1": W1, "b1": b1, "W2": W2, "b2": b2, "Wf": Wf, "bf": bf}


def leaky_relu02(h):
    return jnp.where(h > 0, h, 0.2 * h)


def reference(x, emb, W1, b1, W2, b2, Wf, bf):
    # word_drop == 0 and dropouts == 0, so those branches are no-ops
    cnt = jnp.count_nonzero(x, axis=1).astype(jnp.float32)
    denom = cnt[:, None] + 1e-05  # broadcast over emb dim, as expand(-1, emb_size)
    e = jnp.take(emb, x, axis=0)  # [B, L, EMB] embedding gather
    h = jnp.sum(e, axis=1) / denom  # [B, EMB]
    h = h @ W1.T + b1
    h = leaky_relu02(h)
    h = h @ W2.T + b2
    h = leaky_relu02(h)
    # NOTE: fc3/z3/d3 are defined in __init__ but NOT used in forward()
    scores = h @ Wf.T + bf
    return scores

if __name__ == "__main__":
    import jax
    _d = setup_inputs()
    print(jax.jit(kernel)(*tuple(_d.values())))

</pallas_src>

<mosaic_0001>
#map = affine_map<(d0, d1) -> (0)>
#map1 = affine_map<(d0, d1) -> (0, 0)>
module attributes {stable_mosaic.version = 14 : i64} {
  func.func @_pool_body(%arg0: i32, %arg1: i32, %arg2: memref<819200xi32, #tpu.memory_space<hbm>>, %arg3: memref<100000x128xf32, #tpu.memory_space<hbm>>, %arg4: memref<4096x128xf32, #tpu.memory_space<hbm>>, %arg5: memref<25600xi32, #tpu.memory_space<vmem>>, %arg6: memref<200x128xf32, #tpu.memory_space<vmem>>, %arg7: memref<200x128xf32, #tpu.memory_space<vmem>>, %arg8: memref<200x128xf32, #tpu.memory_space<vmem>>, %arg9: memref<200x128xf32, #tpu.memory_space<vmem>>, %arg10: memref<128xf32, #tpu.memory_space<vmem>>, %arg11: memref<128xf32, #tpu.memory_space<vmem>>, %arg12: memref<128xf32, #tpu.memory_space<vmem>>, %arg13: memref<128xf32, #tpu.memory_space<vmem>>, %arg14: memref<!tpu.dma_semaphore, #tpu.memory_space<semaphore_mem>>, %arg15: memref<!tpu.dma_semaphore, #tpu.memory_space<semaphore_mem>>, %arg16: memref<!tpu.dma_semaphore, #tpu.memory_space<semaphore_mem>>, %arg17: memref<!tpu.dma_semaphore, #tpu.memory_space<semaphore_mem>>, %arg18: memref<!tpu.dma_semaphore, #tpu.memory_space<semaphore_mem>>, %arg19: memref<!tpu.dma_semaphore, #tpu.memory_space<semaphore_mem>>, %arg20: memref<!tpu.dma_semaphore, #tpu.memory_space<semaphore_mem>>, %arg21: memref<!tpu.dma_semaphore, #tpu.memory_space<semaphore_mem>>) attributes {dimension_semantics = [#tpu.dimension_semantics<core_parallel>, #tpu.dimension_semantics<subcore_parallel>], iteration_bounds = array<i64: 2, 16>, scalar_prefetch = 0 : i64, scratch_operands = 17 : i64, tpu.core_type = #tpu.core_type<sc_vector_subcore>, window_params = [{transform_indices = #map}, {transform_indices = #map1}, {transform_indices = #map1}]} {
    %mul3A = arith.constant 2 : i32
    %mul3A_0 = arith.muli %arg1, %mul3A : i32
    %add3A = arith.addi %mul3A_0, %arg0 : i32
    %mul3A_1 = arith.constant 128 : i32
    %mul3A_2 = arith.muli %add3A, %mul3A_1 : i32
    %mul3A_3 = arith.constant 200 : i32
    %mul3A_4 = arith.muli %mul3A_2, %mul3A_3 : i32
    "tpu.region"() ({
      %run_scoped3A = tpu.sem_alloc : memref<!tpu.dma_semaphore, #tpu.memory_space<semaphore_mem>>
      %dma_start3A_150 = tpu.memref_slice %arg2[%mul3A_4] : memref<819200xi32, #tpu.memory_space<hbm>> -> memref<25600xi32, #tpu.memory_space<hbm>>
      %dma_start3A_151 = tpu.memref_slice %arg2[%mul3A_4] : memref<819200xi32, #tpu.memory_space<hbm>> -> memref<25600xi32, #tpu.memory_space<hbm>>
      tpu.enqueue_dma source(%dma_start3A_151 : memref<25600xi32, #tpu.memory_space<hbm>>) target(%arg5 : memref<25600xi32, #tpu.memory_space<vmem>>) target_semaphore(%run_scoped3A : memref<!tpu.dma_semaphore, #tpu.memory_space<semaphore_mem>>)
      %dma_wait3A_152 = tpu.memref_slice %arg2[%mul3A_4] : memref<819200xi32, #tpu.memory_space<hbm>> -> memref<25600xi32, #tpu.memory_space<hbm>>
      %dma_wait3A_153 = tpu.memref_slice %arg2[%mul3A_4] : memref<819200xi32, #tpu.memory_space<hbm>> -> memref<25600xi32, #tpu.memory_space<hbm>>
      tpu.wait_dma2 semaphore(%run_scoped3A : memref<!tpu.dma_semaphore, #tpu.memory_space<semaphore_mem>>) src(%dma_wait3A_153 : memref<25600xi32, #tpu.memory_space<hbm>>) dst(%arg5 : memref<25600xi32, #tpu.memory_space<vmem>>)
      tpu.yield
    }) : () -> ()
    %dma_start3A = arith.constant 0 : i32
    %dma_start3A_5 = arith.constant 0 : i32
    %dma_start3A_6 = tpu.memref_slice %arg6[%dma_start3A, %dma_start3A_5] : memref<200x128xf32, #tpu.memory_space<vmem>> -> memref<48x128xf32, #tpu.memory_space<vmem>>
    %dma_start3A_7 = arith.constant 0 : i32
    %dma_start3A_8 = tpu.memref_slice %arg5[%dma_start3A_7] : memref<25600xi32, #tpu.memory_space<vmem>> -> memref<48xi32, #tpu.memory_space<vmem>>
    %dma_start3A_9 = arith.constant 0 : i32
    %dma_start3A_10 = arith.constant 0 : i32
    %dma_start3A_11 = tpu.memref_slice %arg3[%dma_start3A_9, %dma_start3A_10] : memref<100000x128xf32, #tpu.memory_space<hbm>> -> memref<100000x128xf32, #tpu.memory_space<hbm>>
    tpu.enqueue_indirect_dma source(%dma_start3A_11 : memref<100000x128xf32, #tpu.memory_space<hbm>>) target(%dma_start3A_6 : memref<48x128xf32, #tpu.memory_space<vmem>>) offsets(%dma_start3A_8 : memref<48xi32, #tpu.memory_space<vmem>>) semaphore(%arg14 : memref<!tpu.dma_semaphore, #tpu.memory_space<semaphore_mem>>)
    %dma_start3A_12 = arith.constant 48 : i32
    %dma_start3A_13 = arith.constant 0 : i32
    %dma_start3A_14 = tpu.memref_slice %arg6[%dma_start3A_12, %dma_start3A_13] : memref<200x128xf32, #tpu.memory_space<vmem>> -> memref<48x128xf32, #tpu.memory_space<vmem>>
    %dma_start3A_15 = arith.constant 48 : i32
    %dma_start3A_16 = tpu.memref_slice %arg5[%dma_start3A_15] : memref<25600xi32, #tpu.memory_space<vmem>> -> memref<48xi32, #tpu.memory_space<vmem>>
    %dma_start3A_17 = arith.constant 0 : i32
    %dma_start3A_18 = arith.constant 0 : i32
    %dma_start3A_19 = tpu.memref_slice %arg3[%dma_start3A_17, %dma_start3A_18] : memref<100000x128xf32, #tpu.memory_space<hbm>> -> memref<100000x128xf32, #tpu.memory_space<hbm>>
    tpu.enqueue_indirect_dma source(%dma_start3A_19 : memref<100000x128xf32, #tpu.memory_space<hbm>>) target(%dma_start3A_14 : memref<48x128xf32, #tpu.memory_space<vmem>>) offsets(%dma_start3A_16 : memref<48xi32, #tpu.memory_space<vmem>>) semaphore(%arg14 : memref<!tpu.dma_semaphore, #tpu.memory_space<semaphore_mem>>)
    %dma_start3A_20 = arith.constant 96 : i32
    %dma_start3A_21 = arith.constant 0 : i32
    %dma_start3A_22 = tpu.memref_slice %arg6[%dma_start3A_20, %dma_start3A_21] : memref<200x128xf32, #tpu.memory_space<vmem>> -> memref<48x128xf32, #tpu.memory_space<vmem>>
    %dma_start3A_23 = arith.constant 96 : i32
    %dma_start3A_24 = tpu.memref_slice %arg5[%dma_start3A_23] : memref<25600xi32, #tpu.memory_space<vmem>> -> memref<48xi32, #tpu.memory_space<vmem>>
    %dma_start3A_25 = arith.constant 0 : i32
    %dma_start3A_26 = arith.constant 0 : i32
    %dma_start3A_27 = tpu.memref_slice %arg3[%dma_start3A_25, %dma_start3A_26] : memref<100000x128xf32, #tpu.memory_space<hbm>> -> memref<100000x128xf32, #tpu.memory_space<hbm>>
    tpu.enqueue_indirect_dma source(%dma_start3A_27 : memref<100000x128xf32, #tpu.memory_space<hbm>>) target(%dma_start3A_22 : memref<48x128xf32, #tpu.memory_space<vmem>>) offsets(%dma_start3A_24 : memref<48xi32, #tpu.memory_space<vmem>>) semaphore(%arg14 : memref<!tpu.dma_semaphore, #tpu.memory_space<semaphore_mem>>)
    %dma_start3A_28 = arith.constant 144 : i32
    %dma_start3A_29 = arith.constant 0 : i32
    %dma_start3A_30 = tpu.memref_slice %arg6[%dma_start3A_28, %dma_start3A_29] : memref<200x128xf32, #tpu.memory_space<vmem>> -> memref<56x128xf32, #tpu.memory_space<vmem>>
    %dma_start3A_31 = arith.constant 144 : i32
    %dma_start3A_32 = tpu.memref_slice %arg5[%dma_start3A_31] : memref<25600xi32, #tpu.memory_space<vmem>> -> memref<56xi32, #tpu.memory_space<vmem>>
    %dma_start3A_33 = arith.constant 0 : i32
    %dma_start3A_34 = arith.constant 0 : i32
    %dma_start3A_35 = tpu.memref_slice %arg3[%dma_start3A_33, %dma_start3A_34] : memref<100000x128xf32, #tpu.memory_space<hbm>> -> memref<100000x128xf32, #tpu.memory_space<hbm>>
    tpu.enqueue_indirect_dma source(%dma_start3A_35 : memref<100000x128xf32, #tpu.memory_space<hbm>>) target(%dma_start3A_30 : memref<56x128xf32, #tpu.memory_space<vmem>>) offsets(%dma_start3A_32 : memref<56xi32, #tpu.memory_space<vmem>>) semaphore(%arg14 : memref<!tpu.dma_semaphore, #tpu.memory_space<semaphore_mem>>)
    %dma_start3A_36 = arith.constant 0 : i32
    %dma_start3A_37 = arith.constant 0 : i32
    %dma_start3A_38 = tpu.memref_slice %arg7[%dma_start3A_36, %dma_start3A_37] : memref<200x128xf32, #tpu.memory_space<vmem>> -> memref<48x128xf32, #tpu.memory_space<vmem>>
    %dma_start3A_39 = arith.constant 200 : i32
    %dma_start3A_40 = tpu.memref_slice %arg5[%dma_start3A_39] : memref<25600xi32, #tpu.memory_space<vmem>> -> memref<48xi32, #tpu.memory_space<vmem>>
    %dma_start3A_41 = arith.constant 0 : i32
    %dma_start3A_42 = arith.constant 0 : i32
    %dma_start3A_43 = tpu.memref_slice %arg3[%dma_start3A_41, %dma_start3A_42] : memref<100000x128xf32, #tpu.memory_space<hbm>> -> memref<100000x128xf32, #tpu.memory_space<hbm>>
    tpu.enqueue_indirect_dma source(%dma_start3A_43 : memref<100000x128xf32, #tpu.memory_space<hbm>>) target(%dma_start3A_38 : memref<48x128xf32, #tpu.memory_space<vmem>>) offsets(%dma_start3A_40 : memref<48xi32, #tpu.memory_space<vmem>>) semaphore(%arg15 : memref<!tpu.dma_semaphore, #tpu.memory_space<semaphore_mem>>)
    %dma_start3A_44 = arith.constant 48 : i32
    %dma_start3A_45 = arith.constant 0 : i32
    %dma_start3A_46 = tpu.memref_slice %arg7[%dma_start3A_44, %dma_start3A_45] : memref<200x128xf32, #tpu.memory_space<vmem>> -> memref<48x128xf32, #tpu.memory_space<vmem>>
    %dma_start3A_47 = arith.constant 248 : i32
    %dma_start3A_48 = tpu.memref_slice %arg5[%dma_start3A_47] : memref<25600xi32, #tpu.memory_space<vmem>> -> memref<48xi32, #tpu.memory_space<vmem>>
    %dma_start3A_49 = arith.constant 0 : i32
    %dma_start3A_50 = arith.constant 0 : i32
    %dma_start3A_51 = tpu.memref_slice %arg3[%dma_start3A_49, %dma_start3A_50] : memref<100000x128xf32, #tpu.memory_space<hbm>> -> memref<100000x128xf32, #tpu.memory_space<hbm>>
    tpu.enqueue_indirect_dma source(%dma_start3A_51 : memref<100000x128xf32, #tpu.memory_space<hbm>>) target(%dma_start3A_46 : memref<48x128xf32, #tpu.memory_space<vmem>>) offsets(%dma_start3A_48 : memref<48xi32, #tpu.memory_space<vmem>>) semaphore(%arg15 : memref<!tpu.dma_semaphore, #tpu.memory_space<semaphore_mem>>)
    %dma_start3A_52 = arith.constant 96 : i32
    %dma_start3A_53 = arith.constant 0 : i32
    %dma_start3A_54 = tpu.memref_slice %arg7[%dma_start3A_52, %dma_start3A_53] : memref<200x128xf32, #tpu.memory_space<vmem>> -> memref<48x128xf32, #tpu.memory_space<vmem>>
    %dma_start3A_55 = arith.constant 296 : i32
    %dma_start3A_56 = tpu.memref_slice %arg5[%dma_start3A_55] : memref<25600xi32, #tpu.memory_space<vmem>> -> memref<48xi32, #tpu.memory_space<vmem>>
    %dma_start3A_57 = arith.constant 0 : i32
    %dma_start3A_58 = arith.constant 0 : i32
    %dma_start3A_59 = tpu.memref_slice %arg3[%dma_start3A_57, %dma_start3A_58] : memref<100000x128xf32, #tpu.memory_space<hbm>> -> memref<100000x128xf32, #tpu.memory_space<hbm>>
    tpu.enqueue_indirect_dma source(%dma_start3A_59 : memref<100000x128xf32, #tpu.memory_space<hbm>>) target(%dma_start3A_54 : memref<48x128xf32, #tpu.memory_space<vmem>>) offsets(%dma_start3A_56 : memref<48xi32, #tpu.memory_space<vmem>>) semaphore(%arg15 : memref<!tpu.dma_semaphore, #tpu.memory_space<semaphore_mem>>)
    %dma_start3A_60 = arith.constant 144 : i32
    %dma_start3A_61 = arith.constant 0 : i32
    %dma_start3A_62 = tpu.memref_slice %arg7[%dma_start3A_60, %dma_start3A_61] : memref<200x128xf32, #tpu.memory_space<vmem>> -> memref<56x128xf32, #tpu.memory_space<vmem>>
    %dma_start3A_63 = arith.constant 344 : i32
    %dma_start3A_64 = tpu.memref_slice %arg5[%dma_start3A_63] : memref<25600xi32, #tpu.memory_space<vmem>> -> memref<56xi32, #tpu.memory_space<vmem>>
    %dma_start3A_65 = arith.constant 0 : i32
    %dma_start3A_66 = arith.constant 0 : i32
    %dma_start3A_67 = tpu.memref_slice %arg3[%dma_start3A_65, %dma_start3A_66] : memref<100000x128xf32, #tpu.memory_space<hbm>> -> memref<100000x128xf32, #tpu.memory_space<hbm>>
    tpu.enqueue_indirect_dma source(%dma_start3A_67 : memref<100000x128xf32, #tpu.memory_space<hbm>>) target(%dma_start3A_62 : memref<56x128xf32, #tpu.memory_space<vmem>>) offsets(%dma_start3A_64 : memref<56xi32, #tpu.memory_space<vmem>>) semaphore(%arg15 : memref<!tpu.dma_semaphore, #tpu.memory_space<semaphore_mem>>)
    %dma_start3A_68 = arith.constant 0 : i32
    %dma_start3A_69 = arith.constant 0 : i32
    %dma_start3A_70 = tpu.memref_slice %arg8[%dma_start3A_68, %dma_start3A_69] : memref<200x128xf32, #tpu.memory_space<vmem>> -> memref<48x128xf32, #tpu.memory_space<vmem>>
    %dma_start3A_71 = arith.constant 400 : i32
    %dma_start3A_72 = tpu.memref_slice %arg5[%dma_start3A_71] : memref<25600xi32, #tpu.memory_space<vmem>> -> memref<48xi32, #tpu.memory_space<vmem>>
    %dma_start3A_73 = arith.constant 0 : i32
    %dma_start3A_74 = arith.constant 0 : i32
    %dma_start3A_75 = tpu.memref_slice %arg3[%dma_start3A_73, %dma_start3A_74] : memref<100000x128xf32, #tpu.memory_space<hbm>> -> memref<100000x128xf32, #tpu.memory_space<hbm>>
    tpu.enqueue_indirect_dma source(%dma_start3A_75 : memref<100000x128xf32, #tpu.memory_space<hbm>>) target(%dma_start3A_70 : memref<48x128xf32, #tpu.memory_space<vmem>>) offsets(%dma_start3A_72 : memref<48xi32, #tpu.memory_space<vmem>>) semaphore(%arg16 : memref<!tpu.dma_semaphore, #tpu.memory_space<semaphore_mem>>)
    %dma_start3A_76 = arith.constant 48 : i32
    %dma_start3A_77 = arith.constant 0 : i32
    %dma_start3A_78 = tpu.memref_slice %arg8[%dma_start3A_76, %dma_start3A_77] : memref<200x128xf32, #tpu.memory_space<vmem>> -> memref<48x128xf32, #tpu.memory_space<vmem>>
    %dma_start3A_79 = arith.constant 448 : i32
    %dma_start3A_80 = tpu.memref_slice %arg5[%dma_start3A_79] : memref<25600xi32, #tpu.memory_space<vmem>> -> memref<48xi32, #tpu.memory_space<vmem>>
    %dma_start3A_81 = arith.constant 0 : i32
    %dma_start3A_82 = arith.constant 0 : i32
    %dma_start3A_83 = tpu.memref_slice %arg3[%dma_start3A_81, %dma_start3A_82] : memref<100000x128xf32, #tpu.memory_space<hbm>> -> memref<100000x128xf32, #tpu.memory_space<hbm>>
    tpu.enqueue_indirect_dma source(%dma_start3A_83 : memref<100000x128xf32, #tpu.memory_space<hbm>>) target(%dma_start3A_78 : memref<48x128xf32, #tpu.memory_space<vmem>>) offsets(%dma_start3A_80 : memref<48xi32, #tpu.memory_space<vmem>>) semaphore(%arg16 : memref<!tpu.dma_semaphore, #tpu.memory_space<semaphore_mem>>)
    %dma_start3A_84 = arith.constant 96 : i32
    %dma_start3A_85 = arith.constant 0 : i32
    %dma_start3A_86 = tpu.memref_slice %arg8[%dma_start3A_84, %dma_start3A_85] : memref<200x128xf32, #tpu.memory_space<vmem>> -> memref<48x128xf32, #tpu.memory_space<vmem>>
    %dma_start3A_87 = arith.constant 496 : i32
    %dma_start3A_88 = tpu.memref_slice %arg5[%dma_start3A_87] : memref<25600xi32, #tpu.memory_space<vmem>> -> memref<48xi32, #tpu.memory_space<vmem>>
    %dma_start3A_89 = arith.constant 0 : i32
    %dma_start3A_90 = arith.constant 0 : i32
    %dma_start3A_91 = tpu.memref_slice %arg3[%dma_start3A_89, %dma_start3A_90] : memref<100000x128xf32, #tpu.memory_space<hbm>> -> memref<100000x128xf32, #tpu.memory_space<hbm>>
    tpu.enqueue_indirect_dma source(%dma_start3A_91 : memref<100000x128xf32, #tpu.memory_space<hbm>>) target(%dma_start3A_86 : memref<48x128xf32, #tpu.memory_space<vmem>>) offsets(%dma_start3A_88 : memref<48xi32, #tpu.memory_space<vmem>>) semaphore(%arg16 : memref<!tpu.dma_semaphore, #tpu.memory_space<semaphore_mem>>)
    %dma_start3A_92 = arith.constant 144 : i32
    %dma_start3A_93 = arith.constant 0 : i32
    %dma_start3A_94 = tpu.memref_slice %arg8[%dma_start3A_92, %dma_start3A_93] : memref<200x128xf32, #tpu.memory_space<vmem>> -> memref<56x128xf32, #tpu.memory_space<vmem>>
    %dma_start3A_95 = arith.constant 544 : i32
    %dma_start3A_96 = tpu.memref_slice %arg5[%dma_start3A_95] : memref<25600xi32, #tpu.memory_space<vmem>> -> memref<56xi32, #tpu.memory_space<vmem>>
    %dma_start3A_97 = arith.constant 0 : i32
    %dma_start3A_98 = arith.constant 0 : i32
    %dma_start3A_99 = tpu.memref_slice %arg3[%dma_start3A_97, %dma_start3A_98] : memref<100000x128xf32, #tpu.memory_space<hbm>> -> memref<100000x128xf32, #tpu.memory_space<hbm>>
    tpu.enqueue_indirect_dma source(%dma_start3A_99 : memref<100000x128xf32, #tpu.memory_space<hbm>>) target(%dma_start3A_94 : memref<56x128xf32, #tpu.memory_space<vmem>>) offsets(%dma_start3A_96 : memref<56xi32, #tpu.memory_space<vmem>>) semaphore(%arg16 : memref<!tpu.dma_semaphore, #tpu.memory_space<semaphore_mem>>)
    %scan3A = arith.constant 0 : i32
    %scan3A_100 = arith.constant 32 : i32
    %scan3A_101 = arith.addi %scan3A, %scan3A_100 : i32
    %scan3A_102 = arith.constant 1 : i32
    scf.for %scan3A_150 = %scan3A to %scan3A_101 step %scan3A_102  : i32 {
      %mul3A_151 = arith.constant 4 : i32
      %mul3A_152 = arith.muli %scan3A_150, %mul3A_151 : i32
      %add3A_153 = arith.constant 0 : i32
      %add3A_154 = arith.addi %add3A_153, %mul3A_152 : i32
      %add3A_155 = arith.constant 0 : i32
      %add3A_156 = arith.addi %add3A_154, %add3A_155 : i32
      %dma_wait3A_157 = arith.constant 0 : i32
      %dma_wait3A_158 = arith.constant 0 : i32
      %dma_wait3A_159 = tpu.memref_slice %arg3[%dma_wait3A_157, %dma_wait3A_158] : memref<100000x128xf32, #tpu.memory_space<hbm>> -> memref<200x128xf32, #tpu.memory_space<hbm>>
      %dma_wait3A_160 = arith.constant 0 : i32
      %dma_wait3A_161 = arith.constant 0 : i32
      %dma_wait3A_162 = tpu.memref_slice %arg3[%dma_wait3A_160, %dma_wait3A_161] : memref<100000x128xf32, #tpu.memory_space<hbm>> -> memref<200x128xf32, #tpu.memory_space<hbm>>
      tpu.wait_dma2 semaphore(%arg14 : memref<!tpu.dma_semaphore, #tpu.memory_space<semaphore_mem>>) src(%dma_wait3A_162 : memref<200x128xf32, #tpu.memory_space<hbm>>) dst(%arg6 : memref<200x128xf32, #tpu.memory_space<vmem>>)
      %add3A_163 = arith.constant 4 : i32
      %add3A_164 = arith.addi %add3A_156, %add3A_163 : i32
      %sub3A_165 = arith.constant 1 : i32
      %sub3A_166 = arith.subi %add3A_164, %sub3A_165 : i32
      %lt3A = arith.constant 128 : i32
      %lt3A_167 = arith.cmpi slt, %sub3A_166, %lt3A : i32
      %convert_element_type3A = arith.extui %lt3A_167 : i1 to i32
      %cond3A = arith.constant 0 : i32
      %cond3A_168 = arith.cmpi ne, %convert_element_type3A, %cond3A : i32
      scf.if %cond3A_168 {
        %add3A_1301 = arith.constant 4 : i32
        %add3A_1302 = arith.addi %add3A_156, %add3A_1301 : i32
        %sub3A_1303 = arith.constant 1 : i32
        %sub3A_1304 = arith.subi %add3A_1302, %sub3A_1303 : i32
        %mul3A_1305 = arith.constant 200 : i32
        %mul3A_1306 = arith.muli %sub3A_1304, %mul3A_1305 : i32
        %add3A_1307 = arith.constant 0 : i32
        %add3A_1308 = arith.addi %mul3A_1306, %add3A_1307 : i32
        %dma_start3A_1309 = arith.constant 0 : i32
        %dma_start3A_1310 = arith.constant 0 : i32
        %dma_start3A_1311 = tpu.memref_slice %arg9[%dma_start3A_1309, %dma_start3A_1310] : memref<200x128xf32, #tpu.memory_space<vmem>> -> memref<48x128xf32, #tpu.memory_space<vmem>>
        %dma_start3A_1312 = tpu.memref_slice %arg5[%add3A_1308] : memref<25600xi32, #tpu.memory_space<vmem>> -> memref<48xi32, #tpu.memory_space<vmem>>
        %dma_start3A_1313 = arith.constant 0 : i32
        %dma_start3A_1314 = arith.constant 0 : i32
        %dma_start3A_1315 = tpu.memref_slice %arg3[%dma_start3A_1313, %dma_start3A_1314] : memref<100000x128xf32, #tpu.memory_space<hbm>> -> memref<100000x128xf32, #tpu.memory_space<hbm>>
        tpu.enqueue_indirect_dma source(%dma_start3A_1315 : memref<100000x128xf32, #tpu.memory_space<hbm>>) target(%dma_start3A_1311 : memref<48x128xf32, #tpu.memory_space<vmem>>) offsets(%dma_start3A_1312 : memref<48xi32, #tpu.memory_space<vmem>>) semaphore(%arg17 : memref<!tpu.dma_semaphore, #tpu.memory_space<semaphore_mem>>)
        %mul3A_1316 = arith.constant 200 : i32
        %mul3A_1317 = arith.muli %sub3A_1304, %mul3A_1316 : i32
        %add3A_1318 = arith.constant 48 : i32
        %add3A_1319 = arith.addi %mul3A_1317, %add3A_1318 : i32
        %dma_start3A_1320 = arith.constant 48 : i32
        %dma_start3A_1321 = arith.constant 0 : i32
        %dma_start3A_1322 = tpu.memref_slice %arg9[%dma_start3A_1320, %dma_start3A_1321] : memref<200x128xf32, #tpu.memory_space<vmem>> -> memref<48x128xf32, #tpu.memory_space<vmem>>
        %dma_start3A_1323 = tpu.memref_slice %arg5[%add3A_1319] : memref<25600xi32, #tpu.memory_space<vmem>> -> memref<48xi32, #tpu.memory_space<vmem>>
        %dma_start3A_1324 = arith.constant 0 : i32
        %dma_start3A_1325 = arith.constant 0 : i32
        %dma_start3A_1326 = tpu.memref_slice %arg3[%dma_start3A_1324, %dma_start3A_1325] : memref<100000x128xf32, #tpu.memory_space<hbm>> -> memref<100000x128xf32, #tpu.memory_space<hbm>>
        tpu.enqueue_indirect_dma source(%dma_start3A_1326 : memref<100000x128xf32, #tpu.memory_space<hbm>>) target(%dma_start3A_1322 : memref<48x128xf32, #tpu.memory_space<vmem>>) offsets(%dma_start3A_1323 : memref<48xi32, #tpu.memory_space<vmem>>) semaphore(%arg17 : memref<!tpu.dma_semaphore, #tpu.memory_space<semaphore_mem>>)
        %mul3A_1327 = arith.constant 200 : i32
        %mul3A_1328 = arith.muli %sub3A_1304, %mul3A_1327 : i32
        %add3A_1329 = arith.constant 96 : i32
        %add3A_1330 = arith.addi %mul3A_1328, %add3A_1329 : i32
        %dma_start3A_1331 = arith.constant 96 : i32
        %dma_start3A_1332 = arith.constant 0 : i32
        %dma_start3A_1333 = tpu.memref_slice %arg9[%dma_start3A_1331, %dma_start3A_1332] : memref<200x128xf32, #tpu.memory_space<vmem>> -> memref<48x128xf32, #tpu.memory_space<vmem>>
        %dma_start3A_1334 = tpu.memref_slice %arg5[%add3A_1330] : memref<25600xi32, #tpu.memory_space<vmem>> -> memref<48xi32, #tpu.memory_space<vmem>>
        %dma_start3A_1335 = arith.constant 0 : i32
        %dma_start3A_1336 = arith.constant 0 : i32
        %dma_start3A_1337 = tpu.memref_slice %arg3[%dma_start3A_1335, %dma_start3A_1336] : memref<100000x128xf32, #tpu.memory_space<hbm>> -> memref<100000x128xf32, #tpu.memory_space<hbm>>
        tpu.enqueue_indirect_dma source(%dma_start3A_1337 : memref<100000x128xf32, #tpu.memory_space<hbm>>) target(%dma_start3A_1333 : memref<48x128xf32, #tpu.memory_space<vmem>>) offsets(%dma_start3A_1334 : memref<48xi32, #tpu.memory_space<vmem>>) semaphore(%arg17 : memref<!tpu.dma_semaphore, #tpu.memory_space<semaphore_mem>>)
        %mul3A_1338 = arith.constant 200 : i32
        %mul3A_1339 = arith.muli %sub3A_1304, %mul3A_1338 : i32
        %add3A_1340 = arith.constant 144 : i32
        %add3A_1341 = arith.addi %mul3A_1339, %add3A_1340 : i32
        %dma_start3A_1342 = arith.constant 144 : i32
        %dma_start3A_1343 = arith.constant 0 : i32
        %dma_start3A_1344 = tpu.memref_slice %arg9[%dma_start3A_1342, %dma_start3A_1343] : memref<200x128xf32, #tpu.memory_space<vmem>> -> memref<56x128xf32, #tpu.memory_space<vmem>>
        %dma_start3A_1345 = tpu.memref_slice %arg5[%add3A_1341] : memref<25600xi32, #tpu.memory_space<vmem>> -> memref<56xi32, #tpu.memory_space<vmem>>
        %dma_start3A_1346 = arith.constant 0 : i32
        %dma_start3A_1347 = arith.constant 0 : i32
        %dma_start3A_1348 = tpu.memref_slice %arg3[%dma_start3A_1346, %dma_start3A_1347] : memref<100000x128xf32, #tpu.memory_space<hbm>> -> memref<100000x128xf32, #tpu.memory_space<hbm>>
        tpu.enqueue_indirect_dma source(%dma_start3A_1348 : memref<100000x128xf32, #tpu.memory_space<hbm>>) target(%dma_start3A_1344 : memref<56x128xf32, #tpu.memory_space<vmem>>) offsets(%dma_start3A_1345 : memref<56xi32, #tpu.memory_space<vmem>>) semaphore(%arg17 : memref<!tpu.dma_semaphore, #tpu.memory_space<semaphore_mem>>)
      } else {
      }
      %broadcast_in_dim3A = arith.constant 0.000000e+00 : f32
      %broadcast_in_dim3A_169 = vector.broadcast %broadcast_in_dim3A : f32 to vector<16xf32>
      %mul3A_170 = arith.constant 200 : i32
      %mul3A_171 = arith.muli %add3A_156, %mul3A_170 : i32
      %add3A_172 = arith.constant 0 : i32
      %add3A_173 = arith.addi %mul3A_171, %add3A_172 : i32
      %get3A = arith.index_cast %add3A_173 : i32 to index
      %get3A_174 = tpu.vector_load %arg5[%get3A] {strides = array<i32>} : memref<25600xi32, #tpu.memory_space<vmem>>, vector<16xi32>,
      %ne3A = arith.constant 0 : i32
      %ne3A_175 = vector.broadcast %ne3A : i32 to vector<16xi32>
      %ne3A_176 = arith.cmpi ne, %get3A_174, %ne3A_175 : vector<16xi32>
      %jit3A = arith.constant 1.000000e+00 : f32
      %jit3A_177 = arith.constant 0.000000e+00 : f32
      %broadcast_in_dim3A_178 = vector.broadcast %jit3A : f32 to vector<16xf32>
      %broadcast_in_dim3A_179 = vector.broadcast %jit3A_177 : f32 to vector<16xf32>
      %select_n3A = arith.select %ne3A_176, %broadcast_in_dim3A_178, %broadcast_in_dim3A_179 : vector<16xi1>, vector<16xf32>
      %add3A_180 = arith.addf %broadcast_in_dim3A_169, %select_n3A : vector<16xf32>
      %mul3A_181 = arith.constant 200 : i32
      %mul3A_182 = arith.muli %add3A_156, %mul3A_181 : i32
      %add3A_183 = arith.constant 16 : i32
      %add3A_184 = arith.addi %mul3A_182, %add3A_183 : i32
      %get3A_185 = arith.index_cast %add3A_184 : i32 to index
      %get3A_186 = tpu.vector_load %arg5[%get3A_185] {strides = array<i32>} : memref<25600xi32, #tpu.memory_space<vmem>>, vector<16xi32>,
      %ne3A_187 = arith.constant 0 : i32
      %ne3A_188 = vector.broadcast %ne3A_187 : i32 to vector<16xi32>
      %ne3A_189 = arith.cmpi ne, %get3A_186, %ne3A_188 : vector<16xi32>
      %jit3A_190 = arith.constant 1.000000e+00 : f32
      %jit3A_191 = arith.constant 0.000000e+00 : f32
      %broadcast_in_dim3A_192 = vector.broadcast %jit3A_190 : f32 to vector<16xf32>
      %broadcast_in_dim3A_193 = vector.broadcast %jit3A_191 : f32 to vector<16xf32>
      %select_n3A_194 = arith.select %ne3A_189, %broadcast_in_dim3A_192, %broadcast_in_dim3A_193 : vector<16xi1>, vector<16xf32>
      %add3A_195 = arith.addf %add3A_180, %select_n3A_194 : vector<16xf32>
      %mul3A_196 = arith.constant 200 : i32
      %mul3A_197 = arith.muli %add3A_156, %mul3A_196 : i32
      %add3A_198 = arith.constant 32 : i32
      %add3A_199 = arith.addi %mul3A_197, %add3A_198 : i32
      %get3A_200 = arith.index_cast %add3A_199 : i32 to index
      %get3A_201 = tpu.vector_load %arg5[%get3A_200] {strides = array<i32>} : memref<25600xi32, #tpu.memory_space<vmem>>, vector<16xi32>,
      %ne3A_202 = arith.constant 0 : i32
      %ne3A_203 = vector.broadcast %ne3A_202 : i32 to vector<16xi32>
      %ne3A_204 = arith.cmpi ne, %get3A_201, %ne3A_203 : vector<16xi32>
      %jit3A_205 = arith.constant 1.000000e+00 : f32
      %jit3A_206 = arith.constant 0.000000e+00 : f32
      %broadcast_in_dim3A_207 = vector.broadcast %jit3A_205 : f32 to vector<16xf32>
      %broadcast_in_dim3A_208 = vector.broadcast %jit3A_206 : f32 to vector<16xf32>
      %select_n3A_209 = arith.select %ne3A_204, %broadcast_in_dim3A_207, %broadcast_in_dim3A_208 : vector<16xi1>, vector<16xf32>
      %add3A_210 = arith.addf %add3A_195, %select_n3A_209 : vector<16xf32>
      %mul3A_211 = arith.constant 200 : i32
      %mul3A_212 = arith.muli %add3A_156, %mul3A_211 : i32
      %add3A_213 = arith.constant 48 : i32
      %add3A_214 = arith.addi %mul3A_212, %add3A_213 : i32
      %get3A_215 = arith.index_cast %add3A_214 : i32 to index
      %get3A_216 = tpu.vector_load %arg5[%get3A_215] {strides = array<i32>} : memref<25600xi32, #tpu.memory_space<vmem>>, vector<16xi32>,
      %ne3A_217 = arith.constant 0 : i32
      %ne3A_218 = vector.broadcast %ne3A_217 : i32 to vector<16xi32>
      %ne3A_219 = arith.cmpi ne, %get3A_216, %ne3A_218 : vector<16xi32>
      %jit3A_220 = arith.constant 1.000000e+00 : f32
      %jit3A_221 = arith.constant 0.000000e+00 : f32
      %broadcast_in_dim3A_222 = vector.broadcast %jit3A_220 : f32 to vector<16xf32>
      %broadcast_in_dim3A_223 = vector.broadcast %jit3A_221 : f32 to vector<16xf32>
      %select_n3A_224 = arith.select %ne3A_219, %broadcast_in_dim3A_222, %broadcast_in_dim3A_223 : vector<16xi1>, vector<16xf32>
      %add3A_225 = arith.addf %add3A_210, %select_n3A_224 : vector<16xf32>
      %mul3A_226 = arith.constant 200 : i32
      %mul3A_227 = arith.muli %add3A_156, %mul3A_226 : i32
      %add3A_228 = arith.constant 64 : i32
      %add3A_229 = arith.addi %mul3A_227, %add3A_228 : i32
      %get3A_230 = arith.index_cast %add3A_229 : i32 to index
      %get3A_231 = tpu.vector_load %arg5[%get3A_230] {strides = array<i32>} : memref<25600xi32, #tpu.memory_space<vmem>>, vector<16xi32>,
      %ne3A_232 = arith.constant 0 : i32
      %ne3A_233 = vector.broadcast %ne3A_232 : i32 to vector<16xi32>
      %ne3A_234 = arith.cmpi ne, %get3A_231, %ne3A_233 : vector<16xi32>
      %jit3A_235 = arith.constant 1.000000e+00 : f32
      %jit3A_236 = arith.constant 0.000000e+00 : f32
      %broadcast_in_dim3A_237 = vector.broadcast %jit3A_235 : f32 to vector<16xf32>
      %broadcast_in_dim3A_238 = vector.broadcast %jit3A_236 : f32 to vector<16xf32>
      %select_n3A_239 = arith.select %ne3A_234, %broadcast_in_dim3A_237, %broadcast_in_dim3A_238 : vector<16xi1>, vector<16xf32>
      %add3A_240 = arith.addf %add3A_225, %select_n3A_239 : vector<16xf32>
      %mul3A_241 = arith.constant 200 : i32
      %mul3A_242 = arith.muli %add3A_156, %mul3A_241 : i32
      %add3A_243 = arith.constant 80 : i32
      %add3A_244 = arith.addi %mul3A_242, %add3A_243 : i32
      %get3A_245 = arith.index_cast %add3A_244 : i32 to index
      %get3A_246 = tpu.vector_load %arg5[%get3A_245] {strides = array<i32>} : memref<25600xi32, #tpu.memory_space<vmem>>, vector<16xi32>,
      %ne3A_247 = arith.constant 0 : i32
      %ne3A_248 = vector.broadcast %ne3A_247 : i32 to vector<16xi32>
      %ne3A_249 = arith.cmpi ne, %get3A_246, %ne3A_248 : vector<16xi32>
      %jit3A_250 = arith.constant 1.000000e+00 : f32
      %jit3A_251 = arith.constant 0.000000e+00 : f32
      %broadcast_in_dim3A_252 = vector.broadcast %jit3A_250 : f32 to vector<16xf32>
      %broadcast_in_dim3A_253 = vector.broadcast %jit3A_251 : f32 to vector<16xf32>
      %select_n3A_254 = arith.select %ne3A_249, %broadcast_in_dim3A_252, %broadcast_in_dim3A_253 : vector<16xi1>, vector<16xf32>
      %add3A_255 = arith.addf %add3A_240, %select_n3A_254 : vector<16xf32>
      %mul3A_256 = arith.constant 200 : i32
      %mul3A_257 = arith.muli %add3A_156, %mul3A_256 : i32
      %add3A_258 = arith.constant 96 : i32
      %add3A_259 = arith.addi %mul3A_257, %add3A_258 : i32
      %get3A_260 = arith.index_cast %add3A_259 : i32 to index
      %get3A_261 = tpu.vector_load %arg5[%get3A_260] {strides = array<i32>} : memref<25600xi32, #tpu.memory_space<vmem>>, vector<16xi32>,
      %ne3A_262 = arith.constant 0 : i32
      %ne3A_263 = vector.broadcast %ne3A_262 : i32 to vector<16xi32>
      %ne3A_264 = arith.cmpi ne, %get3A_261, %ne3A_263 : vector<16xi32>
      %jit3A_265 = arith.constant 1.000000e+00 : f32
      %jit3A_266 = arith.constant 0.000000e+00 : f32
      %broadcast_in_dim3A_267 = vector.broadcast %jit3A_265 : f32 to vector<16xf32>
      %broadcast_in_dim3A_268 = vector.broadcast %jit3A_266 : f32 to vector<16xf32>
      %select_n3A_269 = arith.select %ne3A_264, %broadcast_in_dim3A_267, %broadcast_in_dim3A_268 : vector<16xi1>, vector<16xf32>
      %add3A_270 = arith.addf %add3A_255, %select_n3A_269 : vector<16xf32>
      %mul3A_271 = arith.constant 200 : i32
      %mul3A_272 = arith.muli %add3A_156, %mul3A_271 : i32
      %add3A_273 = arith.constant 112 : i32
      %add3A_274 = arith.addi %mul3A_272, %add3A_273 : i32
      %get3A_275 = arith.index_cast %add3A_274 : i32 to index
      %get3A_276 = tpu.vector_load %arg5[%get3A_275] {strides = array<i32>} : memref<25600xi32, #tpu.memory_space<vmem>>, vector<16xi32>,
      %ne3A_277 = arith.constant 0 : i32
      %ne3A_278 = vector.broadcast %ne3A_277 : i32 to vector<16xi32>
      %ne3A_279 = arith.cmpi ne, %get3A_276, %ne3A_278 : vector<16xi32>
      %jit3A_280 = arith.constant 1.000000e+00 : f32
      %jit3A_281 = arith.constant 0.000000e+00 : f32
      %broadcast_in_dim3A_282 = vector.broadcast %jit3A_280 : f32 to vector<16xf32>
      %broadcast_in_dim3A_283 = vector.broadcast %jit3A_281 : f32 to vector<16xf32>
      %select_n3A_284 = arith.select %ne3A_279, %broadcast_in_dim3A_282, %broadcast_in_dim3A_283 : vector<16xi1>, vector<16xf32>
      %add3A_285 = arith.addf %add3A_270, %select_n3A_284 : vector<16xf32>
      %mul3A_286 = arith.constant 200 : i32
      %mul3A_287 = arith.muli %add3A_156, %mul3A_286 : i32
      %add3A_288 = arith.constant 128 : i32
      %add3A_289 = arith.addi %mul3A_287, %add3A_288 : i32
      %get3A_290 = arith.index_cast %add3A_289 : i32 to index
      %get3A_291 = tpu.vector_load %arg5[%get3A_290] {strides = array<i32>} : memref<25600xi32, #tpu.memory_space<vmem>>, vector<16xi32>,
      %ne3A_292 = arith.constant 0 : i32
      %ne3A_293 = vector.broadcast %ne3A_292 : i32 to vector<16xi32>
      %ne3A_294 = arith.cmpi ne, %get3A_291, %ne3A_293 : vector<16xi32>
      %jit3A_295 = arith.constant 1.000000e+00 : f32
      %jit3A_296 = arith.constant 0.000000e+00 : f32
      %broadcast_in_dim3A_297 = vector.broadcast %jit3A_295 : f32 to vector<16xf32>
      %broadcast_in_dim3A_298 = vector.broadcast %jit3A_296 : f32 to vector<16xf32>
      %select_n3A_299 = arith.select %ne3A_294, %broadcast_in_dim3A_297, %broadcast_in_dim3A_298 : vector<16xi1>, vector<16xf32>
      %add3A_300 = arith.addf %add3A_285, %select_n3A_299 : vector<16xf32>
      %mul3A_301 = arith.constant 200 : i32
      %mul3A_302 = arith.muli %add3A_156, %mul3A_301 : i32
      %add3A_303 = arith.constant 144 : i32
      %add3A_304 = arith.addi %mul3A_302, %add3A_303 : i32
      %get3A_305 = arith.index_cast %add3A_304 : i32 to index
      %get3A_306 = tpu.vector_load %arg5[%get3A_305] {strides = array<i32>} : memref<25600xi32, #tpu.memory_space<vmem>>, vector<16xi32>,
      %ne3A_307 = arith.constant 0 : i32
      %ne3A_308 = vector.broadcast %ne3A_307 : i32 to vector<16xi32>
      %ne3A_309 = arith.cmpi ne, %get3A_306, %ne3A_308 : vector<16xi32>
      %jit3A_310 = arith.constant 1.000000e+00 : f32
      %jit3A_311 = arith.constant 0.000000e+00 : f32
      %broadcast_in_dim3A_312 = vector.broadcast %jit3A_310 : f32 to vector<16xf32>
      %broadcast_in_dim3A_313 = vector.broadcast %jit3A_311 : f32 to vector<16xf32>
      %select_n3A_314 = arith.select %ne3A_309, %broadcast_in_dim3A_312, %broadcast_in_dim3A_313 : vector<16xi1>, vector<16xf32>
      %add3A_315 = arith.addf %add3A_300, %select_n3A_314 : vector<16xf32>
      %mul3A_316 = arith.constant 200 : i32
      %mul3A_317 = arith.muli %add3A_156, %mul3A_316 : i32
      %add3A_318 = arith.constant 160 : i32
      %add3A_319 = arith.addi %mul3A_317, %add3A_318 : i32
      %get3A_320 = arith.index_cast %add3A_319 : i32 to index
      %get3A_321 = tpu.vector_load %arg5[%get3A_320] {strides = array<i32>} : memref<25600xi32, #tpu.memory_space<vmem>>, vector<16xi32>,
      %ne3A_322 = arith.constant 0 : i32
      %ne3A_323 = vector.broadcast %ne3A_322 : i32 to vector<16xi32>
      %ne3A_324 = arith.cmpi ne, %get3A_321, %ne3A_323 : vector<16xi32>
      %jit3A_325 = arith.constant 1.000000e+00 : f32
      %jit3A_326 = arith.constant 0.000000e+00 : f32
      %broadcast_in_dim3A_327 = vector.broadcast %jit3A_325 : f32 to vector<16xf32>
      %broadcast_in_dim3A_328 = vector.broadcast %jit3A_326 : f32 to vector<16xf32>
      %select_n3A_329 = arith.select %ne3A_324, %broadcast_in_dim3A_327, %broadcast_in_dim3A_328 : vector<16xi1>, vector<16xf32>
      %add3A_330 = arith.addf %add3A_315, %select_n3A_329 : vector<16xf32>
      %mul3A_331 = arith.constant 200 : i32
      %mul3A_332 = arith.muli %add3A_156, %mul3A_331 : i32
      %add3A_333 = arith.constant 176 : i32
      %add3A_334 = arith.addi %mul3A_332, %add3A_333 : i32
      %get3A_335 = arith.index_cast %add3A_334 : i32 to index
      %get3A_336 = tpu.vector_load %arg5[%get3A_335] {strides = array<i32>} : memref<25600xi32, #tpu.memory_space<vmem>>, vector<16xi32>,
      %ne3A_337 = arith.constant 0 : i32
      %ne3A_338 = vector.broadcast %ne3A_337 : i32 to vector<16xi32>
      %ne3A_339 = arith.cmpi ne, %get3A_336, %ne3A_338 : vector<16xi32>
      %jit3A_340 = arith.constant 1.000000e+00 : f32
      %jit3A_341 = arith.constant 0.000000e+00 : f32
      %broadcast_in_dim3A_342 = vector.broadcast %jit3A_340 : f32 to vector<16xf32>
      %broadcast_in_dim3A_343 = vector.broadcast %jit3A_341 : f32 to vector<16xf32>
      %select_n3A_344 = arith.select %ne3A_339, %broadcast_in_dim3A_342, %broadcast_in_dim3A_343 : vector<16xi1>, vector<16xf32>
      %add3A_345 = arith.addf %add3A_330, %select_n3A_344 : vector<16xf32>
      %mul3A_346 = arith.constant 200 : i32
      %mul3A_347 = arith.muli %add3A_156, %mul3A_346 : i32
      %add3A_348 = arith.constant 200 : i32
      %add3A_349 = arith.addi %mul3A_347, %add3A_348 : i32
      %sub3A_350 = arith.constant 16 : i32
      %sub3A_351 = arith.subi %add3A_349, %sub3A_350 : i32
      %get3A_352 = arith.index_cast %sub3A_351 : i32 to index
      %get3A_353 = tpu.vector_load %arg5[%get3A_352] {strides = array<i32>} : memref<25600xi32, #tpu.memory_space<vmem>>, vector<16xi32>,
      %iota3A = tpu.iota {dimensions = array<i32: 0>} : vector<16xi32>
      %ne3A_354 = arith.constant 0 : i32
      %ne3A_355 = vector.broadcast %ne3A_354 : i32 to vector<16xi32>
      %ne3A_356 = arith.cmpi ne, %get3A_353, %ne3A_355 : vector<16xi32>
      %ge3A = arith.constant 8 : i32
      %ge3A_357 = vector.broadcast %ge3A : i32 to vector<16xi32>
      %ge3A_358 = arith.cmpi sge, %iota3A, %ge3A_357 : vector<16xi32>
      %and3A = arith.andi %ne3A_356, %ge3A_358 : vector<16xi1>
      %jit3A_359 = arith.constant 1.000000e+00 : f32
      %jit3A_360 = arith.constant 0.000000e+00 : f32
      %broadcast_in_dim3A_361 = vector.broadcast %jit3A_359 : f32 to vector<16xf32>
      %broadcast_in_dim3A_362 = vector.broadcast %jit3A_360 : f32 to vector<16xf32>
      %select_n3A_363 = arith.select %and3A, %broadcast_in_dim3A_361, %broadcast_in_dim3A_362 : vector<16xi1>, vector<16xf32>
      %add3A_364 = arith.addf %add3A_345, %select_n3A_363 : vector<16xf32>
      %reduce_sum3A = arith.constant true
      %reduce_sum3A_365 = vector.broadcast %reduce_sum3A : i1 to vector<16xi1>
      %reduce_sum3A_366 = tpu.scan <sum>, %add3A_364 masked %reduce_sum3A_365 : vector<16xf32>, vector<16xi1> -> vector<16xf32>
      %reduce_sum3A_367 = vector.extract %reduce_sum3A_366[15] : f32 from vector<16xf32>
      %broadcast_in_dim3A_368 = vector.broadcast %reduce_sum3A_367 : f32 to vector<16xf32>
      %add3A_369 = arith.constant 9.99999974E-6 : f32
      %add3A_370 = vector.broadcast %add3A_369 : f32 to vector<16xf32>
      %add3A_371 = arith.addf %broadcast_in_dim3A_368, %add3A_370 : vector<16xf32>
      %div3A = arith.constant 1.000000e+00 : f32
      %div3A_372 = vector.broadcast %div3A : f32 to vector<16xf32>
      %div3A_373 = arith.divf %div3A_372, %add3A_371 : vector<16xf32>
      %ge3A_374 = arith.constant 4 : i32
      %ge3A_375 = arith.cmpi sge, %add3A_156, %ge3A_374 : i32
      %convert_element_type3A_376 = arith.extui %ge3A_375 : i1 to i32
      %cond3A_377 = arith.constant 0 : i32
      %cond3A_378 = arith.cmpi ne, %convert_element_type3A_376, %cond3A_377 : i32
      scf.if %cond3A_378 {
        %add3A_1301 = arith.addi %mul3A_2, %add3A_156 : i32
        %sub3A_1302 = arith.constant 4 : i32
        %sub3A_1303 = arith.subi %add3A_1301, %sub3A_1302 : i32
        %dma_wait3A_1304 = arith.constant 0 : i32
        %dma_wait3A_1305 = tpu.memref_slice %arg4[%sub3A_1303, %dma_wait3A_1304] : memref<4096x128xf32, #tpu.memory_space<hbm>> -> memref<1x128xf32, #tpu.memory_space<hbm>>
        %dma_wait3A_1306 = tpu.memref_squeeze %dma_wait3A_1305 : memref<1x128xf32, #tpu.memory_space<hbm>> -> memref<128xf32, #tpu.memory_space<hbm>>
        %dma_wait3A_1307 = arith.constant 0 : i32
        %dma_wait3A_1308 = tpu.memref_slice %arg4[%sub3A_1303, %dma_wait3A_1307] : memref<4096x128xf32, #tpu.memory_space<hbm>> -> memref<1x128xf32, #tpu.memory_space<hbm>>
        %dma_wait3A_1309 = tpu.memref_squeeze %dma_wait3A_1308 : memref<1x128xf32, #tpu.memory_space<hbm>> -> memref<128xf32, #tpu.memory_space<hbm>>
        tpu.wait_dma2 semaphore(%arg18 : memref<!tpu.dma_semaphore, #tpu.memory_space<semaphore_mem>>) src(%arg10 : memref<128xf32, #tpu.memory_space<vmem>>) dst(%dma_wait3A_1309 : memref<128xf32, #tpu.memory_space<hbm>>)
      } else {
      }
      %broadcast_in_dim3A_379 = arith.constant 0.000000e+00 : f32
      %broadcast_in_dim3A_380 = vector.broadcast %broadcast_in_dim3A_379 : f32 to vector<16xf32>
      %broadcast_in_dim3A_381 = arith.constant 0.000000e+00 : f32
      %broadcast_in_dim3A_382 = vector.broadcast %broadcast_in_dim3A_381 : f32 to vector<16xf32>
      %broadcast_in_dim3A_383 = arith.constant 0.000000e+00 : f32
      %broadcast_in_dim3A_384 = vector.broadcast %broadcast_in_dim3A_383 : f32 to vector<16xf32>
      %broadcast_in_dim3A_385 = arith.constant 0.000000e+00 : f32
      %broadcast_in_dim3A_386 = vector.broadcast %broadcast_in_dim3A_385 : f32 to vector<16xf32>
      %broadcast_in_dim3A_387 = arith.constant 0.000000e+00 : f32
      %broadcast_in_dim3A_388 = vector.broadcast %broadcast_in_dim3A_387 : f32 to vector<16xf32>
      %broadcast_in_dim3A_389 = arith.constant 0.000000e+00 : f32
      %broadcast_in_dim3A_390 = vector.broadcast %broadcast_in_dim3A_389 : f32 to vector<16xf32>
      %broadcast_in_dim3A_391 = arith.constant 0.000000e+00 : f32
      %broadcast_in_dim3A_392 = vector.broadcast %broadcast_in_dim3A_391 : f32 to vector<16xf32>
      %broadcast_in_dim3A_393 = arith.constant 0.000000e+00 : f32
      %broadcast_in_dim3A_394 = vector.broadcast %broadcast_in_dim3A_393 : f32 to vector<16xf32>
      %scan3A_395 = arith.constant 0 : i32
      %scan3A_396 = arith.constant 200 : i32
      %scan3A_397 = arith.addi %scan3A_395, %scan3A_396 : i32
      %scan3A_398 = arith.constant 2 : i32
      %scan3A_399:8 = scf.for %scan3A_1301 = %scan3A_395 to %scan3A_397 step %scan3A_398 iter_args(%scan3A_1302 = %broadcast_in_dim3A_380, %scan3A_1303 = %broadcast_in_dim3A_382, %scan3A_1304 = %broadcast_in_dim3A_384, %scan3A_1305 = %broadcast_in_dim3A_386, %scan3A_1306 = %broadcast_in_dim3A_388, %scan3A_1307 = %broadcast_in_dim3A_390, %scan3A_1308 = %broadcast_in_dim3A_392, %scan3A_1309 = %broadcast_in_dim3A_394) -> (vector<16xf32>, vector<16xf32>, vector<16xf32>, vector<16xf32>, vector<16xf32>, vector<16xf32>, vector<16xf32>, vector<16xf32>)  : i32 {
        %mul3A_1310 = arith.constant 1 : i32
        %mul3A_1311 = arith.muli %scan3A_1301, %mul3A_1310 : i32
        %add3A_1312 = arith.constant 0 : i32
        %add3A_1313 = arith.addi %add3A_1312, %mul3A_1311 : i32
        %get3A_1314 = arith.index_cast %add3A_1313 : i32 to index
        %get3A_1315 = arith.constant 0 : index
        %get3A_1316 = tpu.vector_load %arg6[%get3A_1314, %get3A_1315] {strides = array<i32>} : memref<200x128xf32, #tpu.memory_space<vmem>>, vector<16xf32>,
        %add3A_1317 = arith.addf %scan3A_1302, %get3A_1316 : vector<16xf32>
        %get3A_1318 = arith.index_cast %add3A_1313 : i32 to index
        %get3A_1319 = arith.constant 16 : index
        %get3A_1320 = tpu.vector_load %arg6[%get3A_1318, %get3A_1319] {strides = array<i32>} : memref<200x128xf32, #tpu.memory_space<vmem>>, vector<16xf32>,
        %add3A_1321 = arith.addf %scan3A_1303, %get3A_1320 : vector<16xf32>
        %get3A_1322 = arith.index_cast %add3A_1313 : i32 to index
        %get3A_1323 = arith.constant 32 : index
        %get3A_1324 = tpu.vector_load %arg6[%get3A_1322, %get3A_1323] {strides = array<i32>} : memref<200x128xf32, #tpu.memory_space<vmem>>, vector<16xf32>,
        %add3A_1325 = arith.addf %scan3A_1304, %get3A_1324 : vector<16xf32>
        %get3A_1326 = arith.index_cast %add3A_1313 : i32 to index
        %get3A_1327 = arith.constant 48 : index
        %get3A_1328 = tpu.vector_load %arg6[%get3A_1326, %get3A_1327] {strides = array<i32>} : memref<200x128xf32, #tpu.memory_space<vmem>>, vector<16xf32>,
        %add3A_1329 = arith.addf %scan3A_1305, %get3A_1328 : vector<16xf32>
        %get3A_1330 = arith.index_cast %add3A_1313 : i32 to index
        %get3A_1331 = arith.constant 64 : index
        %get3A_1332 = tpu.vector_load %arg6[%get3A_1330, %get3A_1331] {strides = array<i32>} : memref<200x128xf32, #tpu.memory_space<vmem>>, vector<16xf32>,
        %add3A_1333 = arith.addf %scan3A_1306, %get3A_1332 : vector<16xf32>
        %get3A_1334 = arith.index_cast %add3A_1313 : i32 to index
        %get3A_1335 = arith.constant 80 : index
        %get3A_1336 = tpu.vector_load %arg6[%get3A_1334, %get3A_1335] {strides = array<i32>} : memref<200x128xf32, #tpu.memory_space<vmem>>, vector<16xf32>,
        %add3A_1337 = arith.addf %scan3A_1307, %get3A_1336 : vector<16xf32>
        %get3A_1338 = arith.index_cast %add3A_1313 : i32 to index
        %get3A_1339 = arith.constant 96 : index
        %get3A_1340 = tpu.vector_load %arg6[%get3A_1338, %get3A_1339] {strides = array<i32>} : memref<200x128xf32, #tpu.memory_space<vmem>>, vector<16xf32>,
        %add3A_1341 = arith.addf %scan3A_1308, %get3A_1340 : vector<16xf32>
        %get3A_1342 = arith.index_cast %add3A_1313 : i32 to index
        %get3A_1343 = arith.constant 112 : index
        %get3A_1344 = tpu.vector_load %arg6[%get3A_1342, %get3A_1343] {strides = array<i32>} : memref<200x128xf32, #tpu.memory_space<vmem>>, vector<16xf32>,
        %add3A_1345 = arith.addf %scan3A_1309, %get3A_1344 : vector<16xf32>
        %scan3A_1346 = arith.constant 1 : i32
        %scan3A_1347 = arith.addi %scan3A_1301, %scan3A_1346 : i32
        %mul3A_1348 = arith.constant 1 : i32
        %mul3A_1349 = arith.muli %scan3A_1347, %mul3A_1348 : i32
        %add3A_1350 = arith.constant 0 : i32
        %add3A_1351 = arith.addi %add3A_1350, %mul3A_1349 : i32
        %get3A_1352 = arith.index_cast %add3A_1351 : i32 to index
        %get3A_1353 = arith.constant 0 : index
        %get3A_1354 = tpu.vector_load %arg6[%get3A_1352, %get3A_1353] {strides = array<i32>} : memref<200x128xf32, #tpu.memory_space<vmem>>, vector<16xf32>,
        %add3A_1355 = arith.addf %add3A_1317, %get3A_1354 : vector<16xf32>
        %get3A_1356 = arith.index_cast %add3A_1351 : i32 to index
        %get3A_1357 = arith.constant 16 : index
        %get3A_1358 = tpu.vector_load %arg6[%get3A_1356, %get3A_1357] {strides = array<i32>} : memref<200x128xf32, #tpu.memory_space<vmem>>, vector<16xf32>,
        %add3A_1359 = arith.addf %add3A_1321, %get3A_1358 : vector<16xf32>
        %get3A_1360 = arith.index_cast %add3A_1351 : i32 to index
        %get3A_1361 = arith.constant 32 : index
        %get3A_1362 = tpu.vector_load %arg6[%get3A_1360, %get3A_1361] {strides = array<i32>} : memref<200x128xf32, #tpu.memory_space<vmem>>, vector<16xf32>,
        %add3A_1363 = arith.addf %add3A_1325, %get3A_1362 : vector<16xf32>
        %get3A_1364 = arith.index_cast %add3A_1351 : i32 to index
        %get3A_1365 = arith.constant 48 : index
        %get3A_1366 = tpu.vector_load %arg6[%get3A_1364, %get3A_1365] {strides = array<i32>} : memref<200x128xf32, #tpu.memory_space<vmem>>, vector<16xf32>,
        %add3A_1367 = arith.addf %add3A_1329, %get3A_1366 : vector<16xf32>
        %get3A_1368 = arith.index_cast %add3A_1351 : i32 to index
        %get3A_1369 = arith.constant 64 : index
        %get3A_1370 = tpu.vector_load %arg6[%get3A_1368, %get3A_1369] {strides = array<i32>} : memref<200x128xf32, #tpu.memory_space<vmem>>, vector<16xf32>,
        %add3A_1371 = arith.addf %add3A_1333, %get3A_1370 : vector<16xf32>
        %get3A_1372 = arith.index_cast %add3A_1351 : i32 to index
        %get3A_1373 = arith.constant 80 : index
        %get3A_1374 = tpu.vector_load %arg6[%get3A_1372, %get3A_1373] {strides = array<i32>} : memref<200x128xf32, #tpu.memory_space<vmem>>, vector<16xf32>,
        %add3A_1375 = arith.addf %add3A_1337, %get3A_1374 : vector<16xf32>
        %get3A_1376 = arith.index_cast %add3A_1351 : i32 to index
        %get3A_1377 = arith.constant 96 : index
        %get3A_1378 = tpu.vector_load %arg6[%get3A_1376, %get3A_1377] {strides = array<i32>} : memref<200x128xf32, #tpu.memory_space<vmem>>, vector<16xf32>,
        %add3A_1379 = arith.addf %add3A_1341, %get3A_1378 : vector<16xf32>
        %get3A_1380 = arith.index_cast %add3A_1351 : i32 to index
        %get3A_1381 = arith.constant 112 : index
        %get3A_1382 = tpu.vector_load %arg6[%get3A_1380, %get3A_1381] {strides = array<i32>} : memref<200x128xf32, #tpu.memory_space<vmem>>, vector<16xf32>,
        %add3A_1383 = arith.addf %add3A_1345, %get3A_1382 : vector<16xf32>
        scf.yield %add3A_1355, %add3A_1359, %add3A_1363, %add3A_1367, %add3A_1371, %add3A_1375, %add3A_1379, %add3A_1383 : vector<16xf32>, vector<16xf32>, vector<16xf32>, vector<16xf32>, vector<16xf32>, vector<16xf32>, vector<16xf32>, vector<16xf32>
      }
      %scan3A_400 = arith.constant 200 : i32
      %mul3A_401 = arith.mulf %scan3A_399#0, %div3A_373 : vector<16xf32>
      %swap3A = arith.constant 0 : index
      %swap3A_402 = tpu.vector_load %arg10[%swap3A] {strides = array<i32>} : memref<128xf32, #tpu.memory_space<vmem>>, vector<16xf32>,
      tpu.vector_store %arg10[%swap3A], %mul3A_401 {strides = array<i32>} : memref<128xf32, #tpu.memory_space<vmem>>, vector<16xf32>,
      %mul3A_403 = arith.mulf %scan3A_399#1, %div3A_373 : vector<16xf32>
      %swap3A_404 = arith.constant 16 : index
      %swap3A_405 = tpu.vector_load %arg10[%swap3A_404] {strides = array<i32>} : memref<128xf32, #tpu.memory_space<vmem>>, vector<16xf32>,
      tpu.vector_store %arg10[%swap3A_404], %mul3A_403 {strides = array<i32>} : memref<128xf32, #tpu.memory_space<vmem>>, vector<16xf32>,
      %mul3A_406 = arith.mulf %scan3A_399#2, %div3A_373 : vector<16xf32>
      %swap3A_407 = arith.constant 32 : index
      %swap3A_408 = tpu.vector_load %arg10[%swap3A_407] {strides = array<i32>} : memref<128xf32, #tpu.memory_space<vmem>>, vector<16xf32>,
      tpu.vector_store %arg10[%swap3A_407], %mul3A_406 {strides = array<i32>} : memref<128xf32, #tpu.memory_space<vmem>>, vector<16xf32>,
      %mul3A_409 = arith.mulf %scan3A_399#3, %div3A_373 : vector<16xf32>
      %swap3A_410 = arith.constant 48 : index
      %swap3A_411 = tpu.vector_load %arg10[%swap3A_410] {strides = array<i32>} : memref<128xf32, #tpu.memory_space<vmem>>, vector<16xf32>,
      tpu.vector_store %arg10[%swap3A_410], %mul3A_409 {strides = array<i32>} : memref<128xf32, #tpu.memory_space<vmem>>, vector<16xf32>,
      %mul3A_412 = arith.mulf %scan3A_399#4, %div3A_373 : vector<16xf32>
      %swap3A_413 = arith.constant 64 : index
      %swap3A_414 = tpu.vector_load %arg10[%swap3A_413] {strides = array<i32>} : memref<128xf32, #tpu.memory_space<vmem>>, vector<16xf32>,
      tpu.vector_store %arg10[%swap3A_413], %mul3A_412 {strides = array<i32>} : memref<128xf32, #tpu.memory_space<vmem>>, vector<16xf32>,
      %mul3A_415 = arith.mulf %scan3A_399#5, %div3A_373 : vector<16xf32>
      %swap3A_416 = arith.constant 80 : index
      %swap3A_417 = tpu.vector_load %arg10[%swap3A_416] {strides = array<i32>} : memref<128xf32, #tpu.memory_space<vmem>>, vector<16xf32>,
      tpu.vector_store %arg10[%swap3A_416], %mul3A_415 {strides = array<i32>} : memref<128xf32, #tpu.memory_space<vmem>>, vector<16xf32>,
      %mul3A_418 = arith.mulf %scan3A_399#6, %div3A_373 : vector<16xf32>
      %swap3A_419 = arith.constant 96 : index
      %swap3A_420 = tpu.vector_load %arg10[%swap3A_419] {strides = array<i32>} : memref<128xf32, #tpu.memory_space<vmem>>, vector<16xf32>,
      tpu.vector_store %arg10[%swap3A_419], %mul3A_418 {strides = array<i32>} : memref<128xf32, #tpu.memory_space<vmem>>, vector<16xf32>,
      %mul3A_421 = arith.mulf %scan3A_399#7, %div3A_373 : vector<16xf32>
      %swap3A_422 = arith.constant 112 : index
      %swap3A_423 = tpu.vector_load %arg10[%swap3A_422] {strides = array<i32>} : memref<128xf32, #tpu.memory_space<vmem>>, vector<16xf32>,
      tpu.vector_store %arg10[%swap3A_422], %mul3A_421 {strides = array<i32>} : memref<128xf32, #tpu.memory_space<vmem>>, vector<16xf32>,
      %add3A_424 = arith.addi %mul3A_2, %add3A_156 : i32
      %dma_start3A_425 = arith.constant 0 : i32
      %dma_start3A_426 = tpu.memref_slice %arg4[%add3A_424, %dma_start3A_425] : memref<4096x128xf32, #tpu.memory_space<hbm>> -> memref<1x128xf32, #tpu.memory_space<hbm>>
      %dma_start3A_427 = tpu.memref_squeeze %dma_start3A_426 : memref<1x128xf32, #tpu.memory_space<hbm>> -> memref<128xf32, #tpu.memory_space<hbm>>
      %dma_start3A_428 = arith.constant 0 : i32
      %dma_start3A_429 = tpu.memref_slice %arg4[%add3A_424, %dma_start3A_428] : memref<4096x128xf32, #tpu.memory_space<hbm>> -> memref<1x128xf32, #tpu.memory_space<hbm>>
      %dma_start3A_430 = tpu.memref_squeeze %dma_start3A_429 : memref<1x128xf32, #tpu.memory_space<hbm>> -> memref<128xf32, #tpu.memory_space<hbm>>
      tpu.enqueue_dma source(%arg10 : memref<128xf32, #tpu.memory_space<vmem>>) target(%dma_start3A_430 : memref<128xf32, #tpu.memory_space<hbm>>) target_semaphore(%arg18 : memref<!tpu.dma_semaphore, #tpu.memory_space<semaphore_mem>>)
      %add3A_431 = arith.constant 1 : i32
      %add3A_432 = arith.addi %add3A_154, %add3A_431 : i32
      %dma_wait3A_433 = arith.constant 0 : i32
      %dma_wait3A_434 = arith.constant 0 : i32
      %dma_wait3A_435 = tpu.memref_slice %arg3[%dma_wait3A_433, %dma_wait3A_434] : memref<100000x128xf32, #tpu.memory_space<hbm>> -> memref<200x128xf32, #tpu.memory_space<hbm>>
      %dma_wait3A_436 = arith.constant 0 : i32
      %dma_wait3A_437 = arith.constant 0 : i32
      %dma_wait3A_438 = tpu.memref_slice %arg3[%dma_wait3A_436, %dma_wait3A_437] : memref<100000x128xf32, #tpu.memory_space<hbm>> -> memref<200x128xf32, #tpu.memory_space<hbm>>
      tpu.wait_dma2 semaphore(%arg15 : memref<!tpu.dma_semaphore, #tpu.memory_space<semaphore_mem>>) src(%dma_wait3A_438 : memref<200x128xf32, #tpu.memory_space<hbm>>) dst(%arg7 : memref<200x128xf32, #tpu.memory_space<vmem>>)
      %add3A_439 = arith.constant 4 : i32
      %add3A_440 = arith.addi %add3A_432, %add3A_439 : i32
      %sub3A_441 = arith.constant 1 : i32
      %sub3A_442 = arith.subi %add3A_440, %sub3A_441 : i32
      %lt3A_443 = arith.constant 128 : i32
      %lt3A_444 = arith.cmpi slt, %sub3A_442, %lt3A_443 : i32
      %convert_element_type3A_445 = arith.extui %lt3A_444 : i1 to i32
      %cond3A_446 = arith.constant 0 : i32
      %cond3A_447 = arith.cmpi ne, %convert_element_type3A_445, %cond3A_446 : i32
      scf.if %cond3A_447 {
        %add3A_1301 = arith.constant 4 : i32
        %add3A_1302 = arith.addi %add3A_432, %add3A_1301 : i32
        %sub3A_1303 = arith.constant 1 : i32
        %sub3A_1304 = arith.subi %add3A_1302, %sub3A_1303 : i32
        %mul3A_1305 = arith.constant 200 : i32
        %mul3A_1306 = arith.muli %sub3A_1304, %mul3A_1305 : i32
        %add3A_1307 = arith.constant 0 : i32
        %add3A_1308 = arith.addi %mul3A_1306, %add3A_1307 : i32
        %dma_start3A_1309 = arith.constant 0 : i32
        %dma_start3A_1310 = arith.constant 0 : i32
        %dma_start3A_1311 = tpu.memref_slice %arg6[%dma_start3A_1309, %dma_start3A_1310] : memref<200x128xf32, #tpu.memory_space<vmem>> -> memref<48x128xf32, #tpu.memory_space<vmem>>
        %dma_start3A_1312 = tpu.memref_slice %arg5[%add3A_1308] : memref<25600xi32, #tpu.memory_space<vmem>> -> memref<48xi32, #tpu.memory_space<vmem>>
        %dma_start3A_1313 = arith.constant 0 : i32
        %dma_start3A_1314 = arith.constant 0 : i32
        %dma_start3A_1315 = tpu.memref_slice %arg3[%dma_start3A_1313, %dma_start3A_1314] : memref<100000x128xf32, #tpu.memory_space<hbm>> -> memref<100000x128xf32, #tpu.memory_space<hbm>>
        tpu.enqueue_indirect_dma source(%dma_start3A_1315 : memref<100000x128xf32, #tpu.memory_space<hbm>>) target(%dma_start3A_1311 : memref<48x128xf32, #tpu.memory_space<vmem>>) offsets(%dma_start3A_1312 : memref<48xi32, #tpu.memory_space<vmem>>) semaphore(%arg14 : memref<!tpu.dma_semaphore, #tpu.memory_space<semaphore_mem>>)
        %mul3A_1316 = arith.constant 200 : i32
        %mul3A_1317 = arith.muli %sub3A_1304, %mul3A_1316 : i32
        %add3A_1318 = arith.constant 48 : i32
        %add3A_1319 = arith.addi %mul3A_1317, %add3A_1318 : i32
        %dma_start3A_1320 = arith.constant 48 : i32
        %dma_start3A_1321 = arith.constant 0 : i32
        %dma_start3A_1322 = tpu.memref_slice %arg6[%dma_start3A_1320, %dma_start3A_1321] : memref<200x128xf32, #tpu.memory_space<vmem>> -> memref<48x128xf32, #tpu.memory_space<vmem>>
        %dma_start3A_1323 = tpu.memref_slice %arg5[%add3A_1319] : memref<25600xi32, #tpu.memory_space<vmem>> -> memref<48xi32, #tpu.memory_space<vmem>>
        %dma_start3A_1324 = arith.constant 0 : i32
        %dma_start3A_1325 = arith.constant 0 : i32
        %dma_start3A_1326 = tpu.memref_slice %arg3[%dma_start3A_1324, %dma_start3A_1325] : memref<100000x128xf32, #tpu.memory_space<hbm>> -> memref<100000x128xf32, #tpu.memory_space<hbm>>
        tpu.enqueue_indirect_dma source(%dma_start3A_1326 : memref<100000x128xf32, #tpu.memory_space<hbm>>) target(%dma_start3A_1322 : memref<48x128xf32, #tpu.memory_space<vmem>>) offsets(%dma_start3A_1323 : memref<48xi32, #tpu.memory_space<vmem>>) semaphore(%arg14 : memref<!tpu.dma_semaphore, #tpu.memory_space<semaphore_mem>>)
        %mul3A_1327 = arith.constant 200 : i32
        %mul3A_1328 = arith.muli %sub3A_1304, %mul3A_1327 : i32
        %add3A_1329 = arith.constant 96 : i32
        %add3A_1330 = arith.addi %mul3A_1328, %add3A_1329 : i32
        %dma_start3A_1331 = arith.constant 96 : i32
        %dma_start3A_1332 = arith.constant 0 : i32
        %dma_start3A_1333 = tpu.memref_slice %arg6[%dma_start3A_1331, %dma_start3A_1332] : memref<200x128xf32, #tpu.memory_space<vmem>> -> memref<48x128xf32, #tpu.memory_space<vmem>>
        %dma_start3A_1334 = tpu.memref_slice %arg5[%add3A_1330] : memref<25600xi32, #tpu.memory_space<vmem>> -> memref<48xi32, #tpu.memory_space<vmem>>
        %dma_start3A_1335 = arith.constant 0 : i32
        %dma_start3A_1336 = arith.constant 0 : i32
        %dma_start3A_1337 = tpu.memref_slice %arg3[%dma_start3A_1335, %dma_start3A_1336] : memref<100000x128xf32, #tpu.memory_space<hbm>> -> memref<100000x128xf32, #tpu.memory_space<hbm>>
        tpu.enqueue_indirect_dma source(%dma_start3A_1337 : memref<100000x128xf32, #tpu.memory_space<hbm>>) target(%dma_start3A_1333 : memref<48x128xf32, #tpu.memory_space<vmem>>) offsets(%dma_start3A_1334 : memref<48xi32, #tpu.memory_space<vmem>>) semaphore(%arg14 : memref<!tpu.dma_semaphore, #tpu.memory_space<semaphore_mem>>)
        %mul3A_1338 = arith.constant 200 : i32
        %mul3A_1339 = arith.muli %sub3A_1304, %mul3A_1338 : i32
        %add3A_1340 = arith.constant 144 : i32
        %add3A_1341 = arith.addi %mul3A_1339, %add3A_1340 : i32
        %dma_start3A_1342 = arith.constant 144 : i32
        %dma_start3A_1343 = arith.constant 0 : i32
        %dma_start3A_1344 = tpu.memref_slice %arg6[%dma_start3A_1342, %dma_start3A_1343] : memref<200x128xf32, #tpu.memory_space<vmem>> -> memref<56x128xf32, #tpu.memory_space<vmem>>
        %dma_start3A_1345 = tpu.memref_slice %arg5[%add3A_1341] : memref<25600xi32, #tpu.memory_space<vmem>> -> memref<56xi32, #tpu.memory_space<vmem>>
        %dma_start3A_1346 = arith.constant 0 : i32
        %dma_start3A_1347 = arith.constant 0 : i32
        %dma_start3A_1348 = tpu.memref_slice %arg3[%dma_start3A_1346, %dma_start3A_1347] : memref<100000x128xf32, #tpu.memory_space<hbm>> -> memref<100000x128xf32, #tpu.memory_space<hbm>>
        tpu.enqueue_indirect_dma source(%dma_start3A_1348 : memref<100000x128xf32, #tpu.memory_space<hbm>>) target(%dma_start3A_1344 : memref<56x128xf32, #tpu.memory_space<vmem>>) offsets(%dma_start3A_1345 : memref<56xi32, #tpu.memory_space<vmem>>) semaphore(%arg14 : memref<!tpu.dma_semaphore, #tpu.memory_space<semaphore_mem>>)
      } else {
      }
      %broadcast_in_dim3A_448 = arith.constant 0.000000e+00 : f32
      %broadcast_in_dim3A_449 = vector.broadcast %broadcast_in_dim3A_448 : f32 to vector<16xf32>
      %mul3A_450 = arith.constant 200 : i32
      %mul3A_451 = arith.muli %add3A_432, %mul3A_450 : i32
      %add3A_452 = arith.constant 0 : i32
      %add3A_453 = arith.addi %mul3A_451, %add3A_452 : i32
      %get3A_454 = arith.index_cast %add3A_453 : i32 to index
      %get3A_455 = tpu.vector_load %arg5[%get3A_454] {strides = array<i32>} : memref<25600xi32, #tpu.memory_space<vmem>>, vector<16xi32>,
      %ne3A_456 = arith.constant 0 : i32
      %ne3A_457 = vector.broadcast %ne3A_456 : i32 to vector<16xi32>
      %ne3A_458 = arith.cmpi ne, %get3A_455, %ne3A_457 : vector<16xi32>
      %jit3A_459 = arith.constant 1.000000e+00 : f32
      %jit3A_460 = arith.constant 0.000000e+00 : f32
      %broadcast_in_dim3A_461 = vector.broadcast %jit3A_459 : f32 to vector<16xf32>
      %broadcast_in_dim3A_462 = vector.broadcast %jit3A_460 : f32 to vector<16xf32>
      %select_n3A_463 = arith.select %ne3A_458, %broadcast_in_dim3A_461, %broadcast_in_dim3A_462 : vector<16xi1>, vector<16xf32>
      %add3A_464 = arith.addf %broadcast_in_dim3A_449, %select_n3A_463 : vector<16xf32>
      %mul3A_465 = arith.constant 200 : i32
      %mul3A_466 = arith.muli %add3A_432, %mul3A_465 : i32
      %add3A_467 = arith.constant 16 : i32
      %add3A_468 = arith.addi %mul3A_466, %add3A_467 : i32
      %get3A_469 = arith.index_cast %add3A_468 : i32 to index
      %get3A_470 = tpu.vector_load %arg5[%get3A_469] {strides = array<i32>} : memref<25600xi32, #tpu.memory_space<vmem>>, vector<16xi32>,
      %ne3A_471 = arith.constant 0 : i32
      %ne3A_472 = vector.broadcast %ne3A_471 : i32 to vector<16xi32>
      %ne3A_473 = arith.cmpi ne, %get3A_470, %ne3A_472 : vector<16xi32>
      %jit3A_474 = arith.constant 1.000000e+00 : f32
      %jit3A_475 = arith.constant 0.000000e+00 : f32
      %broadcast_in_dim3A_476 = vector.broadcast %jit3A_474 : f32 to vector<16xf32>
      %broadcast_in_dim3A_477 = vector.broadcast %jit3A_475 : f32 to vector<16xf32>
      %select_n3A_478 = arith.select %ne3A_473, %broadcast_in_dim3A_476, %broadcast_in_dim3A_477 : vector<16xi1>, vector<16xf32>
      %add3A_479 = arith.addf %add3A_464, %select_n3A_478 : vector<16xf32>
      %mul3A_480 = arith.constant 200 : i32
      %mul3A_481 = arith.muli %add3A_432, %mul3A_480 : i32
      %add3A_482 = arith.constant 32 : i32
      %add3A_483 = arith.addi %mul3A_481, %add3A_482 : i32
      %get3A_484 = arith.index_cast %add3A_483 : i32 to index
      %get3A_485 = tpu.vector_load %arg5[%get3A_484] {strides = array<i32>} : memref<25600xi32, #tpu.memory_space<vmem>>, vector<16xi32>,
      %ne3A_486 = arith.constant 0 : i32
      %ne3A_487 = vector.broadcast %ne3A_486 : i32 to vector<16xi32>
      %ne3A_488 = arith.cmpi ne, %get3A_485, %ne3A_487 : vector<16xi32>
      %jit3A_489 = arith.constant 1.000000e+00 : f32
      %jit3A_490 = arith.constant 0.000000e+00 : f32
      %broadcast_in_dim3A_491 = vector.broadcast %jit3A_489 : f32 to vector<16xf32>
      %broadcast_in_dim3A_492 = vector.broadcast %jit3A_490 : f32 to vector<16xf32>
      %select_n3A_493 = arith.select %ne3A_488, %broadcast_in_dim3A_491, %broadcast_in_dim3A_492 : vector<16xi1>, vector<16xf32>
      %add3A_494 = arith.addf %add3A_479, %select_n3A_493 : vector<16xf32>
      %mul3A_495 = arith.constant 200 : i32
      %mul3A_496 = arith.muli %add3A_432, %mul3A_495 : i32
      %add3A_497 = arith.constant 48 : i32
      %add3A_498 = arith.addi %mul3A_496, %add3A_497 : i32
      %get3A_499 = arith.index_cast %add3A_498 : i32 to index
      %get3A_500 = tpu.vector_load %arg5[%get3A_499] {strides = array<i32>} : memref<25600xi32, #tpu.memory_space<vmem>>, vector<16xi32>,
      %ne3A_501 = arith.constant 0 : i32
      %ne3A_502 = vector.broadcast %ne3A_501 : i32 to vector<16xi32>
      %ne3A_503 = arith.cmpi ne, %get3A_500, %ne3A_502 : vector<16xi32>
      %jit3A_504 = arith.constant 1.000000e+00 : f32
      %jit3A_505 = arith.constant 0.000000e+00 : f32
      %broadcast_in_dim3A_506 = vector.broadcast %jit3A_504 : f32 to vector<16xf32>
      %broadcast_in_dim3A_507 = vector.broadcast %jit3A_505 : f32 to vector<16xf32>
      %select_n3A_508 = arith.select %ne3A_503, %broadcast_in_dim3A_506, %broadcast_in_dim3A_507 : vector<16xi1>, vector<16xf32>
      %add3A_509 = arith.addf %add3A_494, %select_n3A_508 : vector<16xf32>
      %mul3A_510 = arith.constant 200 : i32
      %mul3A_511 = arith.muli %add3A_432, %mul3A_510 : i32
      %add3A_512 = arith.constant 64 : i32
      %add3A_513 = arith.addi %mul3A_511, %add3A_512 : i32
      %get3A_514 = arith.index_cast %add3A_513 : i32 to index
      %get3A_515 = tpu.vector_load %arg5[%get3A_514] {strides = array<i32>} : memref<25600xi32, #tpu.memory_space<vmem>>, vector<16xi32>,
      %ne3A_516 = arith.constant 0 : i32
      %ne3A_517 = vector.broadcast %ne3A_516 : i32 to vector<16xi32>
      %ne3A_518 = arith.cmpi ne, %get3A_515, %ne3A_517 : vector<16xi32>
      %jit3A_519 = arith.constant 1.000000e+00 : f32
      %jit3A_520 = arith.constant 0.000000e+00 : f32
      %broadcast_in_dim3A_521 = vector.broadcast %jit3A_519 : f32 to vector<16xf32>
      %broadcast_in_dim3A_522 = vector.broadcast %jit3A_520 : f32 to vector<16xf32>
      %select_n3A_523 = arith.select %ne3A_518, %broadcast_in_dim3A_521, %broadcast_in_dim3A_522 : vector<16xi1>, vector<16xf32>
      %add3A_524 = arith.addf %add3A_509, %select_n3A_523 : vector<16xf32>
      %mul3A_525 = arith.constant 200 : i32
      %mul3A_526 = arith.muli %add3A_432, %mul3A_525 : i32
      %add3A_527 = arith.constant 80 : i32
      %add3A_528 = arith.addi %mul3A_526, %add3A_527 : i32
      %get3A_529 = arith.index_cast %add3A_528 : i32 to index
      %get3A_530 = tpu.vector_load %arg5[%get3A_529] {strides = array<i32>} : memref<25600xi32, #tpu.memory_space<vmem>>, vector<16xi32>,
      %ne3A_531 = arith.constant 0 : i32
      %ne3A_532 = vector.broadcast %ne3A_531 : i32 to vector<16xi32>
      %ne3A_533 = arith.cmpi ne, %get3A_530, %ne3A_532 : vector<16xi32>
      %jit3A_534 = arith.constant 1.000000e+00 : f32
      %jit3A_535 = arith.constant 0.000000e+00 : f32
      %broadcast_in_dim3A_536 = vector.broadcast %jit3A_534 : f32 to vector<16xf32>
      %broadcast_in_dim3A_537 = vector.broadcast %jit3A_535 : f32 to vector<16xf32>
      %select_n3A_538 = arith.select %ne3A_533, %broadcast_in_dim3A_536, %broadcast_in_dim3A_537 : vector<16xi1>, vector<16xf32>
      %add3A_539 = arith.addf %add3A_524, %select_n3A_538 : vector<16xf32>
      %mul3A_540 = arith.constant 200 : i32
      %mul3A_541 = arith.muli %add3A_432, %mul3A_540 : i32
      %add3A_542 = arith.constant 96 : i32
      %add3A_543 = arith.addi %mul3A_541, %add3A_542 : i32
      %get3A_544 = arith.index_cast %add3A_543 : i32 to index
      %get3A_545 = tpu.vector_load %arg5[%get3A_544] {strides = array<i32>} : memref<25600xi32, #tpu.memory_space<vmem>>, vector<16xi32>,
      %ne3A_546 = arith.constant 0 : i32
      %ne3A_547 = vector.broadcast %ne3A_546 : i32 to vector<16xi32>
      %ne3A_548 = arith.cmpi ne, %get3A_545, %ne3A_547 : vector<16xi32>
      %jit3A_549 = arith.constant 1.000000e+00 : f32
      %jit3A_550 = arith.constant 0.000000e+00 : f32
      %broadcast_in_dim3A_551 = vector.broadcast %jit3A_549 : f32 to vector<16xf32>
      %broadcast_in_dim3A_552 = vector.broadcast %jit3A_550 : f32 to vector<16xf32>
      %select_n3A_553 = arith.select %ne3A_548, %broadcast_in_dim3A_551, %broadcast_in_dim3A_552 : vector<16xi1>, vector<16xf32>
      %add3A_554 = arith.addf %add3A_539, %select_n3A_553 : vector<16xf32>
      %mul3A_555 = arith.constant 200 : i32
      %mul3A_556 = arith.muli %add3A_432, %mul3A_555 : i32
      %add3A_557 = arith.constant 112 : i32
      %add3A_558 = arith.addi %mul3A_556, %add3A_557 : i32
      %get3A_559 = arith.index_cast %add3A_558 : i32 to index
      %get3A_560 = tpu.vector_load %arg5[%get3A_559] {strides = array<i32>} : memref<25600xi32, #tpu.memory_space<vmem>>, vector<16xi32>,
      %ne3A_561 = arith.constant 0 : i32
      %ne3A_562 = vector.broadcast %ne3A_561 : i32 to vector<16xi32>
      %ne3A_563 = arith.cmpi ne, %get3A_560, %ne3A_562 : vector<16xi32>
      %jit3A_564 = arith.constant 1.000000e+00 : f32
      %jit3A_565 = arith.constant 0.000000e+00 : f32
      %broadcast_in_dim3A_566 = vector.broadcast %jit3A_564 : f32 to vector<16xf32>
      %broadcast_in_dim3A_567 = vector.broadcast %jit3A_565 : f32 to vector<16xf32>
      %select_n3A_568 = arith.select %ne3A_563, %broadcast_in_dim3A_566, %broadcast_in_dim3A_567 : vector<16xi1>, vector<16xf32>
      %add3A_569 = arith.addf %add3A_554, %select_n3A_568 : vector<16xf32>
      %mul3A_570 = arith.constant 200 : i32
      %mul3A_571 = arith.muli %add3A_432, %mul3A_570 : i32
      %add3A_572 = arith.constant 128 : i32
      %add3A_573 = arith.addi %mul3A_571, %add3A_572 : i32
      %get3A_574 = arith.index_cast %add3A_573 : i32 to index
      %get3A_575 = tpu.vector_load %arg5[%get3A_574] {strides = array<i32>} : memref<25600xi32, #tpu.memory_space<vmem>>, vector<16xi32>,
      %ne3A_576 = arith.constant 0 : i32
      %ne3A_577 = vector.broadcast %ne3A_576 : i32 to vector<16xi32>
      %ne3A_578 = arith.cmpi ne, %get3A_575, %ne3A_577 : vector<16xi32>
      %jit3A_579 = arith.constant 1.000000e+00 : f32
      %jit3A_580 = arith.constant 0.000000e+00 : f32
      %broadcast_in_dim3A_581 = vector.broadcast %jit3A_579 : f32 to vector<16xf32>
      %broadcast_in_dim3A_582 = vector.broadcast %jit3A_580 : f32 to vector<16xf32>
      %select_n3A_583 = arith.select %ne3A_578, %broadcast_in_dim3A_581, %broadcast_in_dim3A_582 : vector<16xi1>, vector<16xf32>
      %add3A_584 = arith.addf %add3A_569, %select_n3A_583 : vector<16xf32>
      %mul3A_585 = arith.constant 200 : i32
      %mul3A_586 = arith.muli %add3A_432, %mul3A_585 : i32
      %add3A_587 = arith.constant 144 : i32
      %add3A_588 = arith.addi %mul3A_586, %add3A_587 : i32
      %get3A_589 = arith.index_cast %add3A_588 : i32 to index
      %get3A_590 = tpu.vector_load %arg5[%get3A_589] {strides = array<i32>} : memref<25600xi32, #tpu.memory_space<vmem>>, vector<16xi32>,
      %ne3A_591 = arith.constant 0 : i32
      %ne3A_592 = vector.broadcast %ne3A_591 : i32 to vector<16xi32>
      %ne3A_593 = arith.cmpi ne, %get3A_590, %ne3A_592 : vector<16xi32>
      %jit3A_594 = arith.constant 1.000000e+00 : f32
      %jit3A_595 = arith.constant 0.000000e+00 : f32
      %broadcast_in_dim3A_596 = vector.broadcast %jit3A_594 : f32 to vector<16xf32>
      %broadcast_in_dim3A_597 = vector.broadcast %jit3A_595 : f32 to vector<16xf32>
      %select_n3A_598 = arith.select %ne3A_593, %broadcast_in_dim3A_596, %broadcast_in_dim3A_597 : vector<16xi1>, vector<16xf32>
      %add3A_599 = arith.addf %add3A_584, %select_n3A_598 : vector<16xf32>
      %mul3A_600 = arith.constant 200 : i32
      %mul3A_601 = arith.muli %add3A_432, %mul3A_600 : i32
      %add3A_602 = arith.constant 160 : i32
      %add3A_603 = arith.addi %mul3A_601, %add3A_602 : i32
      %get3A_604 = arith.index_cast %add3A_603 : i32 to index
      %get3A_605 = tpu.vector_load %arg5[%get3A_604] {strides = array<i32>} : memref<25600xi32, #tpu.memory_space<vmem>>, vector<16xi32>,
      %ne3A_606 = arith.constant 0 : i32
      %ne3A_607 = vector.broadcast %ne3A_606 : i32 to vector<16xi32>
      %ne3A_608 = arith.cmpi ne, %get3A_605, %ne3A_607 : vector<16xi32>
      %jit3A_609 = arith.constant 1.000000e+00 : f32
      %jit3A_610 = arith.constant 0.000000e+00 : f32
      %broadcast_in_dim3A_611 = vector.broadcast %jit3A_609 : f32 to vector<16xf32>
      %broadcast_in_dim3A_612 = vector.broadcast %jit3A_610 : f32 to vector<16xf32>
      %select_n3A_613 = arith.select %ne3A_608, %broadcast_in_dim3A_611, %broadcast_in_dim3A_612 : vector<16xi1>, vector<16xf32>
      %add3A_614 = arith.addf %add3A_599, %select_n3A_613 : vector<16xf32>
      %mul3A_615 = arith.constant 200 : i32
      %mul3A_616 = arith.muli %add3A_432, %mul3A_615 : i32
      %add3A_617 = arith.constant 176 : i32
      %add3A_618 = arith.addi %mul3A_616, %add3A_617 : i32
      %get3A_619 = arith.index_cast %add3A_618 : i32 to index
      %get3A_620 = tpu.vector_load %arg5[%get3A_619] {strides = array<i32>} : memref<25600xi32, #tpu.memory_space<vmem>>, vector<16xi32>,
      %ne3A_621 = arith.constant 0 : i32
      %ne3A_622 = vector.broadcast %ne3A_621 : i32 to vector<16xi32>
      %ne3A_623 = arith.cmpi ne, %get3A_620, %ne3A_622 : vector<16xi32>
      %jit3A_624 = arith.constant 1.000000e+00 : f32
      %jit3A_625 = arith.constant 0.000000e+00 : f32
      %broadcast_in_dim3A_626 = vector.broadcast %jit3A_624 : f32 to vector<16xf32>
      %broadcast_in_dim3A_627 = vector.broadcast %jit3A_625 : f32 to vector<16xf32>
      %select_n3A_628 = arith.select %ne3A_623, %broadcast_in_dim3A_626, %broadcast_in_dim3A_627 : vector<16xi1>, vector<16xf32>
      %add3A_629 = arith.addf %add3A_614, %select_n3A_628 : vector<16xf32>
      %mul3A_630 = arith.constant 200 : i32
      %mul3A_631 = arith.muli %add3A_432, %mul3A_630 : i32
      %add3A_632 = arith.constant 200 : i32
      %add3A_633 = arith.addi %mul3A_631, %add3A_632 : i32
      %sub3A_634 = arith.constant 16 : i32
      %sub3A_635 = arith.subi %add3A_633, %sub3A_634 : i32
      %get3A_636 = arith.index_cast %sub3A_635 : i32 to index
      %get3A_637 = tpu.vector_load %arg5[%get3A_636] {strides = array<i32>} : memref<25600xi32, #tpu.memory_space<vmem>>, vector<16xi32>,
      %iota3A_638 = tpu.iota {dimensions = array<i32: 0>} : vector<16xi32>
      %ne3A_639 = arith.constant 0 : i32
      %ne3A_640 = vector.broadcast %ne3A_639 : i32 to vector<16xi32>
      %ne3A_641 = arith.cmpi ne, %get3A_637, %ne3A_640 : vector<16xi32>
      %ge3A_642 = arith.constant 8 : i32
      %ge3A_643 = vector.broadcast %ge3A_642 : i32 to vector<16xi32>
      %ge3A_644 = arith.cmpi sge, %iota3A_638, %ge3A_643 : vector<16xi32>
      %and3A_645 = arith.andi %ne3A_641, %ge3A_644 : vector<16xi1>
      %jit3A_646 = arith.constant 1.000000e+00 : f32
      %jit3A_647 = arith.constant 0.000000e+00 : f32
      %broadcast_in_dim3A_648 = vector.broadcast %jit3A_646 : f32 to vector<16xf32>
      %broadcast_in_dim3A_649 = vector.broadcast %jit3A_647 : f32 to vector<16xf32>
      %select_n3A_650 = arith.select %and3A_645, %broadcast_in_dim3A_648, %broadcast_in_dim3A_649 : vector<16xi1>, vector<16xf32>
      %add3A_651 = arith.addf %add3A_629, %select_n3A_650 : vector<16xf32>
      %reduce_sum3A_652 = arith.constant true
      %reduce_sum3A_653 = vector.broadcast %reduce_sum3A_652 : i1 to vector<16xi1>
      %reduce_sum3A_654 = tpu.scan <sum>, %add3A_651 masked %reduce_sum3A_653 : vector<16xf32>, vector<16xi1> -> vector<16xf32>
      %reduce_sum3A_655 = vector.extract %reduce_sum3A_654[15] : f32 from vector<16xf32>
      %broadcast_in_dim3A_656 = vector.broadcast %reduce_sum3A_655 : f32 to vector<16xf32>
      %add3A_657 = arith.constant 9.99999974E-6 : f32
      %add3A_658 = vector.broadcast %add3A_657 : f32 to vector<16xf32>
      %add3A_659 = arith.addf %broadcast_in_dim3A_656, %add3A_658 : vector<16xf32>
      %div3A_660 = arith.constant 1.000000e+00 : f32
      %div3A_661 = vector.broadcast %div3A_660 : f32 to vector<16xf32>
      %div3A_662 = arith.divf %div3A_661, %add3A_659 : vector<16xf32>
      %ge3A_663 = arith.constant 4 : i32
      %ge3A_664 = arith.cmpi sge, %add3A_432, %ge3A_663 : i32
      %convert_element_type3A_665 = arith.extui %ge3A_664 : i1 to i32
      %cond3A_666 = arith.constant 0 : i32
      %cond3A_667 = arith.cmpi ne, %convert_element_type3A_665, %cond3A_666 : i32
      scf.if %cond3A_667 {
        %add3A_1301 = arith.addi %mul3A_2, %add3A_432 : i32
        %sub3A_1302 = arith.constant 4 : i32
        %sub3A_1303 = arith.subi %add3A_1301, %sub3A_1302 : i32
        %dma_wait3A_1304 = arith.constant 0 : i32
        %dma_wait3A_1305 = tpu.memref_slice %arg4[%sub3A_1303, %dma_wait3A_1304] : memref<4096x128xf32, #tpu.memory_space<hbm>> -> memref<1x128xf32, #tpu.memory_space<hbm>>
        %dma_wait3A_1306 = tpu.memref_squeeze %dma_wait3A_1305 : memref<1x128xf32, #tpu.memory_space<hbm>> -> memref<128xf32, #tpu.memory_space<hbm>>
        %dma_wait3A_1307 = arith.constant 0 : i32
        %dma_wait3A_1308 = tpu.memref_slice %arg4[%sub3A_1303, %dma_wait3A_1307] : memref<4096x128xf32, #tpu.memory_space<hbm>> -> memref<1x128xf32, #tpu.memory_space<hbm>>
        %dma_wait3A_1309 = tpu.memref_squeeze %dma_wait3A_1308 : memref<1x128xf32, #tpu.memory_space<hbm>> -> memref<128xf32, #tpu.memory_space<hbm>>
        tpu.wait_dma2 semaphore(%arg19 : memref<!tpu.dma_semaphore, #tpu.memory_space<semaphore_mem>>) src(%arg11 : memref<128xf32, #tpu.memory_space<vmem>>) dst(%dma_wait3A_1309 : memref<128xf32, #tpu.memory_space<hbm>>)
      } else {
      }
      %broadcast_in_dim3A_668 = arith.constant 0.000000e+00 : f32
      %broadcast_in_dim3A_669 = vector.broadcast %broadcast_in_dim3A_668 : f32 to vector<16xf32>
      %broadcast_in_dim3A_670 = arith.constant 0.000000e+00 : f32
      %broadcast_in_dim3A_671 = vector.broadcast %broadcast_in_dim3A_670 : f32 to vector<16xf32>
      %broadcast_in_dim3A_672 = arith.constant 0.000000e+00 : f32
      %broadcast_in_dim3A_673 = vector.broadcast %broadcast_in_dim3A_672 : f32 to vector<16xf32>
      %broadcast_in_dim3A_674 = arith.constant 0.000000e+00 : f32
      %broadcast_in_dim3A_675 = vector.broadcast %broadcast_in_dim3A_674 : f32 to vector<16xf32>
      %broadcast_in_dim3A_676 = arith.constant 0.000000e+00 : f32
      %broadcast_in_dim3A_677 = vector.broadcast %broadcast_in_dim3A_676 : f32 to vector<16xf32>
      %broadcast_in_dim3A_678 = arith.constant 0.000000e+00 : f32
      %broadcast_in_dim3A_679 = vector.broadcast %broadcast_in_dim3A_678 : f32 to vector<16xf32>
      %broadcast_in_dim3A_680 = arith.constant 0.000000e+00 : f32
      %broadcast_in_dim3A_681 = vector.broadcast %broadcast_in_dim3A_680 : f32 to vector<16xf32>
      %broadcast_in_dim3A_682 = arith.constant 0.000000e+00 : f32
      %broadcast_in_dim3A_683 = vector.broadcast %broadcast_in_dim3A_682 : f32 to vector<16xf32>
      %scan3A_684 = arith.constant 0 : i32
      %scan3A_685 = arith.constant 200 : i32
      %scan3A_686 = arith.addi %scan3A_684, %scan3A_685 : i32
      %scan3A_687 = arith.constant 2 : i32
      %scan3A_688:8 = scf.for %scan3A_1301 = %scan3A_684 to %scan3A_686 step %scan3A_687 iter_args(%scan3A_1302 = %broadcast_in_dim3A_669, %scan3A_1303 = %broadcast_in_dim3A_671, %scan3A_1304 = %broadcast_in_dim3A_673, %scan3A_1305 = %broadcast_in_dim3A_675, %scan3A_1306 = %broadcast_in_dim3A_677, %scan3A_1307 = %broadcast_in_dim3A_679, %scan3A_1308 = %broadcast_in_dim3A_681, %scan3A_1309 = %broadcast_in_dim3A_683) -> (vector<16xf32>, vector<16xf32>, vector<16xf32>, vector<16xf32>, vector<16xf32>, vector<16xf32>, vector<16xf32>, vector<16xf32>)  : i32 {
        %mul3A_1310 = arith.constant 1 : i32
        %mul3A_1311 = arith.muli %scan3A_1301, %mul3A_1310 : i32
        %add3A_1312 = arith.constant 0 : i32
        %add3A_1313 = arith.addi %add3A_1312, %mul3A_1311 : i32
        %get3A_1314 = arith.index_cast %add3A_1313 : i32 to index
        %get3A_1315 = arith.constant 0 : index
        %get3A_1316 = tpu.vector_load %arg7[%get3A_1314, %get3A_1315] {strides = array<i32>} : memref<200x128xf32, #tpu.memory_space<vmem>>, vector<16xf32>,
        %add3A_1317 = arith.addf %scan3A_1302, %get3A_1316 : vector<16xf32>
        %get3A_1318 = arith.index_cast %add3A_1313 : i32 to index
        %get3A_1319 = arith.constant 16 : index
        %get3A_1320 = tpu.vector_load %arg7[%get3A_1318, %get3A_1319] {strides = array<i32>} : memref<200x128xf32, #tpu.memory_space<vmem>>, vector<16xf32>,
        %add3A_1321 = arith.addf %scan3A_1303, %get3A_1320 : vector<16xf32>
        %get3A_1322 = arith.index_cast %add3A_1313 : i32 to index
        %get3A_1323 = arith.constant 32 : index
        %get3A_1324 = tpu.vector_load %arg7[%get3A_1322, %get3A_1323] {strides = array<i32>} : memref<200x128xf32, #tpu.memory_space<vmem>>, vector<16xf32>,
        %add3A_1325 = arith.addf %scan3A_1304, %get3A_1324 : vector<16xf32>
        %get3A_1326 = arith.index_cast %add3A_1313 : i32 to index
        %get3A_1327 = arith.constant 48 : index
        %get3A_1328 = tpu.vector_load %arg7[%get3A_1326, %get3A_1327] {strides = array<i32>} : memref<200x128xf32, #tpu.memory_space<vmem>>, vector<16xf32>,
        %add3A_1329 = arith.addf %scan3A_1305, %get3A_1328 : vector<16xf32>
        %get3A_1330 = arith.index_cast %add3A_1313 : i32 to index
        %get3A_1331 = arith.constant 64 : index
        %get3A_1332 = tpu.vector_load %arg7[%get3A_1330, %get3A_1331] {strides = array<i32>} : memref<200x128xf32, #tpu.memory_space<vmem>>, vector<16xf32>,
        %add3A_1333 = arith.addf %scan3A_1306, %get3A_1332 : vector<16xf32>
        %get3A_1334 = arith.index_cast %add3A_1313 : i32 to index
        %get3A_1335 = arith.constant 80 : index
        %get3A_1336 = tpu.vector_load %arg7[%get3A_1334, %get3A_1335] {strides = array<i32>} : memref<200x128xf32, #tpu.memory_space<vmem>>, vector<16xf32>,
        %add3A_1337 = arith.addf %scan3A_1307, %get3A_1336 : vector<16xf32>
        %get3A_1338 = arith.index_cast %add3A_1313 : i32 to index
        %get3A_1339 = arith.constant 96 : index
        %get3A_1340 = tpu.vector_load %arg7[%get3A_1338, %get3A_1339] {strides = array<i32>} : memref<200x128xf32, #tpu.memory_space<vmem>>, vector<16xf32>,
        %add3A_1341 = arith.addf %scan3A_1308, %get3A_1340 : vector<16xf32>
        %get3A_1342 = arith.index_cast %add3A_1313 : i32 to index
        %get3A_1343 = arith.constant 112 : index
        %get3A_1344 = tpu.vector_load %arg7[%get3A_1342, %get3A_1343] {strides = array<i32>} : memref<200x128xf32, #tpu.memory_space<vmem>>, vector<16xf32>,
        %add3A_1345 = arith.addf %scan3A_1309, %get3A_1344 : vector<16xf32>
        %scan3A_1346 = arith.constant 1 : i32
        %scan3A_1347 = arith.addi %scan3A_1301, %scan3A_1346 : i32
        %mul3A_1348 = arith.constant 1 : i32
        %mul3A_1349 = arith.muli %scan3A_1347, %mul3A_1348 : i32
        %add3A_1350 = arith.constant 0 : i32
        %add3A_1351 = arith.addi %add3A_1350, %mul3A_1349 : i32
        %get3A_1352 = arith.index_cast %add3A_1351 : i32 to index
        %get3A_1353 = arith.constant 0 : index
        %get3A_1354 = tpu.vector_load %arg7[%get3A_1352, %get3A_1353] {strides = array<i32>} : memref<200x128xf32, #tpu.memory_space<vmem>>, vector<16xf32>,
        %add3A_1355 = arith.addf %add3A_1317, %get3A_1354 : vector<16xf32>
        %get3A_1356 = arith.index_cast %add3A_1351 : i32 to index
        %get3A_1357 = arith.constant 16 : index
        %get3A_1358 = tpu.vector_load %arg7[%get3A_1356, %get3A_1357] {strides = array<i32>} : memref<200x128xf32, #tpu.memory_space<vmem>>, vector<16xf32>,
        %add3A_1359 = arith.addf %add3A_1321, %get3A_1358 : vector<16xf32>
        %get3A_1360 = arith.index_cast %add3A_1351 : i32 to index
        %get3A_1361 = arith.constant 32 : index
        %get3A_1362 = tpu.vector_load %arg7[%get3A_1360, %get3A_1361] {strides = array<i32>} : memref<200x128xf32, #tpu.memory_space<vmem>>, vector<16xf32>,
        %add3A_1363 = arith.addf %add3A_1325, %get3A_1362 : vector<16xf32>
        %get3A_1364 = arith.index_cast %add3A_1351 : i32 to index
        %get3A_1365 = arith.constant 48 : index
        %get3A_1366 = tpu.vector_load %arg7[%get3A_1364, %get3A_1365] {strides = array<i32>} : memref<200x128xf32, #tpu.memory_space<vmem>>, vector<16xf32>,
        %add3A_1367 = arith.addf %add3A_1329, %get3A_1366 : vector<16xf32>
        %get3A_1368 = arith.index_cast %add3A_1351 : i32 to index
        %get3A_1369 = arith.constant 64 : index
        %get3A_1370 = tpu.vector_load %arg7[%get3A_1368, %get3A_1369] {strides = array<i32>} : memref<200x128xf32, #tpu.memory_space<vmem>>, vector<16xf32>,
        %add3A_1371 = arith.addf %add3A_1333, %get3A_1370 : vector<16xf32>
        %get3A_1372 = arith.index_cast %add3A_1351 : i32 to index
        %get3A_1373 = arith.constant 80 : index
        %get3A_1374 = tpu.vector_load %arg7[%get3A_1372, %get3A_1373] {strides = array<i32>} : memref<200x128xf32, #tpu.memory_space<vmem>>, vector<16xf32>,
        %add3A_1375 = arith.addf %add3A_1337, %get3A_1374 : vector<16xf32>
        %get3A_1376 = arith.index_cast %add3A_1351 : i32 to index
        %get3A_1377 = arith.constant 96 : index
        %get3A_1378 = tpu.vector_load %arg7[%get3A_1376, %get3A_1377] {strides = array<i32>} : memref<200x128xf32, #tpu.memory_space<vmem>>, vector<16xf32>,
        %add3A_1379 = arith.addf %add3A_1341, %get3A_1378 : vector<16xf32>
        %get3A_1380 = arith.index_cast %add3A_1351 : i32 to index
        %get3A_1381 = arith.constant 112 : index
        %get3A_1382 = tpu.vector_load %arg7[%get3A_1380, %get3A_1381] {strides = array<i32>} : memref<200x128xf32, #tpu.memory_space<vmem>>, vector<16xf32>,
        %add3A_1383 = arith.addf %add3A_1345, %get3A_1382 : vector<16xf32>
        scf.yield %add3A_1355, %add3A_1359, %add3A_1363, %add3A_1367, %add3A_1371, %add3A_1375, %add3A_1379, %add3A_1383 : vector<16xf32>, vector<16xf32>, vector<16xf32>, vector<16xf32>, vector<16xf32>, vector<16xf32>, vector<16xf32>, vector<16xf32>
      }
      %scan3A_689 = arith.constant 200 : i32
      %mul3A_690 = arith.mulf %scan3A_688#0, %div3A_662 : vector<16xf32>
      %swap3A_691 = arith.constant 0 : index
      %swap3A_692 = tpu.vector_load %arg11[%swap3A_691] {strides = array<i32>} : memref<128xf32, #tpu.memory_space<vmem>>, vector<16xf32>,
      tpu.vector_store %arg11[%swap3A_691], %mul3A_690 {strides = array<i32>} : memref<128xf32, #tpu.memory_space<vmem>>, vector<16xf32>,
      %mul3A_693 = arith.mulf %scan3A_688#1, %div3A_662 : vector<16xf32>
      %swap3A_694 = arith.constant 16 : index
      %swap3A_695 = tpu.vector_load %arg11[%swap3A_694] {strides = array<i32>} : memref<128xf32, #tpu.memory_space<vmem>>, vector<16xf32>,
      tpu.vector_store %arg11[%swap3A_694], %mul3A_693 {strides = array<i32>} : memref<128xf32, #tpu.memory_space<vmem>>, vector<16xf32>,
      %mul3A_696 = arith.mulf %scan3A_688#2, %div3A_662 : vector<16xf32>
      %swap3A_697 = arith.constant 32 : index
      %swap3A_698 = tpu.vector_load %arg11[%swap3A_697] {strides = array<i32>} : memref<128xf32, #tpu.memory_space<vmem>>, vector<16xf32>,
      tpu.vector_store %arg11[%swap3A_697], %mul3A_696 {strides = array<i32>} : memref<128xf32, #tpu.memory_space<vmem>>, vector<16xf32>,
      %mul3A_699 = arith.mulf %scan3A_688#3, %div3A_662 : vector<16xf32>
      %swap3A_700 = arith.constant 48 : index
      %swap3A_701 = tpu.vector_load %arg11[%swap3A_700] {strides = array<i32>} : memref<128xf32, #tpu.memory_space<vmem>>, vector<16xf32>,
      tpu.vector_store %arg11[%swap3A_700], %mul3A_699 {strides = array<i32>} : memref<128xf32, #tpu.memory_space<vmem>>, vector<16xf32>,
      %mul3A_702 = arith.mulf %scan3A_688#4, %div3A_662 : vector<16xf32>
      %swap3A_703 = arith.constant 64 : index
      %swap3A_704 = tpu.vector_load %arg11[%swap3A_703] {strides = array<i32>} : memref<128xf32, #tpu.memory_space<vmem>>, vector<16xf32>,
      tpu.vector_store %arg11[%swap3A_703], %mul3A_702 {strides = array<i32>} : memref<128xf32, #tpu.memory_space<vmem>>, vector<16xf32>,
      %mul3A_705 = arith.mulf %scan3A_688#5, %div3A_662 : vector<16xf32>
      %swap3A_706 = arith.constant 80 : index
      %swap3A_707 = tpu.vector_load %arg11[%swap3A_706] {strides = array<i32>} : memref<128xf32, #tpu.memory_space<vmem>>, vector<16xf32>,
      tpu.vector_store %arg11[%swap3A_706], %mul3A_705 {strides = array<i32>} : memref<128xf32, #tpu.memory_space<vmem>>, vector<16xf32>,
      %mul3A_708 = arith.mulf %scan3A_688#6, %div3A_662 : vector<16xf32>
      %swap3A_709 = arith.constant 96 : index
      %swap3A_710 = tpu.vector_load %arg11[%swap3A_709] {strides = array<i32>} : memref<128xf32, #tpu.memory_space<vmem>>, vector<16xf32>,
      tpu.vector_store %arg11[%swap3A_709], %mul3A_708 {strides = array<i32>} : memref<128xf32, #tpu.memory_space<vmem>>, vector<16xf32>,
      %mul3A_711 = arith.mulf %scan3A_688#7, %div3A_662 : vector<16xf32>
      %swap3A_712 = arith.constant 112 : index
      %swap3A_713 = tpu.vector_load %arg11[%swap3A_712] {strides = array<i32>} : memref<128xf32, #tpu.memory_space<vmem>>, vector<16xf32>,
      tpu.vector_store %arg11[%swap3A_712], %mul3A_711 {strides = array<i32>} : memref<128xf32, #tpu.memory_space<vmem>>, vector<16xf32>,
      %add3A_714 = arith.addi %mul3A_2, %add3A_432 : i32
      %dma_start3A_715 = arith.constant 0 : i32
      %dma_start3A_716 = tpu.memref_slice %arg4[%add3A_714, %dma_start3A_715] : memref<4096x128xf32, #tpu.memory_space<hbm>> -> memref<1x128xf32, #tpu.memory_space<hbm>>
      %dma_start3A_717 = tpu.memref_squeeze %dma_start3A_716 : memref<1x128xf32, #tpu.memory_space<hbm>> -> memref<128xf32, #tpu.memory_space<hbm>>
      %dma_start3A_718 = arith.constant 0 : i32
      %dma_start3A_719 = tpu.memref_slice %arg4[%add3A_714, %dma_start3A_718] : memref<4096x128xf32, #tpu.memory_space<hbm>> -> memref<1x128xf32, #tpu.memory_space<hbm>>
      %dma_start3A_720 = tpu.memref_squeeze %dma_start3A_719 : memref<1x128xf32, #tpu.memory_space<hbm>> -> memref<128xf32, #tpu.memory_space<hbm>>
      tpu.enqueue_dma source(%arg11 : memref<128xf32, #tpu.memory_space<vmem>>) target(%dma_start3A_720 : memref<128xf32, #tpu.memory_space<hbm>>) target_semaphore(%arg19 : memref<!tpu.dma_semaphore, #tpu.memory_space<semaphore_mem>>)
      %add3A_721 = arith.constant 2 : i32
      %add3A_722 = arith.addi %add3A_154, %add3A_721 : i32
      %dma_wait3A_723 = arith.constant 0 : i32
      %dma_wait3A_724 = arith.constant 0 : i32
      %dma_wait3A_725 = tpu.memref_slice %arg3[%dma_wait3A_723, %dma_wait3A_724] : memref<100000x128xf32, #tpu.memory_space<hbm>> -> memref<200x128xf32, #tpu.memory_space<hbm>>
      %dma_wait3A_726 = arith.constant 0 : i32
      %dma_wait3A_727 = arith.constant 0 : i32
      %dma_wait3A_728 = tpu.memref_slice %arg3[%dma_wait3A_726, %dma_wait3A_727] : memref<100000x128xf32, #tpu.memory_space<hbm>> -> memref<200x128xf32, #tpu.memory_space<hbm>>
      tpu.wait_dma2 semaphore(%arg16 : memref<!tpu.dma_semaphore, #tpu.memory_space<semaphore_mem>>) src(%dma_wait3A_728 : memref<200x128xf32, #tpu.memory_space<hbm>>) dst(%arg8 : memref<200x128xf32, #tpu.memory_space<vmem>>)
      %add3A_729 = arith.constant 4 : i32
      %add3A_730 = arith.addi %add3A_722, %add3A_729 : i32
      %sub3A_731 = arith.constant 1 : i32
      %sub3A_732 = arith.subi %add3A_730, %sub3A_731 : i32
      %lt3A_733 = arith.constant 128 : i32
      %lt3A_734 = arith.cmpi slt, %sub3A_732, %lt3A_733 : i32
      %convert_element_type3A_735 = arith.extui %lt3A_734 : i1 to i32
      %cond3A_736 = arith.constant 0 : i32
      %cond3A_737 = arith.cmpi ne, %convert_element_type3A_735, %cond3A_736 : i32
      scf.if %cond3A_737 {
        %add3A_1301 = arith.constant 4 : i32
        %add3A_1302 = arith.addi %add3A_722, %add3A_1301 : i32
        %sub3A_1303 = arith.constant 1 : i32
        %sub3A_1304 = arith.subi %add3A_1302, %sub3A_1303 : i32
        %mul3A_1305 = arith.constant 200 : i32
        %mul3A_1306 = arith.muli %sub3A_1304, %mul3A_1305 : i32
        %add3A_1307 = arith.constant 0 : i32
        %add3A_1308 = arith.addi %mul3A_1306, %add3A_1307 : i32
        %dma_start3A_1309 = arith.constant 0 : i32
        %dma_start3A_1310 = arith.constant 0 : i32
        %dma_start3A_1311 = tpu.memref_slice %arg7[%dma_start3A_1309, %dma_start3A_1310] : memref<200x128xf32, #tpu.memory_space<vmem>> -> memref<48x128xf32, #tpu.memory_space<vmem>>
        %dma_start3A_1312 = tpu.memref_slice %arg5[%add3A_1308] : memref<25600xi32, #tpu.memory_space<vmem>> -> memref<48xi32, #tpu.memory_space<vmem>>
        %dma_start3A_1313 = arith.constant 0 : i32
        %dma_start3A_1314 = arith.constant 0 : i32
        %dma_start3A_1315 = tpu.memref_slice %arg3[%dma_start3A_1313, %dma_start3A_1314] : memref<100000x128xf32, #tpu.memory_space<hbm>> -> memref<100000x128xf32, #tpu.memory_space<hbm>>
        tpu.enqueue_indirect_dma source(%dma_start3A_1315 : memref<100000x128xf32, #tpu.memory_space<hbm>>) target(%dma_start3A_1311 : memref<48x128xf32, #tpu.memory_space<vmem>>) offsets(%dma_start3A_1312 : memref<48xi32, #tpu.memory_space<vmem>>) semaphore(%arg15 : memref<!tpu.dma_semaphore, #tpu.memory_space<semaphore_mem>>)
        %mul3A_1316 = arith.constant 200 : i32
        %mul3A_1317 = arith.muli %sub3A_1304, %mul3A_1316 : i32
        %add3A_1318 = arith.constant 48 : i32
        %add3A_1319 = arith.addi %mul3A_1317, %add3A_1318 : i32
        %dma_start3A_1320 = arith.constant 48 : i32
        %dma_start3A_1321 = arith.constant 0 : i32
        %dma_start3A_1322 = tpu.memref_slice %arg7[%dma_start3A_1320, %dma_start3A_1321] : memref<200x128xf32, #tpu.memory_space<vmem>> -> memref<48x128xf32, #tpu.memory_space<vmem>>
        %dma_start3A_1323 = tpu.memref_slice %arg5[%add3A_1319] : memref<25600xi32, #tpu.memory_space<vmem>> -> memref<48xi32, #tpu.memory_space<vmem>>
        %dma_start3A_1324 = arith.constant 0 : i32
        %dma_start3A_1325 = arith.constant 0 : i32
        %dma_start3A_1326 = tpu.memref_slice %arg3[%dma_start3A_1324, %dma_start3A_1325] : memref<100000x128xf32, #tpu.memory_space<hbm>> -> memref<100000x128xf32, #tpu.memory_space<hbm>>
        tpu.enqueue_indirect_dma source(%dma_start3A_1326 : memref<100000x128xf32, #tpu.memory_space<hbm>>) target(%dma_start3A_1322 : memref<48x128xf32, #tpu.memory_space<vmem>>) offsets(%dma_start3A_1323 : memref<48xi32, #tpu.memory_space<vmem>>) semaphore(%arg15 : memref<!tpu.dma_semaphore, #tpu.memory_space<semaphore_mem>>)
        %mul3A_1327 = arith.constant 200 : i32
        %mul3A_1328 = arith.muli %sub3A_1304, %mul3A_1327 : i32
        %add3A_1329 = arith.constant 96 : i32
        %add3A_1330 = arith.addi %mul3A_1328, %add3A_1329 : i32
        %dma_start3A_1331 = arith.constant 96 : i32
        %dma_start3A_1332 = arith.constant 0 : i32
        %dma_start3A_1333 = tpu.memref_slice %arg7[%dma_start3A_1331, %dma_start3A_1332] : memref<200x128xf32, #tpu.memory_space<vmem>> -> memref<48x128xf32, #tpu.memory_space<vmem>>
        %dma_start3A_1334 = tpu.memref_slice %arg5[%add3A_1330] : memref<25600xi32, #tpu.memory_space<vmem>> -> memref<48xi32, #tpu.memory_space<vmem>>
        %dma_start3A_1335 = arith.constant 0 : i32
        %dma_start3A_1336 = arith.constant 0 : i32
        %dma_start3A_1337 = tpu.memref_slice %arg3[%dma_start3A_1335, %dma_start3A_1336] : memref<100000x128xf32, #tpu.memory_space<hbm>> -> memref<100000x128xf32, #tpu.memory_space<hbm>>
        tpu.enqueue_indirect_dma source(%dma_start3A_1337 : memref<100000x128xf32, #tpu.memory_space<hbm>>) target(%dma_start3A_1333 : memref<48x128xf32, #tpu.memory_space<vmem>>) offsets(%dma_start3A_1334 : memref<48xi32, #tpu.memory_space<vmem>>) semaphore(%arg15 : memref<!tpu.dma_semaphore, #tpu.memory_space<semaphore_mem>>)
        %mul3A_1338 = arith.constant 200 : i32
        %mul3A_1339 = arith.muli %sub3A_1304, %mul3A_1338 : i32
        %add3A_1340 = arith.constant 144 : i32
        %add3A_1341 = arith.addi %mul3A_1339, %add3A_1340 : i32
        %dma_start3A_1342 = arith.constant 144 : i32
        %dma_start3A_1343 = arith.constant 0 : i32
        %dma_start3A_1344 = tpu.memref_slice %arg7[%dma_start3A_1342, %dma_start3A_1343] : memref<200x128xf32, #tpu.memory_space<vmem>> -> memref<56x128xf32, #tpu.memory_space<vmem>>
        %dma_start3A_1345 = tpu.memref_slice %arg5[%add3A_1341] : memref<25600xi32, #tpu.memory_space<vmem>> -> memref<56xi32, #tpu.memory_space<vmem>>
        %dma_start3A_1346 = arith.constant 0 : i32
        %dma_start3A_1347 = arith.constant 0 : i32
        %dma_start3A_1348 = tpu.memref_slice %arg3[%dma_start3A_1346, %dma_start3A_1347] : memref<100000x128xf32, #tpu.memory_space<hbm>> -> memref<100000x128xf32, #tpu.memory_space<hbm>>
        tpu.enqueue_indirect_dma source(%dma_start3A_1348 : memref<100000x128xf32, #tpu.memory_space<hbm>>) target(%dma_start3A_1344 : memref<56x128xf32, #tpu.memory_space<vmem>>) offsets(%dma_start3A_1345 : memref<56xi32, #tpu.memory_space<vmem>>) semaphore(%arg15 : memref<!tpu.dma_semaphore, #tpu.memory_space<semaphore_mem>>)
      } else {
      }
      %broadcast_in_dim3A_738 = arith.constant 0.000000e+00 : f32
      %broadcast_in_dim3A_739 = vector.broadcast %broadcast_in_dim3A_738 : f32 to vector<16xf32>
      %mul3A_740 = arith.constant 200 : i32
      %mul3A_741 = arith.muli %add3A_722, %mul3A_740 : i32
      %add3A_742 = arith.constant 0 : i32
      %add3A_743 = arith.addi %mul3A_741, %add3A_742 : i32
      %get3A_744 = arith.index_cast %add3A_743 : i32 to index
      %get3A_745 = tpu.vector_load %arg5[%get3A_744] {strides = array<i32>} : memref<25600xi32, #tpu.memory_space<vmem>>, vector<16xi32>,
      %ne3A_746 = arith.constant 0 : i32
      %ne3A_747 = vector.broadcast %ne3A_746 : i32 to vector<16xi32>
      %ne3A_748 = arith.cmpi ne, %get3A_745, %ne3A_747 : vector<16xi32>
      %jit3A_749 = arith.constant 1.000000e+00 : f32
      %jit3A_750 = arith.constant 0.000000e+00 : f32
      %broadcast_in_dim3A_751 = vector.broadcast %jit3A_749 : f32 to vector<16xf32>
      %broadcast_in_dim3A_752 = vector.broadcast %jit3A_750 : f32 to vector<16xf32>
      %select_n3A_753 = arith.select %ne3A_748, %broadcast_in_dim3A_751, %broadcast_in_dim3A_752 : vector<16xi1>, vector<16xf32>
      %add3A_754 = arith.addf %broadcast_in_dim3A_739, %select_n3A_753 : vector<16xf32>
      %mul3A_755 = arith.constant 200 : i32
      %mul3A_756 = arith.muli %add3A_722, %mul3A_755 : i32
      %add3A_757 = arith.constant 16 : i32
      %add3A_758 = arith.addi %mul3A_756, %add3A_757 : i32
      %get3A_759 = arith.index_cast %add3A_758 : i32 to index
      %get3A_760 = tpu.vector_load %arg5[%get3A_759] {strides = array<i32>} : memref<25600xi32, #tpu.memory_space<vmem>>, vector<16xi32>,
      %ne3A_761 = arith.constant 0 : i32
      %ne3A_762 = vector.broadcast %ne3A_761 : i32 to vector<16xi32>
      %ne3A_763 = arith.cmpi ne, %get3A_760, %ne3A_762 : vector<16xi32>
      %jit3A_764 = arith.constant 1.000000e+00 : f32
      %jit3A_765 = arith.constant 0.000000e+00 : f32
      %broadcast_in_dim3A_766 = vector.broadcast %jit3A_764 : f32 to vector<16xf32>
      %broadcast_in_dim3A_767 = vector.broadcast %jit3A_765 : f32 to vector<16xf32>
      %select_n3A_768 = arith.select %ne3A_763, %broadcast_in_dim3A_766, %broadcast_in_dim3A_767 : vector<16xi1>, vector<16xf32>
      %add3A_769 = arith.addf %add3A_754, %select_n3A_768 : vector<16xf32>
      %mul3A_770 = arith.constant 200 : i32
      %mul3A_771 = arith.muli %add3A_722, %mul3A_770 : i32
      %add3A_772 = arith.constant 32 : i32
      %add3A_773 = arith.addi %mul3A_771, %add3A_772 : i32
      %get3A_774 = arith.index_cast %add3A_773 : i32 to index
      %get3A_775 = tpu.vector_load %arg5[%get3A_774] {strides = array<i32>} : memref<25600xi32, #tpu.memory_space<vmem>>, vector<16xi32>,
      %ne3A_776 = arith.constant 0 : i32
      %ne3A_777 = vector.broadcast %ne3A_776 : i32 to vector<16xi32>
      %ne3A_778 = arith.cmpi ne, %get3A_775, %ne3A_777 : vector<16xi32>
      %jit3A_779 = arith.constant 1.000000e+00 : f32
      %jit3A_780 = arith.constant 0.000000e+00 : f32
      %broadcast_in_dim3A_781 = vector.broadcast %jit3A_779 : f32 to vector<16xf32>
      %broadcast_in_dim3A_782 = vector.broadcast %jit3A_780 : f32 to vector<16xf32>
      %select_n3A_783 = arith.select %ne3A_778, %broadcast_in_dim3A_781, %broadcast_in_dim3A_782 : vector<16xi1>, vector<16xf32>
      %add3A_784 = arith.addf %add3A_769, %select_n3A_783 : vector<16xf32>
      %mul3A_785 = arith.constant 200 : i32
      %mul3A_786 = arith.muli %add3A_722, %mul3A_785 : i32
      %add3A_787 = arith.constant 48 : i32
      %add3A_788 = arith.addi %mul3A_786, %add3A_787 : i32
      %get3A_789 = arith.index_cast %add3A_788 : i32 to index
      %get3A_790 = tpu.vector_load %arg5[%get3A_789] {strides = array<i32>} : memref<25600xi32, #tpu.memory_space<vmem>>, vector<16xi32>,
      %ne3A_791 = arith.constant 0 : i32
      %ne3A_792 = vector.broadcast %ne3A_791 : i32 to vector<16xi32>
      %ne3A_793 = arith.cmpi ne, %get3A_790, %ne3A_792 : vector<16xi32>
      %jit3A_794 = arith.constant 1.000000e+00 : f32
      %jit3A_795 = arith.constant 0.000000e+00 : f32
      %broadcast_in_dim3A_796 = vector.broadcast %jit3A_794 : f32 to vector<16xf32>
      %broadcast_in_dim3A_797 = vector.broadcast %jit3A_795 : f32 to vector<16xf32>
      %select_n3A_798 = arith.select %ne3A_793, %broadcast_in_dim3A_796, %broadcast_in_dim3A_797 : vector<16xi1>, vector<16xf32>
      %add3A_799 = arith.addf %add3A_784, %select_n3A_798 : vector<16xf32>
      %mul3A_800 = arith.constant 200 : i32
      %mul3A_801 = arith.muli %add3A_722, %mul3A_800 : i32
      %add3A_802 = arith.constant 64 : i32
      %add3A_803 = arith.addi %mul3A_801, %add3A_802 : i32
      %get3A_804 = arith.index_cast %add3A_803 : i32 to index
      %get3A_805 = tpu.vector_load %arg5[%get3A_804] {strides = array<i32>} : memref<25600xi32, #tpu.memory_space<vmem>>, vector<16xi32>,
      %ne3A_806 = arith.constant 0 : i32
      %ne3A_807 = vector.broadcast %ne3A_806 : i32 to vector<16xi32>
      %ne3A_808 = arith.cmpi ne, %get3A_805, %ne3A_807 : vector<16xi32>
      %jit3A_809 = arith.constant 1.000000e+00 : f32
      %jit3A_810 = arith.constant 0.000000e+00 : f32
      %broadcast_in_dim3A_811 = vector.broadcast %jit3A_809 : f32 to vector<16xf32>
      %broadcast_in_dim3A_812 = vector.broadcast %jit3A_810 : f32 to vector<16xf32>
      %select_n3A_813 = arith.select %ne3A_808, %broadcast_in_dim3A_811, %broadcast_in_dim3A_812 : vector<16xi1>, vector<16xf32>
      %add3A_814 = arith.addf %add3A_799, %select_n3A_813 : vector<16xf32>
      %mul3A_815 = arith.constant 200 : i32
      %mul3A_816 = arith.muli %add3A_722, %mul3A_815 : i32
      %add3A_817 = arith.constant 80 : i32
      %add3A_818 = arith.addi %mul3A_816, %add3A_817 : i32
      %get3A_819 = arith.index_cast %add3A_818 : i32 to index
      %get3A_820 = tpu.vector_load %arg5[%get3A_819] {strides = array<i32>} : memref<25600xi32, #tpu.memory_space<vmem>>, vector<16xi32>,
      %ne3A_821 = arith.constant 0 : i32
      %ne3A_822 = vector.broadcast %ne3A_821 : i32 to vector<16xi32>
      %ne3A_823 = arith.cmpi ne, %get3A_820, %ne3A_822 : vector<16xi32>
      %jit3A_824 = arith.constant 1.000000e+00 : f32
      %jit3A_825 = arith.constant 0.000000e+00 : f32
      %broadcast_in_dim3A_826 = vector.broadcast %jit3A_824 : f32 to vector<16xf32>
      %broadcast_in_dim3A_827 = vector.broadcast %jit3A_825 : f32 to vector<16xf32>
      %select_n3A_828 = arith.select %ne3A_823, %broadcast_in_dim3A_826, %broadcast_in_dim3A_827 : vector<16xi1>, vector<16xf32>
      %add3A_829 = arith.addf %add3A_814, %select_n3A_828 : vector<16xf32>
      %mul3A_830 = arith.constant 200 : i32
      %mul3A_831 = arith.muli %add3A_722, %mul3A_830 : i32
      %add3A_832 = arith.constant 96 : i32
      %add3A_833 = arith.addi %mul3A_831, %add3A_832 : i32
      %get3A_834 = arith.index_cast %add3A_833 : i32 to index
      %get3A_835 = tpu.vector_load %arg5[%get3A_834] {strides = array<i32>} : memref<25600xi32, #tpu.memory_space<vmem>>, vector<16xi32>,
      %ne3A_836 = arith.constant 0 : i32
      %ne3A_837 = vector.broadcast %ne3A_836 : i32 to vector<16xi32>
      %ne3A_838 = arith.cmpi ne, %get3A_835, %ne3A_837 : vector<16xi32>
      %jit3A_839 = arith.constant 1.000000e+00 : f32
      %jit3A_840 = arith.constant 0.000000e+00 : f32
      %broadcast_in_dim3A_841 = vector.broadcast %jit3A_839 : f32 to vector<16xf32>
      %broadcast_in_dim3A_842 = vector.broadcast %jit3A_840 : f32 to vector<16xf32>
      %select_n3A_843 = arith.select %ne3A_838, %broadcast_in_dim3A_841, %broadcast_in_dim3A_842 : vector<16xi1>, vector<16xf32>
      %add3A_844 = arith.addf %add3A_829, %select_n3A_843 : vector<16xf32>
      %mul3A_845 = arith.constant 200 : i32
      %mul3A_846 = arith.muli %add3A_722, %mul3A_845 : i32
      %add3A_847 = arith.constant 112 : i32
      %add3A_848 = arith.addi %mul3A_846, %add3A_847 : i32
      %get3A_849 = arith.index_cast %add3A_848 : i32 to index
      %get3A_850 = tpu.vector_load %arg5[%get3A_849] {strides = array<i32>} : memref<25600xi32, #tpu.memory_space<vmem>>, vector<16xi32>,
      %ne3A_851 = arith.constant 0 : i32
      %ne3A_852 = vector.broadcast %ne3A_851 : i32 to vector<16xi32>
      %ne3A_853 = arith.cmpi ne, %get3A_850, %ne3A_852 : vector<16xi32>
      %jit3A_854 = arith.constant 1.000000e+00 : f32
      %jit3A_855 = arith.constant 0.000000e+00 : f32
      %broadcast_in_dim3A_856 = vector.broadcast %jit3A_854 : f32 to vector<16xf32>
      %broadcast_in_dim3A_857 = vector.broadcast %jit3A_855 : f32 to vector<16xf32>
      %select_n3A_858 = arith.select %ne3A_853, %broadcast_in_dim3A_856, %broadcast_in_dim3A_857 : vector<16xi1>, vector<16xf32>
      %add3A_859 = arith.addf %add3A_844, %select_n3A_858 : vector<16xf32>
      %mul3A_860 = arith.constant 200 : i32
      %mul3A_861 = arith.muli %add3A_722, %mul3A_860 : i32
      %add3A_862 = arith.constant 128 : i32
      %add3A_863 = arith.addi %mul3A_861, %add3A_862 : i32
      %get3A_864 = arith.index_cast %add3A_863 : i32 to index
      %get3A_865 = tpu.vector_load %arg5[%get3A_864] {strides = array<i32>} : memref<25600xi32, #tpu.memory_space<vmem>>, vector<16xi32>,
      %ne3A_866 = arith.constant 0 : i32
      %ne3A_867 = vector.broadcast %ne3A_866 : i32 to vector<16xi32>
      %ne3A_868 = arith.cmpi ne, %get3A_865, %ne3A_867 : vector<16xi32>
      %jit3A_869 = arith.constant 1.000000e+00 : f32
      %jit3A_870 = arith.constant 0.000000e+00 : f32
      %broadcast_in_dim3A_871 = vector.broadcast %jit3A_869 : f32 to vector<16xf32>
      %broadcast_in_dim3A_872 = vector.broadcast %jit3A_870 : f32 to vector<16xf32>
      %select_n3A_873 = arith.select %ne3A_868, %broadcast_in_dim3A_871, %broadcast_in_dim3A_872 : vector<16xi1>, vector<16xf32>
      %add3A_874 = arith.addf %add3A_859, %select_n3A_873 : vector<16xf32>
      %mul3A_875 = arith.constant 200 : i32
      %mul3A_876 = arith.muli %add3A_722, %mul3A_875 : i32
      %add3A_877 = arith.constant 144 : i32
      %add3A_878 = arith.addi %mul3A_876, %add3A_877 : i32
      %get3A_879 = arith.index_cast %add3A_878 : i32 to index
      %get3A_880 = tpu.vector_load %arg5[%get3A_879] {strides = array<i32>} : memref<25600xi32, #tpu.memory_space<vmem>>, vector<16xi32>,
      %ne3A_881 = arith.constant 0 : i32
      %ne3A_882 = vector.broadcast %ne3A_881 : i32 to vector<16xi32>
      %ne3A_883 = arith.cmpi ne, %get3A_880, %ne3A_882 : vector<16xi32>
      %jit3A_884 = arith.constant 1.000000e+00 : f32
      %jit3A_885 = arith.constant 0.000000e+00 : f32
      %broadcast_in_dim3A_886 = vector.broadcast %jit3A_884 : f32 to vector<16xf32>
      %broadcast_in_dim3A_887 = vector.broadcast %jit3A_885 : f32 to vector<16xf32>
      %select_n3A_888 = arith.select %ne3A_883, %broadcast_in_dim3A_886, %broadcast_in_dim3A_887 : vector<16xi1>, vector<16xf32>
      %add3A_889 = arith.addf %add3A_874, %select_n3A_888 : vector<16xf32>
      %mul3A_890 = arith.constant 200 : i32
      %mul3A_891 = arith.muli %add3A_722, %mul3A_890 : i32
      %add3A_892 = arith.constant 160 : i32
      %add3A_893 = arith.addi %mul3A_891, %add3A_892 : i32
      %get3A_894 = arith.index_cast %add3A_893 : i32 to index
      %get3A_895 = tpu.vector_load %arg5[%get3A_894] {strides = array<i32>} : memref<25600xi32, #tpu.memory_space<vmem>>, vector<16xi32>,
      %ne3A_896 = arith.constant 0 : i32
      %ne3A_897 = vector.broadcast %ne3A_896 : i32 to vector<16xi32>
      %ne3A_898 = arith.cmpi ne, %get3A_895, %ne3A_897 : vector<16xi32>
      %jit3A_899 = arith.constant 1.000000e+00 : f32
      %jit3A_900 = arith.constant 0.000000e+00 : f32
      %broadcast_in_dim3A_901 = vector.broadcast %jit3A_899 : f32 to vector<16xf32>
      %broadcast_in_dim3A_902 = vector.broadcast %jit3A_900 : f32 to vector<16xf32>
      %select_n3A_903 = arith.select %ne3A_898, %broadcast_in_dim3A_901, %broadcast_in_dim3A_902 : vector<16xi1>, vector<16xf32>
      %add3A_904 = arith.addf %add3A_889, %select_n3A_903 : vector<16xf32>
      %mul3A_905 = arith.constant 200 : i32
      %mul3A_906 = arith.muli %add3A_722, %mul3A_905 : i32
      %add3A_907 = arith.constant 176 : i32
      %add3A_908 = arith.addi %mul3A_906, %add3A_907 : i32
      %get3A_909 = arith.index_cast %add3A_908 : i32 to index
      %get3A_910 = tpu.vector_load %arg5[%get3A_909] {strides = array<i32>} : memref<25600xi32, #tpu.memory_space<vmem>>, vector<16xi32>,
      %ne3A_911 = arith.constant 0 : i32
      %ne3A_912 = vector.broadcast %ne3A_911 : i32 to vector<16xi32>
      %ne3A_913 = arith.cmpi ne, %get3A_910, %ne3A_912 : vector<16xi32>
      %jit3A_914 = arith.constant 1.000000e+00 : f32
      %jit3A_915 = arith.constant 0.000000e+00 : f32
      %broadcast_in_dim3A_916 = vector.broadcast %jit3A_914 : f32 to vector<16xf32>
      %broadcast_in_dim3A_917 = vector.broadcast %jit3A_915 : f32 to vector<16xf32>
      %select_n3A_918 = arith.select %ne3A_913, %broadcast_in_dim3A_916, %broadcast_in_dim3A_917 : vector<16xi1>, vector<16xf32>
      %add3A_919 = arith.addf %add3A_904, %select_n3A_918 : vector<16xf32>
      %mul3A_920 = arith.constant 200 : i32
      %mul3A_921 = arith.muli %add3A_722, %mul3A_920 : i32
      %add3A_922 = arith.constant 200 : i32
      %add3A_923 = arith.addi %mul3A_921, %add3A_922 : i32
      %sub3A_924 = arith.constant 16 : i32
      %sub3A_925 = arith.subi %add3A_923, %sub3A_924 : i32
      %get3A_926 = arith.index_cast %sub3A_925 : i32 to index
      %get3A_927 = tpu.vector_load %arg5[%get3A_926] {strides = array<i32>} : memref<25600xi32, #tpu.memory_space<vmem>>, vector<16xi32>,
      %iota3A_928 = tpu.iota {dimensions = array<i32: 0>} : vector<16xi32>
      %ne3A_929 = arith.constant 0 : i32
      %ne3A_930 = vector.broadcast %ne3A_929 : i32 to vector<16xi32>
      %ne3A_931 = arith.cmpi ne, %get3A_927, %ne3A_930 : vector<16xi32>
      %ge3A_932 = arith.constant 8 : i32
      %ge3A_933 = vector.broadcast %ge3A_932 : i32 to vector<16xi32>
      %ge3A_934 = arith.cmpi sge, %iota3A_928, %ge3A_933 : vector<16xi32>
      %and3A_935 = arith.andi %ne3A_931, %ge3A_934 : vector<16xi1>
      %jit3A_936 = arith.constant 1.000000e+00 : f32
      %jit3A_937 = arith.constant 0.000000e+00 : f32
      %broadcast_in_dim3A_938 = vector.broadcast %jit3A_936 : f32 to vector<16xf32>
      %broadcast_in_dim3A_939 = vector.broadcast %jit3A_937 : f32 to vector<16xf32>
      %select_n3A_940 = arith.select %and3A_935, %broadcast_in_dim3A_938, %broadcast_in_dim3A_939 : vector<16xi1>, vector<16xf32>
      %add3A_941 = arith.addf %add3A_919, %select_n3A_940 : vector<16xf32>
      %reduce_sum3A_942 = arith.constant true
      %reduce_sum3A_943 = vector.broadcast %reduce_sum3A_942 : i1 to vector<16xi1>
      %reduce_sum3A_944 = tpu.scan <sum>, %add3A_941 masked %reduce_sum3A_943 : vector<16xf32>, vector<16xi1> -> vector<16xf32>
      %reduce_sum3A_945 = vector.extract %reduce_sum3A_944[15] : f32 from vector<16xf32>
      %broadcast_in_dim3A_946 = vector.broadcast %reduce_sum3A_945 : f32 to vector<16xf32>
      %add3A_947 = arith.constant 9.99999974E-6 : f32
      %add3A_948 = vector.broadcast %add3A_947 : f32 to vector<16xf32>
      %add3A_949 = arith.addf %broadcast_in_dim3A_946, %add3A_948 : vector<16xf32>
      %div3A_950 = arith.constant 1.000000e+00 : f32
      %div3A_951 = vector.broadcast %div3A_950 : f32 to vector<16xf32>
      %div3A_952 = arith.divf %div3A_951, %add3A_949 : vector<16xf32>
      %ge3A_953 = arith.constant 4 : i32
      %ge3A_954 = arith.cmpi sge, %add3A_722, %ge3A_953 : i32
      %convert_element_type3A_955 = arith.extui %ge3A_954 : i1 to i32
      %cond3A_956 = arith.constant 0 : i32
      %cond3A_957 = arith.cmpi ne, %convert_element_type3A_955, %cond3A_956 : i32
      scf.if %cond3A_957 {
        %add3A_1301 = arith.addi %mul3A_2, %add3A_722 : i32
        %sub3A_1302 = arith.constant 4 : i32
        %sub3A_1303 = arith.subi %add3A_1301, %sub3A_1302 : i32
        %dma_wait3A_1304 = arith.constant 0 : i32
        %dma_wait3A_1305 = tpu.memref_slice %arg4[%sub3A_1303, %dma_wait3A_1304] : memref<4096x128xf32, #tpu.memory_space<hbm>> -> memref<1x128xf32, #tpu.memory_space<hbm>>
        %dma_wait3A_1306 = tpu.memref_squeeze %dma_wait3A_1305 : memref<1x128xf32, #tpu.memory_space<hbm>> -> memref<128xf32, #tpu.memory_space<hbm>>
        %dma_wait3A_1307 = arith.constant 0 : i32
        %dma_wait3A_1308 = tpu.memref_slice %arg4[%sub3A_1303, %dma_wait3A_1307] : memref<4096x128xf32, #tpu.memory_space<hbm>> -> memref<1x128xf32, #tpu.memory_space<hbm>>
        %dma_wait3A_1309 = tpu.memref_squeeze %dma_wait3A_1308 : memref<1x128xf32, #tpu.memory_space<hbm>> -> memref<128xf32, #tpu.memory_space<hbm>>
        tpu.wait_dma2 semaphore(%arg20 : memref<!tpu.dma_semaphore, #tpu.memory_space<semaphore_mem>>) src(%arg12 : memref<128xf32, #tpu.memory_space<vmem>>) dst(%dma_wait3A_1309 : memref<128xf32, #tpu.memory_space<hbm>>)
      } else {
      }
      %broadcast_in_dim3A_958 = arith.constant 0.000000e+00 : f32
      %broadcast_in_dim3A_959 = vector.broadcast %broadcast_in_dim3A_958 : f32 to vector<16xf32>
      %broadcast_in_dim3A_960 = arith.constant 0.000000e+00 : f32
      %broadcast_in_dim3A_961 = vector.broadcast %broadcast_in_dim3A_960 : f32 to vector<16xf32>
      %broadcast_in_dim3A_962 = arith.constant 0.000000e+00 : f32
      %broadcast_in_dim3A_963 = vector.broadcast %broadcast_in_dim3A_962 : f32 to vector<16xf32>
      %broadcast_in_dim3A_964 = arith.constant 0.000000e+00 : f32
      %broadcast_in_dim3A_965 = vector.broadcast %broadcast_in_dim3A_964 : f32 to vector<16xf32>
      %broadcast_in_dim3A_966 = arith.constant 0.000000e+00 : f32
      %broadcast_in_dim3A_967 = vector.broadcast %broadcast_in_dim3A_966 : f32 to vector<16xf32>
      %broadcast_in_dim3A_968 = arith.constant 0.000000e+00 : f32
      %broadcast_in_dim3A_969 = vector.broadcast %broadcast_in_dim3A_968 : f32 to vector<16xf32>
      %broadcast_in_dim3A_970 = arith.constant 0.000000e+00 : f32
      %broadcast_in_dim3A_971 = vector.broadcast %broadcast_in_dim3A_970 : f32 to vector<16xf32>
      %broadcast_in_dim3A_972 = arith.constant 0.000000e+00 : f32
      %broadcast_in_dim3A_973 = vector.broadcast %broadcast_in_dim3A_972 : f32 to vector<16xf32>
      %scan3A_974 = arith.constant 0 : i32
      %scan3A_975 = arith.constant 200 : i32
      %scan3A_976 = arith.addi %scan3A_974, %scan3A_975 : i32
      %scan3A_977 = arith.constant 2 : i32
      %scan3A_978:8 = scf.for %scan3A_1301 = %scan3A_974 to %scan3A_976 step %scan3A_977 iter_args(%scan3A_1302 = %broadcast_in_dim3A_959, %scan3A_1303 = %broadcast_in_dim3A_961, %scan3A_1304 = %broadcast_in_dim3A_963, %scan3A_1305 = %broadcast_in_dim3A_965, %scan3A_1306 = %broadcast_in_dim3A_967, %scan3A_1307 = %broadcast_in_dim3A_969, %scan3A_1308 = %broadcast_in_dim3A_971, %scan3A_1309 = %broadcast_in_dim3A_973) -> (vector<16xf32>, vector<16xf32>, vector<16xf32>, vector<16xf32>, vector<16xf32>, vector<16xf32>, vector<16xf32>, vector<16xf32>)  : i32 {
        %mul3A_1310 = arith.constant 1 : i32
        %mul3A_1311 = arith.muli %scan3A_1301, %mul3A_1310 : i32
        %add3A_1312 = arith.constant 0 : i32
        %add3A_1313 = arith.addi %add3A_1312, %mul3A_1311 : i32
        %get3A_1314 = arith.index_cast %add3A_1313 : i32 to index
        %get3A_1315 = arith.constant 0 : index
        %get3A_1316 = tpu.vector_load %arg8[%get3A_1314, %get3A_1315] {strides = array<i32>} : memref<200x128xf32, #tpu.memory_space<vmem>>, vector<16xf32>,
        %add3A_1317 = arith.addf %scan3A_1302, %get3A_1316 : vector<16xf32>
        %get3A_1318 = arith.index_cast %add3A_1313 : i32 to index
        %get3A_1319 = arith.constant 16 : index
        %get3A_1320 = tpu.vector_load %arg8[%get3A_1318, %get3A_1319] {strides = array<i32>} : memref<200x128xf32, #tpu.memory_space<vmem>>, vector<16xf32>,
        %add3A_1321 = arith.addf %scan3A_1303, %get3A_1320 : vector<16xf32>
        %get3A_1322 = arith.index_cast %add3A_1313 : i32 to index
        %get3A_1323 = arith.constant 32 : index
        %get3A_1324 = tpu.vector_load %arg8[%get3A_1322, %get3A_1323] {strides = array<i32>} : memref<200x128xf32, #tpu.memory_space<vmem>>, vector<16xf32>,
        %add3A_1325 = arith.addf %scan3A_1304, %get3A_1324 : vector<16xf32>
        %get3A_1326 = arith.index_cast %add3A_1313 : i32 to index
        %get3A_1327 = arith.constant 48 : index
        %get3A_1328 = tpu.vector_load %arg8[%get3A_1326, %get3A_1327] {strides = array<i32>} : memref<200x128xf32, #tpu.memory_space<vmem>>, vector<16xf32>,
        %add3A_1329 = arith.addf %scan3A_1305, %get3A_1328 : vector<16xf32>
        %get3A_1330 = arith.index_cast %add3A_1313 : i32 to index
        %get3A_1331 = arith.constant 64 : index
        %get3A_1332 = tpu.vector_load %arg8[%get3A_1330, %get3A_1331] {strides = array<i32>} : memref<200x128xf32, #tpu.memory_space<vmem>>, vector<16xf32>,
        %add3A_1333 = arith.addf %scan3A_1306, %get3A_1332 : vector<16xf32>
        %get3A_1334 = arith.index_cast %add3A_1313 : i32 to index
        %get3A_1335 = arith.constant 80 : index
        %get3A_1336 = tpu.vector_load %arg8[%get3A_1334, %get3A_1335] {strides = array<i32>} : memref<200x128xf32, #tpu.memory_space<vmem>>, vector<16xf32>,
        %add3A_1337 = arith.addf %scan3A_1307, %get3A_1336 : vector<16xf32>
        %get3A_1338 = arith.index_cast %add3A_1313 : i32 to index
        %get3A_1339 = arith.constant 96 : index
        %get3A_1340 = tpu.vector_load %arg8[%get3A_1338, %get3A_1339] {strides = array<i32>} : memref<200x128xf32, #tpu.memory_space<vmem>>, vector<16xf32>,
        %add3A_1341 = arith.addf %scan3A_1308, %get3A_1340 : vector<16xf32>
        %get3A_1342 = arith.index_cast %add3A_1313 : i32 to index
        %get3A_1343 = arith.constant 112 : index
        %get3A_1344 = tpu.vector_load %arg8[%get3A_1342, %get3A_1343] {strides = array<i32>} : memref<200x128xf32, #tpu.memory_space<vmem>>, vector<16xf32>,
        %add3A_1345 = arith.addf %scan3A_1309, %get3A_1344 : vector<16xf32>
        %scan3A_1346 = arith.constant 1 : i32
        %scan3A_1347 = arith.addi %scan3A_1301, %scan3A_1346 : i32
        %mul3A_1348 = arith.constant 1 : i32
        %mul3A_1349 = arith.muli %scan3A_1347, %mul3A_1348 : i32
        %add3A_1350 = arith.constant 0 : i32
        %add3A_1351 = arith.addi %add3A_1350, %mul3A_1349 : i32
        %get3A_1352 = arith.index_cast %add3A_1351 : i32 to index
        %get3A_1353 = arith.constant 0 : index
        %get3A_1354 = tpu.vector_load %arg8[%get3A_1352, %get3A_1353] {strides = array<i32>} : memref<200x128xf32, #tpu.memory_space<vmem>>, vector<16xf32>,
        %add3A_1355 = arith.addf %add3A_1317, %get3A_1354 : vector<16xf32>
        %get3A_1356 = arith.index_cast %add3A_1351 : i32 to index
        %get3A_1357 = arith.constant 16 : index
        %get3A_1358 = tpu.vector_load %arg8[%get3A_1356, %get3A_1357] {strides = array<i32>} : memref<200x128xf32, #tpu.memory_space<vmem>>, vector<16xf32>,
        %add3A_1359 = arith.addf %add3A_1321, %get3A_1358 : vector<16xf32>
        %get3A_1360 = arith.index_cast %add3A_1351 : i32 to index
        %get3A_1361 = arith.constant 32 : index
        %get3A_1362 = tpu.vector_load %arg8[%get3A_1360, %get3A_1361] {strides = array<i32>} : memref<200x128xf32, #tpu.memory_space<vmem>>, vector<16xf32>,
        %add3A_1363 = arith.addf %add3A_1325, %get3A_1362 : vector<16xf32>
        %get3A_1364 = arith.index_cast %add3A_1351 : i32 to index
        %get3A_1365 = arith.constant 48 : index
        %get3A_1366 = tpu.vector_load %arg8[%get3A_1364, %get3A_1365] {strides = array<i32>} : memref<200x128xf32, #tpu.memory_space<vmem>>, vector<16xf32>,
        %add3A_1367 = arith.addf %add3A_1329, %get3A_1366 : vector<16xf32>
        %get3A_1368 = arith.index_cast %add3A_1351 : i32 to index
        %get3A_1369 = arith.constant 64 : index
        %get3A_1370 = tpu.vector_load %arg8[%get3A_1368, %get3A_1369] {strides = array<i32>} : memref<200x128xf32, #tpu.memory_space<vmem>>, vector<16xf32>,
        %add3A_1371 = arith.addf %add3A_1333, %get3A_1370 : vector<16xf32>
        %get3A_1372 = arith.index_cast %add3A_1351 : i32 to index
        %get3A_1373 = arith.constant 80 : index
        %get3A_1374 = tpu.vector_load %arg8[%get3A_1372, %get3A_1373] {strides = array<i32>} : memref<200x128xf32, #tpu.memory_space<vmem>>, vector<16xf32>,
        %add3A_1375 = arith.addf %add3A_1337, %get3A_1374 : vector<16xf32>
        %get3A_1376 = arith.index_cast %add3A_1351 : i32 to index
        %get3A_1377 = arith.constant 96 : index
        %get3A_1378 = tpu.vector_load %arg8[%get3A_1376, %get3A_1377] {strides = array<i32>} : memref<200x128xf32, #tpu.memory_space<vmem>>, vector<16xf32>,
        %add3A_1379 = arith.addf %add3A_1341, %get3A_1378 : vector<16xf32>
        %get3A_1380 = arith.index_cast %add3A_1351 : i32 to index
        %get3A_1381 = arith.constant 112 : index
        %get3A_1382 = tpu.vector_load %arg8[%get3A_1380, %get3A_1381] {strides = array<i32>} : memref<200x128xf32, #tpu.memory_space<vmem>>, vector<16xf32>,
        %add3A_1383 = arith.addf %add3A_1345, %get3A_1382 : vector<16xf32>
        scf.yield %add3A_1355, %add3A_1359, %add3A_1363, %add3A_1367, %add3A_1371, %add3A_1375, %add3A_1379, %add3A_1383 : vector<16xf32>, vector<16xf32>, vector<16xf32>, vector<16xf32>, vector<16xf32>, vector<16xf32>, vector<16xf32>, vector<16xf32>
      }
      %scan3A_979 = arith.constant 200 : i32
      %mul3A_980 = arith.mulf %scan3A_978#0, %div3A_952 : vector<16xf32>
      %swap3A_981 = arith.constant 0 : index
      %swap3A_982 = tpu.vector_load %arg12[%swap3A_981] {strides = array<i32>} : memref<128xf32, #tpu.memory_space<vmem>>, vector<16xf32>,
      tpu.vector_store %arg12[%swap3A_981], %mul3A_980 {strides = array<i32>} : memref<128xf32, #tpu.memory_space<vmem>>, vector<16xf32>,
      %mul3A_983 = arith.mulf %scan3A_978#1, %div3A_952 : vector<16xf32>
      %swap3A_984 = arith.constant 16 : index
      %swap3A_985 = tpu.vector_load %arg12[%swap3A_984] {strides = array<i32>} : memref<128xf32, #tpu.memory_space<vmem>>, vector<16xf32>,
      tpu.vector_store %arg12[%swap3A_984], %mul3A_983 {strides = array<i32>} : memref<128xf32, #tpu.memory_space<vmem>>, vector<16xf32>,
      %mul3A_986 = arith.mulf %scan3A_978#2, %div3A_952 : vector<16xf32>
      %swap3A_987 = arith.constant 32 : index
      %swap3A_988 = tpu.vector_load %arg12[%swap3A_987] {strides = array<i32>} : memref<128xf32, #tpu.memory_space<vmem>>, vector<16xf32>,
      tpu.vector_store %arg12[%swap3A_987], %mul3A_986 {strides = array<i32>} : memref<128xf32, #tpu.memory_space<vmem>>, vector<16xf32>,
      %mul3A_989 = arith.mulf %scan3A_978#3, %div3A_952 : vector<16xf32>
      %swap3A_990 = arith.constant 48 : index
      %swap3A_991 = tpu.vector_load %arg12[%swap3A_990] {strides = array<i32>} : memref<128xf32, #tpu.memory_space<vmem>>, vector<16xf32>,
      tpu.vector_store %arg12[%swap3A_990], %mul3A_989 {strides = array<i32>} : memref<128xf32, #tpu.memory_space<vmem>>, vector<16xf32>,
      %mul3A_992 = arith.mulf %scan3A_978#4, %div3A_952 : vector<16xf32>
      %swap3A_993 = arith.constant 64 : index
      %swap3A_994 = tpu.vector_load %arg12[%swap3A_993] {strides = array<i32>} : memref<128xf32, #tpu.memory_space<vmem>>, vector<16xf32>,
      tpu.vector_store %arg12[%swap3A_993], %mul3A_992 {strides = array<i32>} : memref<128xf32, #tpu.memory_space<vmem>>, vector<16xf32>,
      %mul3A_995 = arith.mulf %scan3A_978#5, %div3A_952 : vector<16xf32>
      %swap3A_996 = arith.constant 80 : index
      %swap3A_997 = tpu.vector_load %arg12[%swap3A_996] {strides = array<i32>} : memref<128xf32, #tpu.memory_space<vmem>>, vector<16xf32>,
      tpu.vector_store %arg12[%swap3A_996], %mul3A_995 {strides = array<i32>} : memref<128xf32, #tpu.memory_space<vmem>>, vector<16xf32>,
      %mul3A_998 = arith.mulf %scan3A_978#6, %div3A_952 : vector<16xf32>
      %swap3A_999 = arith.constant 96 : index
      %swap3A_1000 = tpu.vector_load %arg12[%swap3A_999] {strides = array<i32>} : memref<128xf32, #tpu.memory_space<vmem>>, vector<16xf32>,
      tpu.vector_store %arg12[%swap3A_999], %mul3A_998 {strides = array<i32>} : memref<128xf32, #tpu.memory_space<vmem>>, vector<16xf32>,
      %mul3A_1001 = arith.mulf %scan3A_978#7, %div3A_952 : vector<16xf32>
      %swap3A_1002 = arith.constant 112 : index
      %swap3A_1003 = tpu.vector_load %arg12[%swap3A_1002] {strides = array<i32>} : memref<128xf32, #tpu.memory_space<vmem>>, vector<16xf32>,
      tpu.vector_store %arg12[%swap3A_1002], %mul3A_1001 {strides = array<i32>} : memref<128xf32, #tpu.memory_space<vmem>>, vector<16xf32>,
      %add3A_1004 = arith.addi %mul3A_2, %add3A_722 : i32
      %dma_start3A_1005 = arith.constant 0 : i32
      %dma_start3A_1006 = tpu.memref_slice %arg4[%add3A_1004, %dma_start3A_1005] : memref<4096x128xf32, #tpu.memory_space<hbm>> -> memref<1x128xf32, #tpu.memory_space<hbm>>
      %dma_start3A_1007 = tpu.memref_squeeze %dma_start3A_1006 : memref<1x128xf32, #tpu.memory_space<hbm>> -> memref<128xf32, #tpu.memory_space<hbm>>
      %dma_start3A_1008 = arith.constant 0 : i32
      %dma_start3A_1009 = tpu.memref_slice %arg4[%add3A_1004, %dma_start3A_1008] : memref<4096x128xf32, #tpu.memory_space<hbm>> -> memref<1x128xf32, #tpu.memory_space<hbm>>
      %dma_start3A_1010 = tpu.memref_squeeze %dma_start3A_1009 : memref<1x128xf32, #tpu.memory_space<hbm>> -> memref<128xf32, #tpu.memory_space<hbm>>
      tpu.enqueue_dma source(%arg12 : memref<128xf32, #tpu.memory_space<vmem>>) target(%dma_start3A_1010 : memref<128xf32, #tpu.memory_space<hbm>>) target_semaphore(%arg20 : memref<!tpu.dma_semaphore, #tpu.memory_space<semaphore_mem>>)
      %add3A_1011 = arith.constant 3 : i32
      %add3A_1012 = arith.addi %add3A_154, %add3A_1011 : i32
      %dma_wait3A_1013 = arith.constant 0 : i32
      %dma_wait3A_1014 = arith.constant 0 : i32
      %dma_wait3A_1015 = tpu.memref_slice %arg3[%dma_wait3A_1013, %dma_wait3A_1014] : memref<100000x128xf32, #tpu.memory_space<hbm>> -> memref<200x128xf32, #tpu.memory_space<hbm>>
      %dma_wait3A_1016 = arith.constant 0 : i32
      %dma_wait3A_1017 = arith.constant 0 : i32
      %dma_wait3A_1018 = tpu.memref_slice %arg3[%dma_wait3A_1016, %dma_wait3A_1017] : memref<100000x128xf32, #tpu.memory_space<hbm>> -> memref<200x128xf32, #tpu.memory_space<hbm>>
      tpu.wait_dma2 semaphore(%arg17 : memref<!tpu.dma_semaphore, #tpu.memory_space<semaphore_mem>>) src(%dma_wait3A_1018 : memref<200x128xf32, #tpu.memory_space<hbm>>) dst(%arg9 : memref<200x128xf32, #tpu.memory_space<vmem>>)
      %add3A_1019 = arith.constant 4 : i32
      %add3A_1020 = arith.addi %add3A_1012, %add3A_1019 : i32
      %sub3A_1021 = arith.constant 1 : i32
      %sub3A_1022 = arith.subi %add3A_1020, %sub3A_1021 : i32
      %lt3A_1023 = arith.constant 128 : i32
      %lt3A_1024 = arith.cmpi slt, %sub3A_1022, %lt3A_1023 : i32
      %convert_element_type3A_1025 = arith.extui %lt3A_1024 : i1 to i32
      %cond3A_1026 = arith.constant 0 : i32
      %cond3A_1027 = arith.cmpi ne, %convert_element_type3A_1025, %cond3A_1026 : i32
      scf.if %cond3A_1027 {
        %add3A_1301 = arith.constant 4 : i32
        %add3A_1302 = arith.addi %add3A_1012, %add3A_1301 : i32
        %sub3A_1303 = arith.constant 1 : i32
        %sub3A_1304 = arith.subi %add3A_1302, %sub3A_1303 : i32
        %mul3A_1305 = arith.constant 200 : i32
        %mul3A_1306 = arith.muli %sub3A_1304, %mul3A_1305 : i32
        %add3A_1307 = arith.constant 0 : i32
        %add3A_1308 = arith.addi %mul3A_1306, %add3A_1307 : i32
        %dma_start3A_1309 = arith.constant 0 : i32
        %dma_start3A_1310 = arith.constant 0 : i32
        %dma_start3A_1311 = tpu.memref_slice %arg8[%dma_start3A_1309, %dma_start3A_1310] : memref<200x128xf32, #tpu.memory_space<vmem>> -> memref<48x128xf32, #tpu.memory_space<vmem>>
        %dma_start3A_1312 = tpu.memref_slice %arg5[%add3A_1308] : memref<25600xi32, #tpu.memory_space<vmem>> -> memref<48xi32, #tpu.memory_space<vmem>>
        %dma_start3A_1313 = arith.constant 0 : i32
        %dma_start3A_1314 = arith.constant 0 : i32
        %dma_start3A_1315 = tpu.memref_slice %arg3[%dma_start3A_1313, %dma_start3A_1314] : memref<100000x128xf32, #tpu.memory_space<hbm>> -> memref<100000x128xf32, #tpu.memory_space<hbm>>
        tpu.enqueue_indirect_dma source(%dma_start3A_1315 : memref<100000x128xf32, #tpu.memory_space<hbm>>) target(%dma_start3A_1311 : memref<48x128xf32, #tpu.memory_space<vmem>>) offsets(%dma_start3A_1312 : memref<48xi32, #tpu.memory_space<vmem>>) semaphore(%arg16 : memref<!tpu.dma_semaphore, #tpu.memory_space<semaphore_mem>>)
        %mul3A_1316 = arith.constant 200 : i32
        %mul3A_1317 = arith.muli %sub3A_1304, %mul3A_1316 : i32
        %add3A_1318 = arith.constant 48 : i32
        %add3A_1319 = arith.addi %mul3A_1317, %add3A_1318 : i32
        %dma_start3A_1320 = arith.constant 48 : i32
        %dma_start3A_1321 = arith.constant 0 : i32
        %dma_start3A_1322 = tpu.memref_slice %arg8[%dma_start3A_1320, %dma_start3A_1321] : memref<200x128xf32, #tpu.memory_space<vmem>> -> memref<48x128xf32, #tpu.memory_space<vmem>>
        %dma_start3A_1323 = tpu.memref_slice %arg5[%add3A_1319] : memref<25600xi32, #tpu.memory_space<vmem>> -> memref<48xi32, #tpu.memory_space<vmem>>
        %dma_start3A_1324 = arith.constant 0 : i32
        %dma_start3A_1325 = arith.constant 0 : i32
        %dma_start3A_1326 = tpu.memref_slice %arg3[%dma_start3A_1324, %dma_start3A_1325] : memref<100000x128xf32, #tpu.memory_space<hbm>> -> memref<100000x128xf32, #tpu.memory_space<hbm>>
        tpu.enqueue_indirect_dma source(%dma_start3A_1326 : memref<100000x128xf32, #tpu.memory_space<hbm>>) target(%dma_start3A_1322 : memref<48x128xf32, #tpu.memory_space<vmem>>) offsets(%dma_start3A_1323 : memref<48xi32, #tpu.memory_space<vmem>>) semaphore(%arg16 : memref<!tpu.dma_semaphore, #tpu.memory_space<semaphore_mem>>)
        %mul3A_1327 = arith.constant 200 : i32
        %mul3A_1328 = arith.muli %sub3A_1304, %mul3A_1327 : i32
        %add3A_1329 = arith.constant 96 : i32
        %add3A_1330 = arith.addi %mul3A_1328, %add3A_1329 : i32
        %dma_start3A_1331 = arith.constant 96 : i32
        %dma_start3A_1332 = arith.constant 0 : i32
        %dma_start3A_1333 = tpu.memref_slice %arg8[%dma_start3A_1331, %dma_start3A_1332] : memref<200x128xf32, #tpu.memory_space<vmem>> -> memref<48x128xf32, #tpu.memory_space<vmem>>
        %dma_start3A_1334 = tpu.memref_slice %arg5[%add3A_1330] : memref<25600xi32, #tpu.memory_space<vmem>> -> memref<48xi32, #tpu.memory_space<vmem>>
        %dma_start3A_1335 = arith.constant 0 : i32
        %dma_start3A_1336 = arith.constant 0 : i32
        %dma_start3A_1337 = tpu.memref_slice %arg3[%dma_start3A_1335, %dma_start3A_1336] : memref<100000x128xf32, #tpu.memory_space<hbm>> -> memref<100000x128xf32, #tpu.memory_space<hbm>>
        tpu.enqueue_indirect_dma source(%dma_start3A_1337 : memref<100000x128xf32, #tpu.memory_space<hbm>>) target(%dma_start3A_1333 : memref<48x128xf32, #tpu.memory_space<vmem>>) offsets(%dma_start3A_1334 : memref<48xi32, #tpu.memory_space<vmem>>) semaphore(%arg16 : memref<!tpu.dma_semaphore, #tpu.memory_space<semaphore_mem>>)
        %mul3A_1338 = arith.constant 200 : i32
        %mul3A_1339 = arith.muli %sub3A_1304, %mul3A_1338 : i32
        %add3A_1340 = arith.constant 144 : i32
        %add3A_1341 = arith.addi %mul3A_1339, %add3A_1340 : i32
        %dma_start3A_1342 = arith.constant 144 : i32
        %dma_start3A_1343 = arith.constant 0 : i32
        %dma_start3A_1344 = tpu.memref_slice %arg8[%dma_start3A_1342, %dma_start3A_1343] : memref<200x128xf32, #tpu.memory_space<vmem>> -> memref<56x128xf32, #tpu.memory_space<vmem>>
        %dma_start3A_1345 = tpu.memref_slice %arg5[%add3A_1341] : memref<25600xi32, #tpu.memory_space<vmem>> -> memref<56xi32, #tpu.memory_space<vmem>>
        %dma_start3A_1346 = arith.constant 0 : i32
        %dma_start3A_1347 = arith.constant 0 : i32
        %dma_start3A_1348 = tpu.memref_slice %arg3[%dma_start3A_1346, %dma_start3A_1347] : memref<100000x128xf32, #tpu.memory_space<hbm>> -> memref<100000x128xf32, #tpu.memory_space<hbm>>
        tpu.enqueue_indirect_dma source(%dma_start3A_1348 : memref<100000x128xf32, #tpu.memory_space<hbm>>) target(%dma_start3A_1344 : memref<56x128xf32, #tpu.memory_space<vmem>>) offsets(%dma_start3A_1345 : memref<56xi32, #tpu.memory_space<vmem>>) semaphore(%arg16 : memref<!tpu.dma_semaphore, #tpu.memory_space<semaphore_mem>>)
      } else {
      }
      %broadcast_in_dim3A_1028 = arith.constant 0.000000e+00 : f32
      %broadcast_in_dim3A_1029 = vector.broadcast %broadcast_in_dim3A_1028 : f32 to vector<16xf32>
      %mul3A_1030 = arith.constant 200 : i32
      %mul3A_1031 = arith.muli %add3A_1012, %mul3A_1030 : i32
      %add3A_1032 = arith.constant 0 : i32
      %add3A_1033 = arith.addi %mul3A_1031, %add3A_1032 : i32
      %get3A_1034 = arith.index_cast %add3A_1033 : i32 to index
      %get3A_1035 = tpu.vector_load %arg5[%get3A_1034] {strides = array<i32>} : memref<25600xi32, #tpu.memory_space<vmem>>, vector<16xi32>,
      %ne3A_1036 = arith.constant 0 : i32
      %ne3A_1037 = vector.broadcast %ne3A_1036 : i32 to vector<16xi32>
      %ne3A_1038 = arith.cmpi ne, %get3A_1035, %ne3A_1037 : vector<16xi32>
      %jit3A_1039 = arith.constant 1.000000e+00 : f32
      %jit3A_1040 = arith.constant 0.000000e+00 : f32
      %broadcast_in_dim3A_1041 = vector.broadcast %jit3A_1039 : f32 to vector<16xf32>
      %broadcast_in_dim3A_1042 = vector.broadcast %jit3A_1040 : f32 to vector<16xf32>
      %select_n3A_1043 = arith.select %ne3A_1038, %broadcast_in_dim3A_1041, %broadcast_in_dim3A_1042 : vector<16xi1>, vector<16xf32>
      %add3A_1044 = arith.addf %broadcast_in_dim3A_1029, %select_n3A_1043 : vector<16xf32>
      %mul3A_1045 = arith.constant 200 : i32
      %mul3A_1046 = arith.muli %add3A_1012, %mul3A_1045 : i32
      %add3A_1047 = arith.constant 16 : i32
      %add3A_1048 = arith.addi %mul3A_1046, %add3A_1047 : i32
      %get3A_1049 = arith.index_cast %add3A_1048 : i32 to index
      %get3A_1050 = tpu.vector_load %arg5[%get3A_1049] {strides = array<i32>} : memref<25600xi32, #tpu.memory_space<vmem>>, vector<16xi32>,
      %ne3A_1051 = arith.constant 0 : i32
      %ne3A_1052 = vector.broadcast %ne3A_1051 : i32 to vector<16xi32>
      %ne3A_1053 = arith.cmpi ne, %get3A_1050, %ne3A_1052 : vector<16xi32>
      %jit3A_1054 = arith.constant 1.000000e+00 : f32
      %jit3A_1055 = arith.constant 0.000000e+00 : f32
      %broadcast_in_dim3A_1056 = vector.broadcast %jit3A_1054 : f32 to vector<16xf32>
      %broadcast_in_dim3A_1057 = vector.broadcast %jit3A_1055 : f32 to vector<16xf32>
      %select_n3A_1058 = arith.select %ne3A_1053, %broadcast_in_dim3A_1056, %broadcast_in_dim3A_1057 : vector<16xi1>, vector<16xf32>
      %add3A_1059 = arith.addf %add3A_1044, %select_n3A_1058 : vector<16xf32>
      %mul3A_1060 = arith.constant 200 : i32
      %mul3A_1061 = arith.muli %add3A_1012, %mul3A_1060 : i32
      %add3A_1062 = arith.constant 32 : i32
      %add3A_1063 = arith.addi %mul3A_1061, %add3A_1062 : i32
      %get3A_1064 = arith.index_cast %add3A_1063 : i32 to index
      %get3A_1065 = tpu.vector_load %arg5[%get3A_1064] {strides = array<i32>} : memref<25600xi32, #tpu.memory_space<vmem>>, vector<16xi32>,
      %ne3A_1066 = arith.constant 0 : i32
      %ne3A_1067 = vector.broadcast %ne3A_1066 : i32 to vector<16xi32>
      %ne3A_1068 = arith.cmpi ne, %get3A_1065, %ne3A_1067 : vector<16xi32>
      %jit3A_1069 = arith.constant 1.000000e+00 : f32
      %jit3A_1070 = arith.constant 0.000000e+00 : f32
      %broadcast_in_dim3A_1071 = vector.broadcast %jit3A_1069 : f32 to vector<16xf32>
      %broadcast_in_dim3A_1072 = vector.broadcast %jit3A_1070 : f32 to vector<16xf32>
      %select_n3A_1073 = arith.select %ne3A_1068, %broadcast_in_dim3A_1071, %broadcast_in_dim3A_1072 : vector<16xi1>, vector<16xf32>
      %add3A_1074 = arith.addf %add3A_1059, %select_n3A_1073 : vector<16xf32>
      %mul3A_1075 = arith.constant 200 : i32
      %mul3A_1076 = arith.muli %add3A_1012, %mul3A_1075 : i32
      %add3A_1077 = arith.constant 48 : i32
      %add3A_1078 = arith.addi %mul3A_1076, %add3A_1077 : i32
      %get3A_1079 = arith.index_cast %add3A_1078 : i32 to index
      %get3A_1080 = tpu.vector_load %arg5[%get3A_1079] {strides = array<i32>} : memref<25600xi32, #tpu.memory_space<vmem>>, vector<16xi32>,
      %ne3A_1081 = arith.constant 0 : i32
      %ne3A_1082 = vector.broadcast %ne3A_1081 : i32 to vector<16xi32>
      %ne3A_1083 = arith.cmpi ne, %get3A_1080, %ne3A_1082 : vector<16xi32>
      %jit3A_1084 = arith.constant 1.000000e+00 : f32
      %jit3A_1085 = arith.constant 0.000000e+00 : f32
      %broadcast_in_dim3A_1086 = vector.broadcast %jit3A_1084 : f32 to vector<16xf32>
      %broadcast_in_dim3A_1087 = vector.broadcast %jit3A_1085 : f32 to vector<16xf32>
      %select_n3A_1088 = arith.select %ne3A_1083, %broadcast_in_dim3A_1086, %broadcast_in_dim3A_1087 : vector<16xi1>, vector<16xf32>
      %add3A_1089 = arith.addf %add3A_1074, %select_n3A_1088 : vector<16xf32>
      %mul3A_1090 = arith.constant 200 : i32
      %mul3A_1091 = arith.muli %add3A_1012, %mul3A_1090 : i32
      %add3A_1092 = arith.constant 64 : i32
      %add3A_1093 = arith.addi %mul3A_1091, %add3A_1092 : i32
      %get3A_1094 = arith.index_cast %add3A_1093 : i32 to index
      %get3A_1095 = tpu.vector_load %arg5[%get3A_1094] {strides = array<i32>} : memref<25600xi32, #tpu.memory_space<vmem>>, vector<16xi32>,
      %ne3A_1096 = arith.constant 0 : i32
      %ne3A_1097 = vector.broadcast %ne3A_1096 : i32 to vector<16xi32>
      %ne3A_1098 = arith.cmpi ne, %get3A_1095, %ne3A_1097 : vector<16xi32>
      %jit3A_1099 = arith.constant 1.000000e+00 : f32
      %jit3A_1100 = arith.constant 0.000000e+00 : f32
      %broadcast_in_dim3A_1101 = vector.broadcast %jit3A_1099 : f32 to vector<16xf32>
      %broadcast_in_dim3A_1102 = vector.broadcast %jit3A_1100 : f32 to vector<16xf32>
      %select_n3A_1103 = arith.select %ne3A_1098, %broadcast_in_dim3A_1101, %broadcast_in_dim3A_1102 : vector<16xi1>, vector<16xf32>
      %add3A_1104 = arith.addf %add3A_1089, %select_n3A_1103 : vector<16xf32>
      %mul3A_1105 = arith.constant 200 : i32
      %mul3A_1106 = arith.muli %add3A_1012, %mul3A_1105 : i32
      %add3A_1107 = arith.constant 80 : i32
      %add3A_1108 = arith.addi %mul3A_1106, %add3A_1107 : i32
      %get3A_1109 = arith.index_cast %add3A_1108 : i32 to index
      %get3A_1110 = tpu.vector_load %arg5[%get3A_1109] {strides = array<i32>} : memref<25600xi32, #tpu.memory_space<vmem>>, vector<16xi32>,
      %ne3A_1111 = arith.constant 0 : i32
      %ne3A_1112 = vector.broadcast %ne3A_1111 : i32 to vector<16xi32>
      %ne3A_1113 = arith.cmpi ne, %get3A_1110, %ne3A_1112 : vector<16xi32>
      %jit3A_1114 = arith.constant 1.000000e+00 : f32
      %jit3A_1115 = arith.constant 0.000000e+00 : f32
      %broadcast_in_dim3A_1116 = vector.broadcast %jit3A_1114 : f32 to vector<16xf32>
      %broadcast_in_dim3A_1117 = vector.broadcast %jit3A_1115 : f32 to vector<16xf32>
      %select_n3A_1118 = arith.select %ne3A_1113, %broadcast_in_dim3A_1116, %broadcast_in_dim3A_1117 : vector<16xi1>, vector<16xf32>
      %add3A_1119 = arith.addf %add3A_1104, %select_n3A_1118 : vector<16xf32>
      %mul3A_1120 = arith.constant 200 : i32
      %mul3A_1121 = arith.muli %add3A_1012, %mul3A_1120 : i32
      %add3A_1122 = arith.constant 96 : i32
      %add3A_1123 = arith.addi %mul3A_1121, %add3A_1122 : i32
      %get3A_1124 = arith.index_cast %add3A_1123 : i32 to index
      %get3A_1125 = tpu.vector_load %arg5[%get3A_1124] {strides = array<i32>} : memref<25600xi32, #tpu.memory_space<vmem>>, vector<16xi32>,
      %ne3A_1126 = arith.constant 0 : i32
      %ne3A_1127 = vector.broadcast %ne3A_1126 : i32 to vector<16xi32>
      %ne3A_1128 = arith.cmpi ne, %get3A_1125, %ne3A_1127 : vector<16xi32>
      %jit3A_1129 = arith.constant 1.000000e+00 : f32
      %jit3A_1130 = arith.constant 0.000000e+00 : f32
      %broadcast_in_dim3A_1131 = vector.broadcast %jit3A_1129 : f32 to vector<16xf32>
      %broadcast_in_dim3A_1132 = vector.broadcast %jit3A_1130 : f32 to vector<16xf32>
      %select_n3A_1133 = arith.select %ne3A_1128, %broadcast_in_dim3A_1131, %broadcast_in_dim3A_1132 : vector<16xi1>, vector<16xf32>
      %add3A_1134 = arith.addf %add3A_1119, %select_n3A_1133 : vector<16xf32>
      %mul3A_1135 = arith.constant 200 : i32
      %mul3A_1136 = arith.muli %add3A_1012, %mul3A_1135 : i32
      %add3A_1137 = arith.constant 112 : i32
      %add3A_1138 = arith.addi %mul3A_1136, %add3A_1137 : i32
      %get3A_1139 = arith.index_cast %add3A_1138 : i32 to index
      %get3A_1140 = tpu.vector_load %arg5[%get3A_1139] {strides = array<i32>} : memref<25600xi32, #tpu.memory_space<vmem>>, vector<16xi32>,
      %ne3A_1141 = arith.constant 0 : i32
      %ne3A_1142 = vector.broadcast %ne3A_1141 : i32 to vector<16xi32>
      %ne3A_1143 = arith.cmpi ne, %get3A_1140, %ne3A_1142 : vector<16xi32>
      %jit3A_1144 = arith.constant 1.000000e+00 : f32
      %jit3A_1145 = arith.constant 0.000000e+00 : f32
      %broadcast_in_dim3A_1146 = vector.broadcast %jit3A_1144 : f32 to vector<16xf32>
      %broadcast_in_dim3A_1147 = vector.broadcast %jit3A_1145 : f32 to vector<16xf32>
      %select_n3A_1148 = arith.select %ne3A_1143, %broadcast_in_dim3A_1146, %broadcast_in_dim3A_1147 : vector<16xi1>, vector<16xf32>
      %add3A_1149 = arith.addf %add3A_1134, %select_n3A_1148 : vector<16xf32>
      %mul3A_1150 = arith.constant 200 : i32
      %mul3A_1151 = arith.muli %add3A_1012, %mul3A_1150 : i32
      %add3A_1152 = arith.constant 128 : i32
      %add3A_1153 = arith.addi %mul3A_1151, %add3A_1152 : i32
      %get3A_1154 = arith.index_cast %add3A_1153 : i32 to index
      %get3A_1155 = tpu.vector_load %arg5[%get3A_1154] {strides = array<i32>} : memref<25600xi32, #tpu.memory_space<vmem>>, vector<16xi32>,
      %ne3A_1156 = arith.constant 0 : i32
      %ne3A_1157 = vector.broadcast %ne3A_1156 : i32 to vector<16xi32>
      %ne3A_1158 = arith.cmpi ne, %get3A_1155, %ne3A_1157 : vector<16xi32>
      %jit3A_1159 = arith.constant 1.000000e+00 : f32
      %jit3A_1160 = arith.constant 0.000000e+00 : f32
      %broadcast_in_dim3A_1161 = vector.broadcast %jit3A_1159 : f32 to vector<16xf32>
      %broadcast_in_dim3A_1162 = vector.broadcast %jit3A_1160 : f32 to vector<16xf32>
      %select_n3A_1163 = arith.select %ne3A_1158, %broadcast_in_dim3A_1161, %broadcast_in_dim3A_1162 : vector<16xi1>, vector<16xf32>
      %add3A_1164 = arith.addf %add3A_1149, %select_n3A_1163 : vector<16xf32>
      %mul3A_1165 = arith.constant 200 : i32
      %mul3A_1166 = arith.muli %add3A_1012, %mul3A_1165 : i32
      %add3A_1167 = arith.constant 144 : i32
      %add3A_1168 = arith.addi %mul3A_1166, %add3A_1167 : i32
      %get3A_1169 = arith.index_cast %add3A_1168 : i32 to index
      %get3A_1170 = tpu.vector_load %arg5[%get3A_1169] {strides = array<i32>} : memref<25600xi32, #tpu.memory_space<vmem>>, vector<16xi32>,
      %ne3A_1171 = arith.constant 0 : i32
      %ne3A_1172 = vector.broadcast %ne3A_1171 : i32 to vector<16xi32>
      %ne3A_1173 = arith.cmpi ne, %get3A_1170, %ne3A_1172 : vector<16xi32>
      %jit3A_1174 = arith.constant 1.000000e+00 : f32
      %jit3A_1175 = arith.constant 0.000000e+00 : f32
      %broadcast_in_dim3A_1176 = vector.broadcast %jit3A_1174 : f32 to vector<16xf32>
      %broadcast_in_dim3A_1177 = vector.broadcast %jit3A_1175 : f32 to vector<16xf32>
      %select_n3A_1178 = arith.select %ne3A_1173, %broadcast_in_dim3A_1176, %broadcast_in_dim3A_1177 : vector<16xi1>, vector<16xf32>
      %add3A_1179 = arith.addf %add3A_1164, %select_n3A_1178 : vector<16xf32>
      %mul3A_1180 = arith.constant 200 : i32
      %mul3A_1181 = arith.muli %add3A_1012, %mul3A_1180 : i32
      %add3A_1182 = arith.constant 160 : i32
      %add3A_1183 = arith.addi %mul3A_1181, %add3A_1182 : i32
      %get3A_1184 = arith.index_cast %add3A_1183 : i32 to index
      %get3A_1185 = tpu.vector_load %arg5[%get3A_1184] {strides = array<i32>} : memref<25600xi32, #tpu.memory_space<vmem>>, vector<16xi32>,
      %ne3A_1186 = arith.constant 0 : i32
      %ne3A_1187 = vector.broadcast %ne3A_1186 : i32 to vector<16xi32>
      %ne3A_1188 = arith.cmpi ne, %get3A_1185, %ne3A_1187 : vector<16xi32>
      %jit3A_1189 = arith.constant 1.000000e+00 : f32
      %jit3A_1190 = arith.constant 0.000000e+00 : f32
      %broadcast_in_dim3A_1191 = vector.broadcast %jit3A_1189 : f32 to vector<16xf32>
      %broadcast_in_dim3A_1192 = vector.broadcast %jit3A_1190 : f32 to vector<16xf32>
      %select_n3A_1193 = arith.select %ne3A_1188, %broadcast_in_dim3A_1191, %broadcast_in_dim3A_1192 : vector<16xi1>, vector<16xf32>
      %add3A_1194 = arith.addf %add3A_1179, %select_n3A_1193 : vector<16xf32>
      %mul3A_1195 = arith.constant 200 : i32
      %mul3A_1196 = arith.muli %add3A_1012, %mul3A_1195 : i32
      %add3A_1197 = arith.constant 176 : i32
      %add3A_1198 = arith.addi %mul3A_1196, %add3A_1197 : i32
      %get3A_1199 = arith.index_cast %add3A_1198 : i32 to index
      %get3A_1200 = tpu.vector_load %arg5[%get3A_1199] {strides = array<i32>} : memref<25600xi32, #tpu.memory_space<vmem>>, vector<16xi32>,
      %ne3A_1201 = arith.constant 0 : i32
      %ne3A_1202 = vector.broadcast %ne3A_1201 : i32 to vector<16xi32>
      %ne3A_1203 = arith.cmpi ne, %get3A_1200, %ne3A_1202 : vector<16xi32>
      %jit3A_1204 = arith.constant 1.000000e+00 : f32
      %jit3A_1205 = arith.constant 0.000000e+00 : f32
      %broadcast_in_dim3A_1206 = vector.broadcast %jit3A_1204 : f32 to vector<16xf32>
      %broadcast_in_dim3A_1207 = vector.broadcast %jit3A_1205 : f32 to vector<16xf32>
      %select_n3A_1208 = arith.select %ne3A_1203, %broadcast_in_dim3A_1206, %broadcast_in_dim3A_1207 : vector<16xi1>, vector<16xf32>
      %add3A_1209 = arith.addf %add3A_1194, %select_n3A_1208 : vector<16xf32>
      %mul3A_1210 = arith.constant 200 : i32
      %mul3A_1211 = arith.muli %add3A_1012, %mul3A_1210 : i32
      %add3A_1212 = arith.constant 200 : i32
      %add3A_1213 = arith.addi %mul3A_1211, %add3A_1212 : i32
      %sub3A_1214 = arith.constant 16 : i32
      %sub3A_1215 = arith.subi %add3A_1213, %sub3A_1214 : i32
      %get3A_1216 = arith.index_cast %sub3A_1215 : i32 to index
      %get3A_1217 = tpu.vector_load %arg5[%get3A_1216] {strides = array<i32>} : memref<25600xi32, #tpu.memory_space<vmem>>, vector<16xi32>,
      %iota3A_1218 = tpu.iota {dimensions = array<i32: 0>} : vector<16xi32>
      %ne3A_1219 = arith.constant 0 : i32
      %ne3A_1220 = vector.broadcast %ne3A_1219 : i32 to vector<16xi32>
      %ne3A_1221 = arith.cmpi ne, %get3A_1217, %ne3A_1220 : vector<16xi32>
      %ge3A_1222 = arith.constant 8 : i32
      %ge3A_1223 = vector.broadcast %ge3A_1222 : i32 to vector<16xi32>
      %ge3A_1224 = arith.cmpi sge, %iota3A_1218, %ge3A_1223 : vector<16xi32>
      %and3A_1225 = arith.andi %ne3A_1221, %ge3A_1224 : vector<16xi1>
      %jit3A_1226 = arith.constant 1.000000e+00 : f32
      %jit3A_1227 = arith.constant 0.000000e+00 : f32
      %broadcast_in_dim3A_1228 = vector.broadcast %jit3A_1226 : f32 to vector<16xf32>
      %broadcast_in_dim3A_1229 = vector.broadcast %jit3A_1227 : f32 to vector<16xf32>
      %select_n3A_1230 = arith.select %and3A_1225, %broadcast_in_dim3A_1228, %broadcast_in_dim3A_1229 : vector<16xi1>, vector<16xf32>
      %add3A_1231 = arith.addf %add3A_1209, %select_n3A_1230 : vector<16xf32>
      %reduce_sum3A_1232 = arith.constant true
      %reduce_sum3A_1233 = vector.broadcast %reduce_sum3A_1232 : i1 to vector<16xi1>
      %reduce_sum3A_1234 = tpu.scan <sum>, %add3A_1231 masked %reduce_sum3A_1233 : vector<16xf32>, vector<16xi1> -> vector<16xf32>
      %reduce_sum3A_1235 = vector.extract %reduce_sum3A_1234[15] : f32 from vector<16xf32>
      %broadcast_in_dim3A_1236 = vector.broadcast %reduce_sum3A_1235 : f32 to vector<16xf32>
      %add3A_1237 = arith.constant 9.99999974E-6 : f32
      %add3A_1238 = vector.broadcast %add3A_1237 : f32 to vector<16xf32>
      %add3A_1239 = arith.addf %broadcast_in_dim3A_1236, %add3A_1238 : vector<16xf32>
      %div3A_1240 = arith.constant 1.000000e+00 : f32
      %div3A_1241 = vector.broadcast %div3A_1240 : f32 to vector<16xf32>
      %div3A_1242 = arith.divf %div3A_1241, %add3A_1239 : vector<16xf32>
      %ge3A_1243 = arith.constant 4 : i32
      %ge3A_1244 = arith.cmpi sge, %add3A_1012, %ge3A_1243 : i32
      %convert_element_type3A_1245 = arith.extui %ge3A_1244 : i1 to i32
      %cond3A_1246 = arith.constant 0 : i32
      %cond3A_1247 = arith.cmpi ne, %convert_element_type3A_1245, %cond3A_1246 : i32
      scf.if %cond3A_1247 {
        %add3A_1301 = arith.addi %mul3A_2, %add3A_1012 : i32
        %sub3A_1302 = arith.constant 4 : i32
        %sub3A_1303 = arith.subi %add3A_1301, %sub3A_1302 : i32
        %dma_wait3A_1304 = arith.constant 0 : i32
        %dma_wait3A_1305 = tpu.memref_slice %arg4[%sub3A_1303, %dma_wait3A_1304] : memref<4096x128xf32, #tpu.memory_space<hbm>> -> memref<1x128xf32, #tpu.memory_space<hbm>>
        %dma_wait3A_1306 = tpu.memref_squeeze %dma_wait3A_1305 : memref<1x128xf32, #tpu.memory_space<hbm>> -> memref<128xf32, #tpu.memory_space<hbm>>
        %dma_wait3A_1307 = arith.constant 0 : i32
        %dma_wait3A_1308 = tpu.memref_slice %arg4[%sub3A_1303, %dma_wait3A_1307] : memref<4096x128xf32, #tpu.memory_space<hbm>> -> memref<1x128xf32, #tpu.memory_space<hbm>>
        %dma_wait3A_1309 = tpu.memref_squeeze %dma_wait3A_1308 : memref<1x128xf32, #tpu.memory_space<hbm>> -> memref<128xf32, #tpu.memory_space<hbm>>
        tpu.wait_dma2 semaphore(%arg21 : memref<!tpu.dma_semaphore, #tpu.memory_space<semaphore_mem>>) src(%arg13 : memref<128xf32, #tpu.memory_space<vmem>>) dst(%dma_wait3A_1309 : memref<128xf32, #tpu.memory_space<hbm>>)
      } else {
      }
      %broadcast_in_dim3A_1248 = arith.constant 0.000000e+00 : f32
      %broadcast_in_dim3A_1249 = vector.broadcast %broadcast_in_dim3A_1248 : f32 to vector<16xf32>
      %broadcast_in_dim3A_1250 = arith.constant 0.000000e+00 : f32
      %broadcast_in_dim3A_1251 = vector.broadcast %broadcast_in_dim3A_1250 : f32 to vector<16xf32>
      %broadcast_in_dim3A_1252 = arith.constant 0.000000e+00 : f32
      %broadcast_in_dim3A_1253 = vector.broadcast %broadcast_in_dim3A_1252 : f32 to vector<16xf32>
      %broadcast_in_dim3A_1254 = arith.constant 0.000000e+00 : f32
      %broadcast_in_dim3A_1255 = vector.broadcast %broadcast_in_dim3A_1254 : f32 to vector<16xf32>
      %broadcast_in_dim3A_1256 = arith.constant 0.000000e+00 : f32
      %broadcast_in_dim3A_1257 = vector.broadcast %broadcast_in_dim3A_1256 : f32 to vector<16xf32>
      %broadcast_in_dim3A_1258 = arith.constant 0.000000e+00 : f32
      %broadcast_in_dim3A_1259 = vector.broadcast %broadcast_in_dim3A_1258 : f32 to vector<16xf32>
      %broadcast_in_dim3A_1260 = arith.constant 0.000000e+00 : f32
      %broadcast_in_dim3A_1261 = vector.broadcast %broadcast_in_dim3A_1260 : f32 to vector<16xf32>
      %broadcast_in_dim3A_1262 = arith.constant 0.000000e+00 : f32
      %broadcast_in_dim3A_1263 = vector.broadcast %broadcast_in_dim3A_1262 : f32 to vector<16xf32>
      %scan3A_1264 = arith.constant 0 : i32
      %scan3A_1265 = arith.constant 200 : i32
      %scan3A_1266 = arith.addi %scan3A_1264, %scan3A_1265 : i32
      %scan3A_1267 = arith.constant 2 : i32
      %scan3A_1268:8 = scf.for %scan3A_1301 = %scan3A_1264 to %scan3A_1266 step %scan3A_1267 iter_args(%scan3A_1302 = %broadcast_in_dim3A_1249, %scan3A_1303 = %broadcast_in_dim3A_1251, %scan3A_1304 = %broadcast_in_dim3A_1253, %scan3A_1305 = %broadcast_in_dim3A_1255, %scan3A_1306 = %broadcast_in_dim3A_1257, %scan3A_1307 = %broadcast_in_dim3A_1259, %scan3A_1308 = %broadcast_in_dim3A_1261, %scan3A_1309 = %broadcast_in_dim3A_1263) -> (vector<16xf32>, vector<16xf32>, vector<16xf32>, vector<16xf32>, vector<16xf32>, vector<16xf32>, vector<16xf32>, vector<16xf32>)  : i32 {
        %mul3A_1310 = arith.constant 1 : i32
        %mul3A_1311 = arith.muli %scan3A_1301, %mul3A_1310 : i32
        %add3A_1312 = arith.constant 0 : i32
        %add3A_1313 = arith.addi %add3A_1312, %mul3A_1311 : i32
        %get3A_1314 = arith.index_cast %add3A_1313 : i32 to index
        %get3A_1315 = arith.constant 0 : index
        %get3A_1316 = tpu.vector_load %arg9[%get3A_1314, %get3A_1315] {strides = array<i32>} : memref<200x128xf32, #tpu.memory_space<vmem>>, vector<16xf32>,
        %add3A_1317 = arith.addf %scan3A_1302, %get3A_1316 : vector<16xf32>
        %get3A_1318 = arith.index_cast %add3A_1313 : i32 to index
        %get3A_1319 = arith.constant 16 : index
        %get3A_1320 = tpu.vector_load %arg9[%get3A_1318, %get3A_1319] {strides = array<i32>} : memref<200x128xf32, #tpu.memory_space<vmem>>, vector<16xf32>,
        %add3A_1321 = arith.addf %scan3A_1303, %get3A_1320 : vector<16xf32>
        %get3A_1322 = arith.index_cast %add3A_1313 : i32 to index
        %get3A_1323 = arith.constant 32 : index
        %get3A_1324 = tpu.vector_load %arg9[%get3A_1322, %get3A_1323] {strides = array<i32>} : memref<200x128xf32, #tpu.memory_space<vmem>>, vector<16xf32>,
        %add3A_1325 = arith.addf %scan3A_1304, %get3A_1324 : vector<16xf32>
        %get3A_1326 = arith.index_cast %add3A_1313 : i32 to index
        %get3A_1327 = arith.constant 48 : index
        %get3A_1328 = tpu.vector_load %arg9[%get3A_1326, %get3A_1327] {strides = array<i32>} : memref<200x128xf32, #tpu.memory_space<vmem>>, vector<16xf32>,
        %add3A_1329 = arith.addf %scan3A_1305, %get3A_1328 : vector<16xf32>
        %get3A_1330 = arith.index_cast %add3A_1313 : i32 to index
        %get3A_1331 = arith.constant 64 : index
        %get3A_1332 = tpu.vector_load %arg9[%get3A_1330, %get3A_1331] {strides = array<i32>} : memref<200x128xf32, #tpu.memory_space<vmem>>, vector<16xf32>,
        %add3A_1333 = arith.addf %scan3A_1306, %get3A_1332 : vector<16xf32>
        %get3A_1334 = arith.index_cast %add3A_1313 : i32 to index
        %get3A_1335 = arith.constant 80 : index
        %get3A_1336 = tpu.vector_load %arg9[%get3A_1334, %get3A_1335] {strides = array<i32>} : memref<200x128xf32, #tpu.memory_space<vmem>>, vector<16xf32>,
        %add3A_1337 = arith.addf %scan3A_1307, %get3A_1336 : vector<16xf32>
        %get3A_1338 = arith.index_cast %add3A_1313 : i32 to index
        %get3A_1339 = arith.constant 96 : index
        %get3A_1340 = tpu.vector_load %arg9[%get3A_1338, %get3A_1339] {strides = array<i32>} : memref<200x128xf32, #tpu.memory_space<vmem>>, vector<16xf32>,
        %add3A_1341 = arith.addf %scan3A_1308, %get3A_1340 : vector<16xf32>
        %get3A_1342 = arith.index_cast %add3A_1313 : i32 to index
        %get3A_1343 = arith.constant 112 : index
        %get3A_1344 = tpu.vector_load %arg9[%get3A_1342, %get3A_1343] {strides = array<i32>} : memref<200x128xf32, #tpu.memory_space<vmem>>, vector<16xf32>,
        %add3A_1345 = arith.addf %scan3A_1309, %get3A_1344 : vector<16xf32>
        %scan3A_1346 = arith.constant 1 : i32
        %scan3A_1347 = arith.addi %scan3A_1301, %scan3A_1346 : i32
        %mul3A_1348 = arith.constant 1 : i32
        %mul3A_1349 = arith.muli %scan3A_1347, %mul3A_1348 : i32
        %add3A_1350 = arith.constant 0 : i32
        %add3A_1351 = arith.addi %add3A_1350, %mul3A_1349 : i32
        %get3A_1352 = arith.index_cast %add3A_1351 : i32 to index
        %get3A_1353 = arith.constant 0 : index
        %get3A_1354 = tpu.vector_load %arg9[%get3A_1352, %get3A_1353] {strides = array<i32>} : memref<200x128xf32, #tpu.memory_space<vmem>>, vector<16xf32>,
        %add3A_1355 = arith.addf %add3A_1317, %get3A_1354 : vector<16xf32>
        %get3A_1356 = arith.index_cast %add3A_1351 : i32 to index
        %get3A_1357 = arith.constant 16 : index
        %get3A_1358 = tpu.vector_load %arg9[%get3A_1356, %get3A_1357] {strides = array<i32>} : memref<200x128xf32, #tpu.memory_space<vmem>>, vector<16xf32>,
        %add3A_1359 = arith.addf %add3A_1321, %get3A_1358 : vector<16xf32>
        %get3A_1360 = arith.index_cast %add3A_1351 : i32 to index
        %get3A_1361 = arith.constant 32 : index
        %get3A_1362 = tpu.vector_load %arg9[%get3A_1360, %get3A_1361] {strides = array<i32>} : memref<200x128xf32, #tpu.memory_space<vmem>>, vector<16xf32>,
        %add3A_1363 = arith.addf %add3A_1325, %get3A_1362 : vector<16xf32>
        %get3A_1364 = arith.index_cast %add3A_1351 : i32 to index
        %get3A_1365 = arith.constant 48 : index
        %get3A_1366 = tpu.vector_load %arg9[%get3A_1364, %get3A_1365] {strides = array<i32>} : memref<200x128xf32, #tpu.memory_space<vmem>>, vector<16xf32>,
        %add3A_1367 = arith.addf %add3A_1329, %get3A_1366 : vector<16xf32>
        %get3A_1368 = arith.index_cast %add3A_1351 : i32 to index
        %get3A_1369 = arith.constant 64 : index
        %get3A_1370 = tpu.vector_load %arg9[%get3A_1368, %get3A_1369] {strides = array<i32>} : memref<200x128xf32, #tpu.memory_space<vmem>>, vector<16xf32>,
        %add3A_1371 = arith.addf %add3A_1333, %get3A_1370 : vector<16xf32>
        %get3A_1372 = arith.index_cast %add3A_1351 : i32 to index
        %get3A_1373 = arith.constant 80 : index
        %get3A_1374 = tpu.vector_load %arg9[%get3A_1372, %get3A_1373] {strides = array<i32>} : memref<200x128xf32, #tpu.memory_space<vmem>>, vector<16xf32>,
        %add3A_1375 = arith.addf %add3A_1337, %get3A_1374 : vector<16xf32>
        %get3A_1376 = arith.index_cast %add3A_1351 : i32 to index
        %get3A_1377 = arith.constant 96 : index
        %get3A_1378 = tpu.vector_load %arg9[%get3A_1376, %get3A_1377] {strides = array<i32>} : memref<200x128xf32, #tpu.memory_space<vmem>>, vector<16xf32>,
        %add3A_1379 = arith.addf %add3A_1341, %get3A_1378 : vector<16xf32>
        %get3A_1380 = arith.index_cast %add3A_1351 : i32 to index
        %get3A_1381 = arith.constant 112 : index
        %get3A_1382 = tpu.vector_load %arg9[%get3A_1380, %get3A_1381] {strides = array<i32>} : memref<200x128xf32, #tpu.memory_space<vmem>>, vector<16xf32>,
        %add3A_1383 = arith.addf %add3A_1345, %get3A_1382 : vector<16xf32>
        scf.yield %add3A_1355, %add3A_1359, %add3A_1363, %add3A_1367, %add3A_1371, %add3A_1375, %add3A_1379, %add3A_1383 : vector<16xf32>, vector<16xf32>, vector<16xf32>, vector<16xf32>, vector<16xf32>, vector<16xf32>, vector<16xf32>, vector<16xf32>
      }
      %scan3A_1269 = arith.constant 200 : i32
      %mul3A_1270 = arith.mulf %scan3A_1268#0, %div3A_1242 : vector<16xf32>
      %swap3A_1271 = arith.constant 0 : index
      %swap3A_1272 = tpu.vector_load %arg13[%swap3A_1271] {strides = array<i32>} : memref<128xf32, #tpu.memory_space<vmem>>, vector<16xf32>,
      tpu.vector_store %arg13[%swap3A_1271], %mul3A_1270 {strides = array<i32>} : memref<128xf32, #tpu.memory_space<vmem>>, vector<16xf32>,
      %mul3A_1273 = arith.mulf %scan3A_1268#1, %div3A_1242 : vector<16xf32>
      %swap3A_1274 = arith.constant 16 : index
      %swap3A_1275 = tpu.vector_load %arg13[%swap3A_1274] {strides = array<i32>} : memref<128xf32, #tpu.memory_space<vmem>>, vector<16xf32>,
      tpu.vector_store %arg13[%swap3A_1274], %mul3A_1273 {strides = array<i32>} : memref<128xf32, #tpu.memory_space<vmem>>, vector<16xf32>,
      %mul3A_1276 = arith.mulf %scan3A_1268#2, %div3A_1242 : vector<16xf32>
      %swap3A_1277 = arith.constant 32 : index
      %swap3A_1278 = tpu.vector_load %arg13[%swap3A_1277] {strides = array<i32>} : memref<128xf32, #tpu.memory_space<vmem>>, vector<16xf32>,
      tpu.vector_store %arg13[%swap3A_1277], %mul3A_1276 {strides = array<i32>} : memref<128xf32, #tpu.memory_space<vmem>>, vector<16xf32>,
      %mul3A_1279 = arith.mulf %scan3A_1268#3, %div3A_1242 : vector<16xf32>
      %swap3A_1280 = arith.constant 48 : index
      %swap3A_1281 = tpu.vector_load %arg13[%swap3A_1280] {strides = array<i32>} : memref<128xf32, #tpu.memory_space<vmem>>, vector<16xf32>,
      tpu.vector_store %arg13[%swap3A_1280], %mul3A_1279 {strides = array<i32>} : memref<128xf32, #tpu.memory_space<vmem>>, vector<16xf32>,
      %mul3A_1282 = arith.mulf %scan3A_1268#4, %div3A_1242 : vector<16xf32>
      %swap3A_1283 = arith.constant 64 : index
      %swap3A_1284 = tpu.vector_load %arg13[%swap3A_1283] {strides = array<i32>} : memref<128xf32, #tpu.memory_space<vmem>>, vector<16xf32>,
      tpu.vector_store %arg13[%swap3A_1283], %mul3A_1282 {strides = array<i32>} : memref<128xf32, #tpu.memory_space<vmem>>, vector<16xf32>,
      %mul3A_1285 = arith.mulf %scan3A_1268#5, %div3A_1242 : vector<16xf32>
      %swap3A_1286 = arith.constant 80 : index
      %swap3A_1287 = tpu.vector_load %arg13[%swap3A_1286] {strides = array<i32>} : memref<128xf32, #tpu.memory_space<vmem>>, vector<16xf32>,
      tpu.vector_store %arg13[%swap3A_1286], %mul3A_1285 {strides = array<i32>} : memref<128xf32, #tpu.memory_space<vmem>>, vector<16xf32>,
      %mul3A_1288 = arith.mulf %scan3A_1268#6, %div3A_1242 : vector<16xf32>
      %swap3A_1289 = arith.constant 96 : index
      %swap3A_1290 = tpu.vector_load %arg13[%swap3A_1289] {strides = array<i32>} : memref<128xf32, #tpu.memory_space<vmem>>, vector<16xf32>,
      tpu.vector_store %arg13[%swap3A_1289], %mul3A_1288 {strides = array<i32>} : memref<128xf32, #tpu.memory_space<vmem>>, vector<16xf32>,
      %mul3A_1291 = arith.mulf %scan3A_1268#7, %div3A_1242 : vector<16xf32>
      %swap3A_1292 = arith.constant 112 : index
      %swap3A_1293 = tpu.vector_load %arg13[%swap3A_1292] {strides = array<i32>} : memref<128xf32, #tpu.memory_space<vmem>>, vector<16xf32>,
      tpu.vector_store %arg13[%swap3A_1292], %mul3A_1291 {strides = array<i32>} : memref<128xf32, #tpu.memory_space<vmem>>, vector<16xf32>,
      %add3A_1294 = arith.addi %mul3A_2, %add3A_1012 : i32
      %dma_start3A_1295 = arith.constant 0 : i32
      %dma_start3A_1296 = tpu.memref_slice %arg4[%add3A_1294, %dma_start3A_1295] : memref<4096x128xf32, #tpu.memory_space<hbm>> -> memref<1x128xf32, #tpu.memory_space<hbm>>
      %dma_start3A_1297 = tpu.memref_squeeze %dma_start3A_1296 : memref<1x128xf32, #tpu.memory_space<hbm>> -> memref<128xf32, #tpu.memory_space<hbm>>
      %dma_start3A_1298 = arith.constant 0 : i32
      %dma_start3A_1299 = tpu.memref_slice %arg4[%add3A_1294, %dma_start3A_1298] : memref<4096x128xf32, #tpu.memory_space<hbm>> -> memref<1x128xf32, #tpu.memory_space<hbm>>
      %dma_start3A_1300 = tpu.memref_squeeze %dma_start3A_1299 : memref<1x128xf32, #tpu.memory_space<hbm>> -> memref<128xf32, #tpu.memory_space<hbm>>
      tpu.enqueue_dma source(%arg13 : memref<128xf32, #tpu.memory_space<vmem>>) target(%dma_start3A_1300 : memref<128xf32, #tpu.memory_space<hbm>>) target_semaphore(%arg21 : memref<!tpu.dma_semaphore, #tpu.memory_space<semaphore_mem>>)
    }
    %scan3A_103 = arith.constant 32 : i32
    %add3A_104 = arith.constant 128 : i32
    %add3A_105 = arith.addi %mul3A_2, %add3A_104 : i32
    %sub3A = arith.constant 4 : i32
    %sub3A_106 = arith.subi %add3A_105, %sub3A : i32
    %add3A_107 = arith.constant 0 : i32
    %add3A_108 = arith.addi %sub3A_106, %add3A_107 : i32
    %dma_wait3A = arith.constant 0 : i32
    %dma_wait3A_109 = tpu.memref_slice %arg4[%add3A_108, %dma_wait3A] : memref<4096x128xf32, #tpu.memory_space<hbm>> -> memref<1x128xf32, #tpu.memory_space<hbm>>
    %dma_wait3A_110 = tpu.memref_squeeze %dma_wait3A_109 : memref<1x128xf32, #tpu.memory_space<hbm>> -> memref<128xf32, #tpu.memory_space<hbm>>
    %dma_wait3A_111 = arith.constant 0 : i32
    %dma_wait3A_112 = tpu.memref_slice %arg4[%add3A_108, %dma_wait3A_111] : memref<4096x128xf32, #tpu.memory_space<hbm>> -> memref<1x128xf32, #tpu.memory_space<hbm>>
    %dma_wait3A_113 = tpu.memref_squeeze %dma_wait3A_112 : memref<1x128xf32, #tpu.memory_space<hbm>> -> memref<128xf32, #tpu.memory_space<hbm>>
    tpu.wait_dma2 semaphore(%arg18 : memref<!tpu.dma_semaphore, #tpu.memory_space<semaphore_mem>>) src(%arg10 : memref<128xf32, #tpu.memory_space<vmem>>) dst(%dma_wait3A_113 : memref<128xf32, #tpu.memory_space<hbm>>)
    %add3A_114 = arith.constant 128 : i32
    %add3A_115 = arith.addi %mul3A_2, %add3A_114 : i32
    %sub3A_116 = arith.constant 4 : i32
    %sub3A_117 = arith.subi %add3A_115, %sub3A_116 : i32
    %add3A_118 = arith.constant 1 : i32
    %add3A_119 = arith.addi %sub3A_117, %add3A_118 : i32
    %dma_wait3A_120 = arith.constant 0 : i32
    %dma_wait3A_121 = tpu.memref_slice %arg4[%add3A_119, %dma_wait3A_120] : memref<4096x128xf32, #tpu.memory_space<hbm>> -> memref<1x128xf32, #tpu.memory_space<hbm>>
    %dma_wait3A_122 = tpu.memref_squeeze %dma_wait3A_121 : memref<1x128xf32, #tpu.memory_space<hbm>> -> memref<128xf32, #tpu.memory_space<hbm>>
    %dma_wait3A_123 = arith.constant 0 : i32
    %dma_wait3A_124 = tpu.memref_slice %arg4[%add3A_119, %dma_wait3A_123] : memref<4096x128xf32, #tpu.memory_space<hbm>> -> memref<1x128xf32, #tpu.memory_space<hbm>>
    %dma_wait3A_125 = tpu.memref_squeeze %dma_wait3A_124 : memref<1x128xf32, #tpu.memory_space<hbm>> -> memref<128xf32, #tpu.memory_space<hbm>>
    tpu.wait_dma2 semaphore(%arg19 : memref<!tpu.dma_semaphore, #tpu.memory_space<semaphore_mem>>) src(%arg11 : memref<128xf32, #tpu.memory_space<vmem>>) dst(%dma_wait3A_125 : memref<128xf32, #tpu.memory_space<hbm>>)
    %add3A_126 = arith.constant 128 : i32
    %add3A_127 = arith.addi %mul3A_2, %add3A_126 : i32
    %sub3A_128 = arith.constant 4 : i32
    %sub3A_129 = arith.subi %add3A_127, %sub3A_128 : i32
    %add3A_130 = arith.constant 2 : i32
    %add3A_131 = arith.addi %sub3A_129, %add3A_130 : i32
    %dma_wait3A_132 = arith.constant 0 : i32
    %dma_wait3A_133 = tpu.memref_slice %arg4[%add3A_131, %dma_wait3A_132] : memref<4096x128xf32, #tpu.memory_space<hbm>> -> memref<1x128xf32, #tpu.memory_space<hbm>>
    %dma_wait3A_134 = tpu.memref_squeeze %dma_wait3A_133 : memref<1x128xf32, #tpu.memory_space<hbm>> -> memref<128xf32, #tpu.memory_space<hbm>>
    %dma_wait3A_135 = arith.constant 0 : i32
    %dma_wait3A_136 = tpu.memref_slice %arg4[%add3A_131, %dma_wait3A_135] : memref<4096x128xf32, #tpu.memory_space<hbm>> -> memref<1x128xf32, #tpu.memory_space<hbm>>
    %dma_wait3A_137 = tpu.memref_squeeze %dma_wait3A_136 : memref<1x128xf32, #tpu.memory_space<hbm>> -> memref<128xf32, #tpu.memory_space<hbm>>
    tpu.wait_dma2 semaphore(%arg20 : memref<!tpu.dma_semaphore, #tpu.memory_space<semaphore_mem>>) src(%arg12 : memref<128xf32, #tpu.memory_space<vmem>>) dst(%dma_wait3A_137 : memref<128xf32, #tpu.memory_space<hbm>>)
    %add3A_138 = arith.constant 128 : i32
    %add3A_139 = arith.addi %mul3A_2, %add3A_138 : i32
    %sub3A_140 = arith.constant 4 : i32
    %sub3A_141 = arith.subi %add3A_139, %sub3A_140 : i32
    %add3A_142 = arith.constant 3 : i32
    %add3A_143 = arith.addi %sub3A_141, %add3A_142 : i32
    %dma_wait3A_144 = arith.constant 0 : i32
    %dma_wait3A_145 = tpu.memref_slice %arg4[%add3A_143, %dma_wait3A_144] : memref<4096x128xf32, #tpu.memory_space<hbm>> -> memref<1x128xf32, #tpu.memory_space<hbm>>
    %dma_wait3A_146 = tpu.memref_squeeze %dma_wait3A_145 : memref<1x128xf32, #tpu.memory_space<hbm>> -> memref<128xf32, #tpu.memory_space<hbm>>
    %dma_wait3A_147 = arith.constant 0 : i32
    %dma_wait3A_148 = tpu.memref_slice %arg4[%add3A_143, %dma_wait3A_147] : memref<4096x128xf32, #tpu.memory_space<hbm>> -> memref<1x128xf32, #tpu.memory_space<hbm>>
    %dma_wait3A_149 = tpu.memref_squeeze %dma_wait3A_148 : memref<1x128xf32, #tpu.memory_space<hbm>> -> memref<128xf32, #tpu.memory_space<hbm>>
    tpu.wait_dma2 semaphore(%arg21 : memref<!tpu.dma_semaphore, #tpu.memory_space<semaphore_mem>>) src(%arg13 : memref<128xf32, #tpu.memory_space<vmem>>) dst(%dma_wait3A_149 : memref<128xf32, #tpu.memory_space<hbm>>)
    return
  }
}

module attributes {stable_mosaic.version = 14 : i64} {
  func.func @_mlp_body(%arg0: i32, %arg1: memref<1024x128xf32, #tpu.memory_space<vmem>>, %arg2: memref<1024x128xbf16, #tpu.memory_space<vmem>>, %arg3: memref<1x1024xf32, #tpu.memory_space<vmem>>, %arg4: memref<1024x1024xbf16, #tpu.memory_space<vmem>>, %arg5: memref<1x1024xf32, #tpu.memory_space<vmem>>, %arg6: memref<1000x1024xbf16, #tpu.memory_space<vmem>>, %arg7: memref<1x1000xf32, #tpu.memory_space<vmem>>, %arg8: memref<1024x1000xf32, #tpu.memory_space<vmem>>) attributes {dimension_semantics = [#tpu.dimension_semantics<arbitrary>], iteration_bounds = array<i64: 4>, scalar_prefetch = 0 : i64, scratch_operands = 0 : i64, tpu.core_type = #tpu.core_type<tc>, window_params = [{transform_indices = @transform_0, window_bounds = array<i64: 1024, 128>}, {pipeline_mode = #tpu.pipeline_mode<synchronous>, transform_indices = @transform_1, window_bounds = array<i64: 1024, 128>}, {pipeline_mode = #tpu.pipeline_mode<synchronous>, transform_indices = @transform_2, window_bounds = array<i64: 1, 1024>}, {pipeline_mode = #tpu.pipeline_mode<synchronous>, transform_indices = @transform_3, window_bounds = array<i64: 1024, 1024>}, {pipeline_mode = #tpu.pipeline_mode<synchronous>, transform_indices = @transform_4, window_bounds = array<i64: 1, 1024>}, {pipeline_mode = #tpu.pipeline_mode<synchronous>, transform_indices = @transform_5, window_bounds = array<i64: 1000, 1024>}, {pipeline_mode = #tpu.pipeline_mode<synchronous>, transform_indices = @transform_6, window_bounds = array<i64: 1, 1000>}, {transform_indices = @transform_7, window_bounds = array<i64: 1024, 1000>}]} {
    %get3A = arith.constant 0 : index
    %get3A_0 = arith.constant 0 : index
    %get3A_1 = vector.load %arg1[%get3A, %get3A_0] : memref<1024x128xf32, #tpu.memory_space<vmem>>, vector<1024x128xf32>
    %convert_element_type3A = arith.truncf %get3A_1 : vector<1024x128xf32> to vector<1024x128xbf16>
    %get3A_2 = arith.constant 0 : index
    %get3A_3 = arith.constant 0 : index
    %get3A_4 = vector.load %arg2[%get3A_2, %get3A_3] : memref<1024x128xbf16, #tpu.memory_space<vmem>>, vector<1024x128xbf16>
    %dot_general3A = arith.constant dense<0.000000e+00> : vector<1024x1024xf32>
    %dot_general3A_5 = tpu.matmul %convert_element_type3A, %get3A_4, %dot_general3A {dimension_numbers = #tpu.dot_dimension_numbers<[1], [1], [0], [0], [0, 0, 1, 0], [], []>, transpose_lhs_hint = false} : vector<1024x128xbf16>, vector<1024x128xbf16>, vector<1024x1024xf32> -> vector<1024x1024xf32>
    %get3A_6 = arith.constant 0 : index
    %get3A_7 = arith.constant 0 : index
    %get3A_8 = vector.load %arg3[%get3A_6, %get3A_7] : memref<1x1024xf32, #tpu.memory_space<vmem>>, vector<1x1024xf32>
    %add3A = vector.broadcast %get3A_8 : vector<1x1024xf32> to vector<1024x1024xf32>
    %add3A_9 = arith.addf %dot_general3A_5, %add3A : vector<1024x1024xf32>
    %gt3A = arith.constant 0.000000e+00 : f32
    %gt3A_10 = vector.broadcast %gt3A : f32 to vector<1024x1024xf32>
    %gt3A_11 = arith.cmpf ogt, %add3A_9, %gt3A_10 : vector<1024x1024xf32>
    %mul3A = arith.constant 2.000000e-01 : f32
    %mul3A_12 = vector.broadcast %mul3A : f32 to vector<1024x1024xf32>
    %mul3A_13 = arith.mulf %mul3A_12, %add3A_9 : vector<1024x1024xf32>
    %select_n3A = arith.select %gt3A_11, %add3A_9, %mul3A_13 : vector<1024x1024xi1>, vector<1024x1024xf32>
    %convert_element_type3A_14 = arith.truncf %select_n3A : vector<1024x1024xf32> to vector<1024x1024xbf16>
    %get3A_15 = arith.constant 0 : index
    %get3A_16 = arith.constant 0 : index
    %get3A_17 = vector.load %arg4[%get3A_15, %get3A_16] : memref<1024x1024xbf16, #tpu.memory_space<vmem>>, vector<1024x1024xbf16>
    %dot_general3A_18 = arith.constant dense<0.000000e+00> : vector<1024x1024xf32>
    %dot_general3A_19 = tpu.matmul %convert_element_type3A_14, %get3A_17, %dot_general3A_18 {dimension_numbers = #tpu.dot_dimension_numbers<[1], [1], [0], [0], [0, 0, 1, 0], [], []>, transpose_lhs_hint = false} : vector<1024x1024xbf16>, vector<1024x1024xbf16>, vector<1024x1024xf32> -> vector<1024x1024xf32>
    %get3A_20 = arith.constant 0 : index
    %get3A_21 = arith.constant 0 : index
    %get3A_22 = vector.load %arg5[%get3A_20, %get3A_21] : memref<1x1024xf32, #tpu.memory_space<vmem>>, vector<1x1024xf32>
    %add3A_23 = vector.broadcast %get3A_22 : vector<1x1024xf32> to vector<1024x1024xf32>
    %add3A_24 = arith.addf %dot_general3A_19, %add3A_23 : vector<1024x1024xf32>
    %gt3A_25 = arith.constant 0.000000e+00 : f32
    %gt3A_26 = vector.broadcast %gt3A_25 : f32 to vector<1024x1024xf32>
    %gt3A_27 = arith.cmpf ogt, %add3A_24, %gt3A_26 : vector<1024x1024xf32>
    %mul3A_28 = arith.constant 2.000000e-01 : f32
    %mul3A_29 = vector.broadcast %mul3A_28 : f32 to vector<1024x1024xf32>
    %mul3A_30 = arith.mulf %mul3A_29, %add3A_24 : vector<1024x1024xf32>
    %select_n3A_31 = arith.select %gt3A_27, %add3A_24, %mul3A_30 : vector<1024x1024xi1>, vector<1024x1024xf32>
    %convert_element_type3A_32 = arith.truncf %select_n3A_31 : vector<1024x1024xf32> to vector<1024x1024xbf16>
    %get3A_33 = arith.constant 0 : index
    %get3A_34 = arith.constant 0 : index
    %get3A_35 = vector.load %arg6[%get3A_33, %get3A_34] : memref<1000x1024xbf16, #tpu.memory_space<vmem>>, vector<1000x1024xbf16>
    %dot_general3A_36 = arith.constant dense<0.000000e+00> : vector<1024x1000xf32>
    %dot_general3A_37 = tpu.matmul %convert_element_type3A_32, %get3A_35, %dot_general3A_36 {dimension_numbers = #tpu.dot_dimension_numbers<[1], [1], [0], [0], [0, 0, 1, 0], [], []>, transpose_lhs_hint = false} : vector<1024x1024xbf16>, vector<1000x1024xbf16>, vector<1024x1000xf32> -> vector<1024x1000xf32>
    %get3A_38 = arith.constant 0 : index
    %get3A_39 = arith.constant 0 : index
    %get3A_40 = vector.load %arg7[%get3A_38, %get3A_39] : memref<1x1000xf32, #tpu.memory_space<vmem>>, vector<1x1000xf32>
    %add3A_41 = vector.broadcast %get3A_40 : vector<1x1000xf32> to vector<1024x1000xf32>
    %add3A_42 = arith.addf %dot_general3A_37, %add3A_41 : vector<1024x1000xf32>
    %swap3A = arith.constant 0 : index
    %swap3A_43 = arith.constant 0 : index
    %swap3A_44 = vector.load %arg8[%swap3A, %swap3A_43] : memref<1024x1000xf32, #tpu.memory_space<vmem>>, vector<1024x1000xf32>
    tpu.vector_store %arg8[%swap3A, %swap3A_43], %add3A_42 {strides = array<i32>} : memref<1024x1000xf32, #tpu.memory_space<vmem>>, vector<1024x1000xf32>,
    return
  }
  func.func @transform_0(%arg0: i32) -> (i32, i32) {
    %c0_i32 = arith.constant 0 : i32
    %c0_i32_0 = arith.constant 0 : i32
    return %arg0, %c0_i32 : i32, i32
  }
  func.func @transform_1(%arg0: i32) -> (i32, i32) {
    %c0_i32 = arith.constant 0 : i32
    %c0_i32_0 = arith.constant 0 : i32
    %c0_i32_1 = arith.constant 0 : i32
    return %c0_i32, %c0_i32_0 : i32, i32
  }
  func.func @transform_2(%arg0: i32) -> (i32, i32) {
    %c0_i32 = arith.constant 0 : i32
    %c0_i32_0 = arith.constant 0 : i32
    %c0_i32_1 = arith.constant 0 : i32
    return %c0_i32, %c0_i32_0 : i32, i32
  }
  func.func @transform_3(%arg0: i32) -> (i32, i32) {
    %c0_i32 = arith.constant 0 : i32
    %c0_i32_0 = arith.constant 0 : i32
    %c0_i32_1 = arith.constant 0 : i32
    return %c0_i32, %c0_i32_0 : i32, i32
  }
  func.func @transform_4(%arg0: i32) -> (i32, i32) {
    %c0_i32 = arith.constant 0 : i32
    %c0_i32_0 = arith.constant 0 : i32
    %c0_i32_1 = arith.constant 0 : i32
    return %c0_i32, %c0_i32_0 : i32, i32
  }
  func.func @transform_5(%arg0: i32) -> (i32, i32) {
    %c0_i32 = arith.constant 0 : i32
    %c0_i32_0 = arith.constant 0 : i32
    %c0_i32_1 = arith.constant 0 : i32
    return %c0_i32, %c0_i32_0 : i32, i32
  }
  func.func @transform_6(%arg0: i32) -> (i32, i32) {
    %c0_i32 = arith.constant 0 : i32
    %c0_i32_0 = arith.constant 0 : i32
    %c0_i32_1 = arith.constant 0 : i32
    return %c0_i32, %c0_i32_0 : i32, i32
  }
  func.func @transform_7(%arg0: i32) -> (i32, i32) {
    %c0_i32 = arith.constant 0 : i32
    %c0_i32_0 = arith.constant 0 : i32
    return %arg0, %c0_i32 : i32, i32
  }
}

</mosaic_0001>

<sc_bundles>
// kernel: kernel.4.cloned.1.call-start
scs
__scs_entry_jumppad:
0x0: {  	(pc) =	sbr.rel $0x88, $3  }
0x1: {  	(tag) =	ssettag $0x0;
	lr =	simm.s32 $0x1  }
0x2: {  	[smem:$0x3F99] =	sst lr;
	_ =	strace $0xD0000000  }
0x3: {  	_ = 	snop  }
0x4: {  	_ = 	snop  }
0x5: {  	_ = 	snop  }
0x6: {  	_ = 	snop  }
0x7: {  	_ = 	snop  }
__scs_overlays_trampoline_lowered:
0x8: {  	[smem:$0x3FA8] =	sst s0  }
0x9: {  	[smem:$0x3FA9] =	sst s1  }
0xa: {  	[smem:$0x3FAA] =	sst s2  }
0xb: {  	[smem:$0x3FAB] =	sst s3  }
0xc: {  	[smem:$0x3FAC] =	sst s4  }
0xd: {  	[smem:$0x3FAD] =	sst s5  }
0xe: {  	[smem:$0x3FAE] =	sst s6  }
0xf: {  	[smem:$0x3FAF] =	sst s7  }
0x10: {  	[smem:$0x3FB0] =	sst s8  }
0x11: {  	[smem:$0x3FB1] =	sst s9;
	s0 =	simm.s32 @!p0 $0x0  }
0x12: {  	s1 =	sld [smem:$0x3F97];
	s0 =	simm.s32 @p0 $0x1  }
0x13: {  	[smem:$0x3FB2] =	sst s0;
	s0 =	simm.s32 @!p1 $0x0  }
0x14: {  	s2 =	sld [smem:$0x3F96];
	s0 =	simm.s32 @p1 $0x1  }
0x15: {  	[smem:$0x3FB3] =	sst s0;
	s0 =	simm.s32 @!p2 $0x0  }
0x16: {  	s3 =	sld [smem:$0x3FDB];
	s0 =	simm.s32 @p2 $0x1  }
0x17: {  	s4 =	simm.s32 $0x1BF5;
	[smem:$0x3FB5] =	sst s0  }
0x18: {  	s0 =	sld [smem:$0x3F98];
	_ =	swait.ge [sflag:s4], $0x0  }
0x19: {  	s7 =	sld [smem:$0x3F99]  }
0x1a: {  	s8 =	sadd.s32 $0xFFFFE003, lr  }
0x1b: {  	s9 =	sadd.s32 $0xFFFFFEF7, lr;
	s5 =	simm.s32 $0xFFFFFFFF;
	p2 =	slt.u32 s8, $0xFFFFF086  }
0x1c: {  	p1 =	slt.u32 s9, $0xF7A;
	s5 =	simm.s32 @!p2 $0x0  }
0x1d: {  	s5 =	simm.s32 @p1 $0x1;
	p0 =	seq.s32 s7, s2  }
0x1e: {  	s7 =	smul.u32 @!p0 $0xF7A, s2;
	p2 =	seq.s32 @!p0 s5, $0x0  }
0x1f: {  	s9 =	smul.u32 $0xF7A, s1;
	s8 =	simm.s32 @!p0 $0x1BF5;
	p2 =	por !p2, p0  }
0x20: {  	[sflag:s8] =	ssyncset.s32 @!p0 $0xFFFFF086;
	s6 =	sadd.s32 @!p0 s3, s7;
	s7 =	simm.s32 @!p0 $0x108  }
0x21: {  	s3 =	sadd.s32 s3, s9;
	s6 =	sadd.s32 @!p0 $0x88, s6;
	s7 =	simm.s32 @p2 $0x1082  }
0x22: {  	[simem:s7], [sflag:s8] =	dma.local @!p0 [hbm:s6], $0xF7A  }
0x23: {  	s9 =	sor.u32 $0xD0000000, s2;
	s6 =	simm.s32 $0x108;
	_ =	swait.ge @!p0 [sflag:s8], $0x0  }
0x24: {  	s3 =	sadd.s32 $0x88, s3;
	s6 =	simm.s32 @!p1 $0x1082;
	[sflag:s4] =	ssyncset.s32 $0xFFFFF086  }
0x25: {  	[simem:s6], [sflag:s4] =	dma.local [hbm:s3], $0xF7A  }
0x26: {  	[smem:$0x3F99] =	sst s1;
	(tag) =	ssettag s2;
	_ =	strace s9  }
0x27: {  	s1 =	sld [smem:$0x3FA9]  }
0x28: {  	s2 =	sld [smem:$0x3FAA]  }
0x29: {  	s4 =	sld [smem:$0x3FAC]  }
0x2a: {  	p0 =	seq.s32 s5, $0x0;
	s5 =	sld [smem:$0x3FAD]  }
0x2b: {  	s6 =	sld [smem:$0x3FAE]  }
0x2c: {  	s7 =	sld [smem:$0x3FAF]  }
0x2d: {  	s3 =	simm.s32 $0x108;
	s8 =	sld [smem:$0x3FB0]  }
0x2e: {  	s3 =	simm.s32 @!p0 $0x1082;
	s9 =	sld [smem:$0x3FB1]  }
0x2f: {  	lr =	sadd.s32 s0, s3;
	s0 =	sld [smem:$0x3FA8]  }
0x30: {  	s3 =	sld [smem:$0x3FAB]  }
0x31: {  	[smem:$0x3FB4] =	sst s10  }
0x32: {  	s10 =	sld [smem:$0x3FB2];
	_ =	sdelay $0x3  }
0x33: {  	p0 =	seq.s32 s10, $0x1;
	s10 =	sld [smem:$0x3FB4];
	_ =	sdelay $0x3  }
0x34: {  	[smem:$0x3FB4] =	sst s10  }
0x35: {  	s10 =	sld [smem:$0x3FB3];
	_ =	sdelay $0x3  }
0x36: {  	p1 =	seq.s32 s10, $0x1;
	s10 =	sld [smem:$0x3FB4];
	_ =	sdelay $0x3  }
0x37: {  	[smem:$0x3FB4] =	sst s10  }
0x38: {  	s10 =	sld [smem:$0x3FB5]  }
0x39: {  	_ = 	snop;
	(pc) =	sbr.ind lr, $3  }
0x3a: {  	_ = 	snop  }
0x3b: {  	_ = 	snop  }
0x3c: {  	p2 =	seq.s32 s10, $0x1;
	s10 =	sld [smem:$0x3FB4]  }
0x3d: {  	_ =	shalt  }
0x3e: {  	_ =	shalt  }
0x3f: {  	_ =	shalt  }
0x40: {  	_ =	shalt  }
0x41: {  	_ =	shalt  }
0x42: {  	_ =	shalt  }
0x43: {  	_ =	shalt  }
0x44: {  	_ =	shalt  }
0x45: {  	_ =	shalt  }
0x46: {  	_ =	shalt  }
0x47: {  	_ =	shalt  }
0x48: {  	_ =	shalt  }
0x49: {  	_ =	shalt  }
0x4a: {  	_ =	shalt  }
0x4b: {  	_ =	shalt  }
0x4c: {  	_ =	shalt  }
0x4d: {  	_ =	shalt  }
0x4e: {  	_ =	shalt  }
0x4f: {  	_ =	shalt  }
0x50: {  	_ =	shalt  }
0x51: {  	_ =	shalt  }
0x52: {  	_ =	shalt  }
0x53: {  	_ =	shalt  }
0x54: {  	_ =	shalt  }
0x55: {  	_ =	shalt  }
0x56: {  	_ =	shalt  }
0x57: {  	_ =	shalt  }
0x58: {  	_ =	shalt  }
0x59: {  	_ =	shalt  }
0x5a: {  	_ =	shalt  }
0x5b: {  	_ =	shalt  }
0x5c: {  	_ =	shalt  }
0x5d: {  	_ =	shalt  }
0x5e: {  	_ =	shalt  }
0x5f: {  	_ =	shalt  }
0x60: {  	_ =	shalt  }
0x61: {  	_ =	shalt  }
0x62: {  	_ =	shalt  }
0x63: {  	_ =	shalt  }
0x64: {  	_ =	shalt  }
0x65: {  	_ =	shalt  }
0x66: {  	_ =	shalt  }
0x67: {  	_ =	shalt  }
0x68: {  	_ =	shalt  }
0x69: {  	_ =	shalt  }
0x6a: {  	_ =	shalt  }
0x6b: {  	_ =	shalt  }
0x6c: {  	_ =	shalt  }
0x6d: {  	_ =	shalt  }
0x6e: {  	_ =	shalt  }
0x6f: {  	_ =	shalt  }
0x70: {  	_ =	shalt  }
0x71: {  	_ =	shalt  }
0x72: {  	_ =	shalt  }
0x73: {  	_ =	shalt  }
0x74: {  	_ =	shalt  }
0x75: {  	_ =	shalt  }
0x76: {  	_ =	shalt  }
0x77: {  	_ =	shalt  }
0x78: {  	_ =	shalt  }
0x79: {  	_ =	shalt  }
0x7a: {  	_ =	shalt  }
0x7b: {  	_ =	shalt  }
0x7c: {  	_ =	shalt  }
0x7d: {  	_ =	shalt  }
0x7e: {  	_ =	shalt  }
0x7f: {  	_ =	shalt  }
0x80: {  	_ =	shalt  }
0x81: {  	_ =	shalt  }
0x82: {  	_ =	shalt  }
0x83: {  	_ =	shalt  }
0x84: {  	_ =	shalt  }
0x85: {  	_ =	shalt  }
0x86: {  	_ =	shalt  }
0x87: {  	_ =	shalt  }
.Lfunc_end0:
.L_simem_size_0:
called_computation_lowered:
.L_overlay_start_0:
0x88: {  	s2 =	sld [smem:$0x3FD9]  }
0x89: {  	s3 =	sld [smem:$0x3FFE];
	_ =	sdelay $0x1  }
0x8a: {  	s1 =	srdreg.scid  }
0x8b: {  	s0 =	sand.u32 $0x1, s1  }
0x8c: {  	s17 =	sshll.u32 s0, $0xA;
	s2 =	sadd.s32 s3, s2  }
0x8d: {  	s2 =	sadd.s32 s2, s17  }
0x8e: {  	[smem:$0x3FC0] =	sst s2  }
0x8f: {  	_ = 	snop  }
0x90: {  	s2 =	sld [smem:$0x3FC8]  }
0x91: {  	s18 =	sld [smem:$0x3FD0];
	(tm) =	ssettm $0x1  }
0x92: {  	s4 =	sld [smem:$0x3FFB];
	_ =	sdelay $0x3  }
0x93: {  	_ =	strace s4  }
0x94: {  	s4 =	sld [smem:$0x3FFC];
	_ =	sdelay $0x3  }
0x95: {  	_ =	strace s4  }
0x96: {  	s4 =	sld [smem:$0x3FFD];
	_ =	sdelay $0x3  }
0x97: {  	_ =	strace s4  }
0x98: {  	_ =	strace $0x8FFFFFFF  }
0x99: {  	s19 =	sld [smem:$0x3FDB];
	_ =	sdelay $0x1  }
0x9a: {  	s5 =	simm.s32 $_scs_section_size  }
0x9b: {  	s6 =	simm.s32 $_size__tile_overlayer_lowered;
	s7 =	simm.s32 $_tile_overlayer_lowered  }
0x9c: {  	s22 =	simm.s32 $0x1BFF;
	s21 =	sshll.u32 s7, $0x1;
	s4 =	sadd.s32 s5, s19  }
0x9d: {  	s8 =	simm.s32 $0x0;
	s20 =	sshll.u32 s6, $0x1;
	s6 =	sadd.s32 s21, s4  }
0x9e: {  	[timem:s8], [sflag:s22] =	dma.local [hbm:s6], s20  }
0x9f: {  	_ =	swait.ge [sflag:s22], s20  }
0xa0: {  	s5 =	ssub.s32 $0x0, s20;
	[sflag:s22] =	ssyncset.done $0x0  }
0xa1: {  	[sflag:s22] =	ssyncadd.s32 s5;
	_ =	sdelay $0x1  }
0xa2: {  	s23 =	simm.s32 $0x1B8B  }
0xa3: {  	_ =	swait.ge [sflag:s23], $0x1  }
0xa4: {  	[sflag:s23] =	ssyncset.done $0x0  }
0xa5: {  	s25 =	simm.s32 $0x1B8E;
	s24 =	sld [smem:$0x3FFE];
	[sflag:s23] =	ssyncadd.s32 $0xFFFFFFFF  }
0xa6: {  	s26 =	simm.s32 $execute0_lowered;
	[smem:$0x3FD2] =	sst s25  }
0xa7: {  	s6 =	sshll.u32 s26, $0x1;
	_ =	strace $0x80000046;
	[dreg:$0x1] =	wrdreg $0xFFFFFFFF  }
0xa8: {  	s28 =	simm.s32 $_size_execute0_lowered;
	s4 =	sadd.s32 s4, s6;
	[dreg:$0x0] =	wrdreg $0x0  }
0xa9: {  	s6 =	sshll.u32 s28, $0x1;
	[dreg:$0x2] =	wrdreg s4  }
0xaa: {  	[dreg:$0x3] =	wrdreg s6  }
0xab: {  	[dreg:$0x4] =	wrdreg $0xC0  }
0xac: {  	_ =	task [dreg:s8], $0x5FFFF  }
0xad: {  	[dreg:$0x1] =	wrdreg $0xFFFFFFFF  }
0xae: {  	[dreg:$0x0] =	wrdreg $0x60  }
0xaf: {  	[dreg:$0x2] =	wrdreg s18  }
0xb0: {  	[dreg:$0x3] =	wrdreg s2  }
0xb1: {  	[dreg:$0x4] =	wrdreg s24  }
0xb2: {  	[dreg:$0x5] =	wrdreg $0x9  }
0xb3: {  	_ =	task.clear_ibuf [dreg:s8], $0x6FFFF;
	_ =	strace $0x90000046  }
0xb4: {  	s29 =	simm.s32 $0x9;
	_ =	strace $0x80000048  }
0xb5: {  	_ =	swait.ge [sflag:s29], $0x1  }
0xb6: {  	[sflag:s29] =	ssyncadd.s32 $0xFFFFFFFF  }
0xb7: {  	_ =	strace $0x90000048  }
0xb8: {  	_ =	sfence  }
0xb9: {  	s30 =	sld [smem:$0x0];
	_ =	sdelay $0x2  }
0xba: {  	s31 =	sshll.u32 s1, $0xD;
	s1 =	sshrl.u32 s1, $0x2  }
0xbb: {  	s3 =	sand.u32 $0x4000, s31;
	s1 =	sadd.s32 s1, s30  }
0xbc: {  	s0 =	sor.u32 s3, s0;
	s1 =	sshll.u32 s1, $0x11  }
0xbd: {  	s0 =	sor.u32 s1, s0  }
0xbe: {  	s0 =	sadd.s32 $0x8F2B, s0  }
0xbf: {  	[sflag:s0] =	ssyncadd.remote.s32 $0x1  }
0xc0: {  	_ =	sfence.sel $0xFFFF  }
0xc1: {  	[dreg:$0x0] =	wrdreg $0xFFFFFFFF;
	(pc) =	sbr.abs _section_cstart, $3  }
0xc2: {  	[dreg:$0x1] =	wrdreg $0xFFFFFFFF  }
0xc3: {  	_ =	task.clear_ibuf [dreg:s8], $0x2FFFF;
	_ =	strace $0x9FFFFFFF  }
0xc4: {  	(tm) =	ssettm $0x7FFFFFFF  }
0xc5: {  	_ =	shalt  }
tec
execute0_lowered:
.L_overlay_start_1:
0x0: {  	(tag) =	ssettag $0x1  }
0x1: {  	s0 =	rddreg [dreg:$0x0]  }
0x2: {  	s2 =	rddreg [dreg:$0x1]  }
0x3: {  	s1 =	rddreg [dreg:$0x2];
	s3 =	srdreg.scid  }
0x4: {  	s5 =	stileid.u32;
	s9 =	simm.s32 $0x30;
	s14 =	simm.s32 $0x38  }
0x5: {  	s10 =	simm.s32 $0x1;
	s11 =	simm.s32 $0x19000;
	s12 =	simm.s32 $0x1A800  }
0x6: {  	s13 =	simm.s32 $0x1C000;
	s15 =	simm.s32 $0x1D800;
	s16 =	simm.s32 $0x1F400  }
0x7: {  	s17 =	simm.s32 $0x2;
	s18 =	simm.s32 $0x1F480;
	s19 =	simm.s32 $0x3  }
0x8: {  	s20 =	simm.s32 $0x1F500;
	s4 =	sand.u32 $0x1, s3;
	s5 =	sshll.u32 s5, $0x1  }
0x9: {  	s21 =	simm.s32 $0x4;
	s22 =	simm.s32 $0x1F580;
	s5 =	sor.u32 s4, s5  }
0xa: {  	s26 =	simm.s32 $0x8;
	s6 =	ssub.s32 $0x2, s4;
	s8 =	smul.u32 $0xC80, s5  }
0xb: {  	s28 =	simm.s32 $0x0;
	s3 =	simm.s32 $0x0;
	s7 =	sshrl.u32 s6, $0x1  }
0xc: {  	[smem:$0x7FF] =	sst s3;
	s30 =	ssub.s32 s6, s7;
	s0 =	sadd.s32 s0, s8  }
0xd: {  	v0 =	vimm.f32 $1.000000000e+00;
	vm0 =	vcmask $0x1F00;
	_ =	strace $0x80000047;
	s31 =	smax.u32 s30, $0x1;
	[dreg:$0x4] =	wrdreg s0  }
0xe: {  	v1 =	vsel vm0, $0x0, v0;
	s4 =	sadd.s32 $0x1200, s1;
	s6 =	sshll.u32 s5, $0xB;
	[dreg:$0x5] =	wrdreg s31  }
.LBB2_1:
0xf: {  	s0 =	rddreg [dreg:$0x4];
	s8 =	simm.s32 $0x9  }
0x10: {  	[tilespmem:s3], [sflag:$0x9] =	stream.linear.gather [hbm4b:s0+s3], $0x6400, $0x38;
	[tilespmem:$0x1F600] =	vst v63  }
0x11: {  	_ =	swait.ge [sflag:s8], $0x6400  }
0x12: {  	[sflag:s8] =	ssyncset.done $0x0  }
0x13: {  	s23 =	simm.s32 $0x6400;
	[sflag:s8] =	ssyncadd.s32 $0xFFFF9C00  }
0x14: {  	[tilespmem:s23], [sflag:$0x1] =	stream.indirect.gather [hbm4b:s2+s9], $0x80, s3, s9, $0xb8;
	[tilespmem:$0x1F600] =	vst v63  }
0x15: {  	s24 =	simm.s32 $0x7C00  }
0x16: {  	[tilespmem:s24], [sflag:$0x1] =	stream.indirect.gather [hbm4b:s2+s9], $0x80, s9, s9, $0xb8;
	[tilespmem:$0x1F600] =	vst v63  }
0x17: {  	s25 =	simm.s32 $0x60;
	s1 =	simm.s32 $0x9400  }
0x18: {  	[tilespmem:s1], [sflag:$0x1] =	stream.indirect.gather [hbm4b:s2+s9], $0x80, s25, s9, $0xb8;
	[tilespmem:$0x1F600] =	vst v63  }
0x19: {  	s30 =	simm.s32 $0x90;
	s31 =	simm.s32 $0xAC00  }
0x1a: {  	[tilespmem:s31], [sflag:$0x1] =	stream.indirect.gather [hbm4b:s2+s14], $0x80, s30, s14, $0xb8;
	[tilespmem:$0x1F600] =	vst v63  }
0x1b: {  	s5 =	simm.s32 $0xC8;
	s7 =	simm.s32 $0xC800  }
0x1c: {  	[tilespmem:s7], [sflag:$0x2] =	stream.indirect.gather [hbm4b:s2+s9], $0x80, s5, s9, $0xb8;
	[tilespmem:$0x1F600] =	vst v63  }
0x1d: {  	s8 =	simm.s32 $0xF8;
	s23 =	simm.s32 $0xE000  }
0x1e: {  	[tilespmem:s23], [sflag:$0x2] =	stream.indirect.gather [hbm4b:s2+s9], $0x80, s8, s9, $0xb8;
	[tilespmem:$0x1F600] =	vst v63  }
0x1f: {  	s24 =	simm.s32 $0x128;
	s25 =	simm.s32 $0xF800  }
0x20: {  	[tilespmem:s25], [sflag:$0x2] =	stream.indirect.gather [hbm4b:s2+s9], $0x80, s24, s9, $0xb8;
	[tilespmem:$0x1F600] =	vst v63  }
0x21: {  	s30 =	simm.s32 $0x158;
	s31 =	simm.s32 $0x11000  }
0x22: {  	[tilespmem:s31], [sflag:$0x2] =	stream.indirect.gather [hbm4b:s2+s14], $0x80, s30, s14, $0xb8;
	[tilespmem:$0x1F600] =	vst v63  }
0x23: {  	s5 =	simm.s32 $0x190;
	s7 =	simm.s32 $0x12C00  }
0x24: {  	[tilespmem:s7], [sflag:$0x3] =	stream.indirect.gather [hbm4b:s2+s9], $0x80, s5, s9, $0xb8;
	[tilespmem:$0x1F600] =	vst v63  }
0x25: {  	s8 =	simm.s32 $0x1C0;
	s23 =	simm.s32 $0x14400  }
0x26: {  	[tilespmem:s23], [sflag:$0x3] =	stream.indirect.gather [hbm4b:s2+s9], $0x80, s8, s9, $0xb8;
	[tilespmem:$0x1F600] =	vst v63  }
0x27: {  	s24 =	simm.s32 $0x1F0;
	s25 =	simm.s32 $0x15C00  }
0x28: {  	[tilespmem:s25], [sflag:$0x3] =	stream.indirect.gather [hbm4b:s2+s9], $0x80, s24, s9, $0xb8;
	[tilespmem:$0x1F600] =	vst v63  }
0x29: {  	s29 =	simm.s32 $0x0;
	s30 =	simm.s32 $0x220;
	s31 =	simm.s32 $0x17400  }
0x2a: {  	[tilespmem:s31], [sflag:$0x3] =	stream.indirect.gather [hbm4b:s2+s14], $0x80, s30, s14, $0xb8;
	[tilespmem:$0x1F600] =	vst v63  }
.LBB2_2:
0x2b: {  	_ =	swait.ge [sflag:s10], $0x6400;
	s30 =	sshllo.u32 s29, $0x2  }
0x2c: {  	[sflag:s10] =	ssyncset.done $0x0;
	s31 =	smul.u32 $0xC8, s30  }
0x2d: {  	[sflag:s10] =	ssyncadd.s32 $0xFFFF9C00  }
0x2e: {  	[tilespmem:s11], [sflag:$0x4] =	stream.indirect.gather [hbm4b:s2+s9], $0x80, s31, s9, $0xb8;
	[tilespmem:$0x1F600] =	vst v63  }
0x2f: {  	s0 =	sadd.s32 $0x30, s31  }
0x30: {  	[tilespmem:s12], [sflag:$0x4] =	stream.indirect.gather [hbm4b:s2+s9], $0x80, s0, s9, $0xb8;
	[tilespmem:$0x1F600] =	vst v63  }
0x31: {  	s24 =	sadd.s32 $0x60, s31  }
0x32: {  	[tilespmem:s13], [sflag:$0x4] =	stream.indirect.gather [hbm4b:s2+s9], $0x80, s24, s9, $0xb8;
	[tilespmem:$0x1F600] =	vst v63  }
0x33: {  	s1 =	sadd.s32 $0x90, s31;
	s0 =	smul.u32 $0x320, s29  }
0x34: {  	[tilespmem:s15], [sflag:$0x4] =	stream.indirect.gather [hbm4b:s2+s14], $0x80, s1, s14, $0xb8;
	[tilespmem:$0x1F600] =	vst v63  }
0x35: {  	v2 =	vld [tilespmem:s0+$0x0]  }
0x36: {  	v3 =	vld [tilespmem:s0+$0x10];
	_ =	sdelay $0x1  }
0x37: {  	v4 =	vld [tilespmem:s0+$0x20];
	_ =	sdelay $0x1  }
0x38: {  	v5 =	vld [tilespmem:s0+$0x30]  }
0x39: {  	vm0 =	veq.s32 v2, $0x0;
	vm1 =	veq.s32 v3, $0x0  }
0x3a: {  	v6 =	vld [tilespmem:s0+$0x40];
	v2 =	vsel vm0, $0x0, v0;
	v3 =	vsel vm1, $0x0, v0  }
0x3b: {  	vm5 =	veq.s32 v4, $0x0;
	v2 =	vadd.f32 v3, v2  }
0x3c: {  	v4 =	vld [tilespmem:s0+$0x50];
	v3 =	vsel vm5, $0x0, v0  }
0x3d: {  	vm6 =	veq.s32 v5, $0x0;
	v2 =	vadd.f32 v3, v2  }
0x3e: {  	v5 =	vld [tilespmem:s0+$0x60];
	v3 =	vsel vm6, $0x0, v0  }
0x3f: {  	vm7 =	veq.s32 v6, $0x0;
	v2 =	vadd.f32 v3, v2  }
0x40: {  	v6 =	vld [tilespmem:s0+$0x70];
	v3 =	vsel vm7, $0x0, v0  }
0x41: {  	s25 =	sand.u32 $0x7FE0, s0;
	vm8 =	veq.s32 v4, $0x0;
	v2 =	vadd.f32 v3, v2  }
0x42: {  	v4 =	vld [tilespmem:s25+$0x80];
	v3 =	vsel vm8, $0x0, v0  }
0x43: {  	vm9 =	veq.s32 v5, $0x0;
	v2 =	vadd.f32 v3, v2  }
0x44: {  	v5 =	vld [tilespmem:s0+$0x90];
	v3 =	vsel vm9, $0x0, v0  }
0x45: {  	vm10 =	veq.s32 v6, $0x0;
	v2 =	vadd.f32 v3, v2  }
0x46: {  	v6 =	vld [tilespmem:s0+$0xA0];
	v3 =	vsel vm10, $0x0, v0  }
0x47: {  	vm11 =	veq.s32 v4, $0x0;
	v2 =	vadd.f32 v3, v2  }
0x48: {  	v4 =	vld [tilespmem:s0+$0xB0];
	v3 =	vsel vm11, $0x0, v0  }
0x49: {  	vm12 =	veq.s32 v5, $0x0;
	v2 =	vadd.f32 v3, v2  }
0x4a: {  	v5 =	vld [tilespmem:s0+$0xB8];
	v3 =	vsel vm12, $0x0, v0  }
0x4b: {  	vm13 =	veq.s32 v6, $0x0;
	v2 =	vadd.f32 v3, v2  }
0x4c: {  	v3 =	vsel vm13, $0x0, v0  }
0x4d: {  	vm14 =	veq.s32 v4, $0x0;
	v2 =	vadd.f32 v3, v2  }
0x4e: {  	v3 =	vsel vm14, $0x0, v0  }
0x4f: {  	vm15 =	veq.s32 v5, $0x0;
	v2 =	vadd.f32 v3, v2  }
0x50: {  	v3 =	vsel vm15, $0x0, v1  }
0x51: {  	v2 =	vadd.f32 v3, v2;
	_ =	sdelay $0x1  }
0x52: {  	(xrf2) =	vadd.scan.msk.f32 $0xffff, v2;
	_ =	sdelay $0x9  }
0x53: {  	v2, _, _ =	vpop (xrf2)  }
0x54: {  	v2 =	vadd.f32 $9.999999740e-06, v2;
	_ =	sdelay $0x1  }
0x55: {  	v2 =	vbroadcast v2, $0xF;
	_ =	sdelay $0x1  }
0x56: {  	(erf) = vrcp.f32 v2;
	_ =	sdelay $0x7  }
0x57: {  	p0 =	seq.s32 s29, $0x0  }
0x58: {  	s1 =	simm.s32 @!p0 $0x5;
	v2 =	vpop (erf)  }
0x59: {  	_ =	swait.ge @!p0 [sflag:s1], $0x80  }
0x5a: {  	[sflag:s1] =	ssyncset.done @!p0 $0x0  }
0x5b: {  	s7 =	simm.s32 $0x6480;
	[sflag:s1] =	ssyncadd.s32 @!p0 $0xFFFFFF80  }
0x5c: {  	v8 =	vld [tilespmem:s7+$0x0]  }
0x5d: {  	v9 =	vld [tilespmem:s7+$0x10]  }
0x5e: {  	v5 =	vld [tilespmem:s7+$0x20]  }
0x5f: {  	v6 =	vld [tilespmem:s7+$0x30]  }
0x60: {  	v3 =	vld [tilespmem:s7+$0x40]  }
0x61: {  	v10 =	vld [tilespmem:s7+$0xFFFFFF80]  }
0x62: {  	v11 =	vld [tilespmem:s7+$0xFFFFFF90]  }
0x63: {  	v12 =	vld [tilespmem:s7+$0xFFFFFFA0]  }
0x64: {  	v13 =	vld [tilespmem:s7+$0xFFFFFFB0]  }
0x65: {  	v4 =	vld [tilespmem:s7+$0x50]  }
0x66: {  	v15 =	vld [tilespmem:s7+$0xFFFFFFC0]  }
0x67: {  	v7 =	vimm.f32 $0.0e+00;
	v16 =	vld [tilespmem:s7+$0xFFFFFFD0]  }
0x68: {  	v14 =	vld [tilespmem:s7+$0xFFFFFFE0];
	v10 =	vadd.f32 v10, v7  }
0x69: {  	v17 =	vld [tilespmem:s7+$0xFFFFFFF0];
	v11 =	vadd.f32 v11, v7;
	v20 =	vadd.f32 v12, v7  }
0x6a: {  	v18 =	vld [tilespmem:s7+$0x70];
	v19 =	vadd.f32 v13, v7;
	v12 =	vimm.f32 $0.0e+00;
	v10 =	vadd.f32 v8, v10  }
0x6b: {  	s5 =	sshll.u32 s29, $0x2;
	s1 =	simm.s32 $0x0;
	v13 =	vld [tilespmem:s7+$0x60];
	s7 =	simm.s32 $0x6580;
	v9 =	vadd.f32 v9, v11;
	v11 =	vimm.f32 $0.0e+00;
	v8 =	vimm.f32 $0.0e+00  }
.LBB2_3:
0x6c: {  	v21 =	vld [tilespmem:s7+$0x0];
	v20 =	vadd.f32 v5, v20;
	v19 =	vadd.f32 v6, v19  }
0x6d: {  	v7 =	vadd.f32 v15, v7;
	v12 =	vadd.f32 v16, v12;
	v22 =	vld [tilespmem:s7+$0x10]  }
0x6e: {  	v11 =	vadd.f32 v14, v11;
	v5 =	vld [tilespmem:s7+$0x20];
	v8 =	vadd.f32 v17, v8  }
0x6f: {  	v7 =	vadd.f32 v3, v7;
	v12 =	vadd.f32 v4, v12;
	v6 =	vld [tilespmem:s7+$0x30]  }
0x70: {  	v11 =	vadd.f32 v13, v11;
	v3 =	vld [tilespmem:s7+$0x40];
	v8 =	vadd.f32 v18, v8  }
0x71: {  	v4 =	vld [tilespmem:s7+$0x50]  }
0x72: {  	v13 =	vld [tilespmem:s7+$0xFFFFFF80]  }
0x73: {  	v17 =	vld [tilespmem:s7+$0xFFFFFF90]  }
0x74: {  	v18 =	vld [tilespmem:s7+$0xFFFFFFA0]  }
0x75: {  	s1 =	sadd.s32 $0x2, s1;
	v23 =	vld [tilespmem:s7+$0xFFFFFFB0]  }
0x76: {  	p1 =	slt.u32 s1, $0xC6;
	v15 =	vld [tilespmem:s7+$0xFFFFFFC0]  }
.Ltmp0:
0x77: {  	v16 =	vld [tilespmem:s7+$0xFFFFFFD0];
	(pc) =	sbr.rel @p1 .LBB2_3-.Ltmp0, $4  }
0x78: {  	v14 =	vld [tilespmem:s7+$0xFFFFFFE0]  }
0x79: {  	v10 =	vadd.f32 v13, v10;
	v9 =	vadd.f32 v17, v9;
	v17 =	vld [tilespmem:s7+$0xFFFFFFF0]  }
0x7a: {  	v20 =	vadd.f32 v18, v20;
	v19 =	vadd.f32 v23, v19;
	v13 =	vld [tilespmem:s7+$0x60]  }
0x7b: {  	v10 =	vadd.f32 v21, v10;
	v9 =	vadd.f32 v22, v9;
	v18 =	vld [tilespmem:s7+$0x70];
	s7 =	sadd.s32 $0x100, s7  }
0x7c: {  	_ = 	snop  }
0x7d: {  	v5 =	vadd.f32 v5, v20;
	v7 =	vadd.f32 v15, v7;
	v10 =	vmul.f32 v10, v2  }
0x7e: {  	v6 =	vadd.f32 v6, v19;
	v12 =	vadd.f32 v16, v12;
	v9 =	vmul.f32 v9, v2  }
0x7f: {  	v11 =	vadd.f32 v14, v11;
	v3 =	vadd.f32 v3, v7;
	v5 =	vmul.f32 v5, v2;
	[tilespmem:$0x1F400] =	vst v10  }
0x80: {  	v7 =	vadd.f32 v17, v8;
	v4 =	vadd.f32 v4, v12;
	v6 =	vmul.f32 v6, v2;
	[tilespmem:$0x1F410] =	vst v9  }
0x81: {  	v8 =	vadd.f32 v13, v11;
	[tilespmem:$0x1F420] =	vst v5;
	v3 =	vmul.f32 v3, v2  }
0x82: {  	v5 =	vadd.f32 v18, v7;
	[tilespmem:$0x1F430] =	vst v6;
	v4 =	vmul.f32 v4, v2  }
0x83: {  	s1 =	sshll.u32 s29, $0x6;
	[tilespmem:$0x1F440] =	vst v3;
	v3 =	vmul.f32 v8, v2  }
0x84: {  	s7 =	sand.u32 $0x780, s1;
	s8 =	sand.u32 $0x40, s1;
	[tilespmem:$0x1F450] =	vst v4;
	v2 =	vmul.f32 v5, v2  }
0x85: {  	s1 =	sor.u32 s6, s7;
	s23 =	sadd.s32 s4, s8;
	[tilespmem:$0x1F460] =	vst v3  }
0x86: {  	s7 =	sadd.s32 s1, s23;
	[tilespmem:$0x1F470] =	vst v2  }
0x87: {  	[hbm4b:s7+s3] =	stream.linear.scatter [tilespmem:s16], [sflag:$0x5], $0x80, $0x38;
	[tilespmem:$0x1F600] =	vst v63  }
0x88: {  	p1 =	seq.s32 s29, $0x1F;
	_ =	swait.ge [sflag:s17], $0x6400  }
0x89: {  	s8 =	simm.s32 @!p1 $0x30;
	[sflag:s17] =	ssyncset.done $0x0  }
0x8a: {  	s23 =	simm.s32 @!p1 $0x6400;
	s7 =	sadd.s32 @!p1 $0x320, s0;
	[sflag:s17] =	ssyncadd.s32 $0xFFFF9C00  }
0x8b: {  	[tilespmem:s23], [sflag:$0x1] =	stream.indirect.gather @!p1 [hbm4b:s2+s8], $0x80, s7, s8, $0xb8;
	[tilespmem:$0x1F600] =	vst v63  }
0x8c: {  	s7 =	sadd.s32 @!p1 $0x350, s0;
	s23 =	simm.s32 @!p1 $0x7C00  }
0x8d: {  	[tilespmem:s23], [sflag:$0x1] =	stream.indirect.gather @!p1 [hbm4b:s2+s8], $0x80, s7, s8, $0xb8;
	[tilespmem:$0x1F600] =	vst v63  }
0x8e: {  	s7 =	sadd.s32 @!p1 $0x380, s0;
	s23 =	simm.s32 @!p1 $0x9400  }
0x8f: {  	[tilespmem:s23], [sflag:$0x1] =	stream.indirect.gather @!p1 [hbm4b:s2+s8], $0x80, s7, s8, $0xb8;
	[tilespmem:$0x1F600] =	vst v63  }
0x90: {  	s24 =	simm.s32 @!p1 $0xAC00;
	s7 =	sor.u32 $0x1, s5  }
0x91: {  	s8 =	sadd.s32 @!p1 $0x3B0, s0;
	s23 =	simm.s32 @!p1 $0x38;
	s25 =	smul.u32 $0xC8, s7  }
0x92: {  	[tilespmem:s24], [sflag:$0x1] =	stream.indirect.gather @!p1 [hbm4b:s2+s23], $0x80, s8, s23, $0xb8;
	[tilespmem:$0x1F600] =	vst v63  }
0x93: {  	v2 =	vld [tilespmem:s25+$0x0]  }
0x94: {  	v3 =	vld [tilespmem:s25+$0x10];
	_ =	sdelay $0x1  }
0x95: {  	v4 =	vld [tilespmem:s25+$0x20];
	_ =	sdelay $0x1  }
0x96: {  	v5 =	vld [tilespmem:s25+$0x30]  }
0x97: {  	vm0 =	veq.s32 v2, $0x0;
	vm1 =	veq.s32 v3, $0x0  }
0x98: {  	v6 =	vld [tilespmem:s25+$0x40];
	v2 =	vsel vm0, $0x0, v0;
	v3 =	vsel vm1, $0x0, v0  }
0x99: {  	vm5 =	veq.s32 v4, $0x0;
	v2 =	vadd.f32 v3, v2  }
0x9a: {  	v4 =	vld [tilespmem:s25+$0x50];
	v3 =	vsel vm5, $0x0, v0  }
0x9b: {  	vm6 =	veq.s32 v5, $0x0;
	v2 =	vadd.f32 v3, v2  }
0x9c: {  	v5 =	vld [tilespmem:s25+$0x60];
	v3 =	vsel vm6, $0x0, v0  }
0x9d: {  	vm7 =	veq.s32 v6, $0x0;
	v2 =	vadd.f32 v3, v2  }
0x9e: {  	v6 =	vld [tilespmem:s25+$0x70];
	v3 =	vsel vm7, $0x0, v0  }
0x9f: {  	s24 =	sand.u32 $0x7FE8, s25;
	vm8 =	veq.s32 v4, $0x0;
	v2 =	vadd.f32 v3, v2  }
0xa0: {  	v4 =	vld [tilespmem:s24+$0x80];
	v3 =	vsel vm8, $0x0, v0  }
0xa1: {  	vm9 =	veq.s32 v5, $0x0;
	v2 =	vadd.f32 v3, v2  }
0xa2: {  	v5 =	vld [tilespmem:s25+$0x90];
	v3 =	vsel vm9, $0x0, v0  }
0xa3: {  	vm10 =	veq.s32 v6, $0x0;
	v2 =	vadd.f32 v3, v2  }
0xa4: {  	v6 =	vld [tilespmem:s25+$0xA0];
	v3 =	vsel vm10, $0x0, v0  }
0xa5: {  	vm11 =	veq.s32 v4, $0x0;
	v2 =	vadd.f32 v3, v2  }
0xa6: {  	v4 =	vld [tilespmem:s25+$0xB0];
	v3 =	vsel vm11, $0x0, v0  }
0xa7: {  	vm12 =	veq.s32 v5, $0x0;
	v2 =	vadd.f32 v3, v2  }
0xa8: {  	v5 =	vld [tilespmem:s25+$0xB8];
	v3 =	vsel vm12, $0x0, v0  }
0xa9: {  	vm13 =	veq.s32 v6, $0x0;
	v2 =	vadd.f32 v3, v2  }
0xaa: {  	v3 =	vsel vm13, $0x0, v0  }
0xab: {  	vm14 =	veq.s32 v4, $0x0;
	v2 =	vadd.f32 v3, v2  }
0xac: {  	v3 =	vsel vm14, $0x0, v0  }
0xad: {  	vm15 =	veq.s32 v5, $0x0;
	v2 =	vadd.f32 v3, v2  }
0xae: {  	v3 =	vsel vm15, $0x0, v1  }
0xaf: {  	v2 =	vadd.f32 v3, v2;
	_ =	sdelay $0x1  }
0xb0: {  	(xrf2) =	vadd.scan.msk.f32 $0xffff, v2;
	_ =	sdelay $0x9  }
0xb1: {  	v2, _, _ =	vpop (xrf2)  }
0xb2: {  	v2 =	vadd.f32 $9.999999740e-06, v2;
	_ =	sdelay $0x1  }
0xb3: {  	v2 =	vbroadcast v2, $0xF;
	_ =	sdelay $0x1  }
0xb4: {  	(erf) = vrcp.f32 v2;
	_ =	sdelay $0x8  }
0xb5: {  	s8 =	simm.s32 @!p0 $0x6;
	v2 =	vpop (erf)  }
0xb6: {  	_ =	swait.ge @!p0 [sflag:s8], $0x80  }
0xb7: {  	[sflag:s8] =	ssyncset.done @!p0 $0x0  }
0xb8: {  	s25 =	simm.s32 $0xC880;
	[sflag:s8] =	ssyncadd.s32 @!p0 $0xFFFFFF80  }
0xb9: {  	v8 =	vld [tilespmem:s25+$0x0]  }
0xba: {  	v9 =	vld [tilespmem:s25+$0x10]  }
0xbb: {  	v5 =	vld [tilespmem:s25+$0x20]  }
0xbc: {  	v6 =	vld [tilespmem:s25+$0x30]  }
0xbd: {  	v3 =	vld [tilespmem:s25+$0x40]  }
0xbe: {  	v10 =	vld [tilespmem:s25+$0xFFFFFF80]  }
0xbf: {  	v11 =	vld [tilespmem:s25+$0xFFFFFF90]  }
0xc0: {  	v12 =	vld [tilespmem:s25+$0xFFFFFFA0]  }
0xc1: {  	v13 =	vld [tilespmem:s25+$0xFFFFFFB0]  }
0xc2: {  	v4 =	vld [tilespmem:s25+$0x50]  }
0xc3: {  	v15 =	vld [tilespmem:s25+$0xFFFFFFC0]  }
0xc4: {  	v7 =	vimm.f32 $0.0e+00;
	v16 =	vld [tilespmem:s25+$0xFFFFFFD0]  }
0xc5: {  	v14 =	vld [tilespmem:s25+$0xFFFFFFE0];
	v10 =	vadd.f32 v10, v7  }
0xc6: {  	v17 =	vld [tilespmem:s25+$0xFFFFFFF0];
	v18 =	vadd.f32 v11, v7;
	v20 =	vadd.f32 v12, v7  }
0xc7: {  	v19 =	vadd.f32 v13, v7;
	v13 =	vld [tilespmem:s25+$0x60];
	v12 =	vimm.f32 $0.0e+00;
	v11 =	vadd.f32 v8, v10  }
0xc8: {  	s23 =	simm.s32 $0xC980;
	s8 =	simm.s32 $0x0;
	v9 =	vadd.f32 v9, v18;
	v18 =	vld [tilespmem:s25+$0x70];
	v10 =	vimm.f32 $0.0e+00;
	v8 =	vimm.f32 $0.0e+00  }
.LBB2_5:
0xc9: {  	v21 =	vld [tilespmem:s23+$0x0];
	v20 =	vadd.f32 v5, v20;
	v19 =	vadd.f32 v6, v19  }
0xca: {  	v7 =	vadd.f32 v15, v7;
	v12 =	vadd.f32 v16, v12;
	v22 =	vld [tilespmem:s23+$0x10]  }
0xcb: {  	v10 =	vadd.f32 v14, v10;
	v5 =	vld [tilespmem:s23+$0x20];
	v8 =	vadd.f32 v17, v8  }
0xcc: {  	v7 =	vadd.f32 v3, v7;
	v12 =	vadd.f32 v4, v12;
	v6 =	vld [tilespmem:s23+$0x30]  }
0xcd: {  	v10 =	vadd.f32 v13, v10;
	v3 =	vld [tilespmem:s23+$0x40];
	v8 =	vadd.f32 v18, v8  }
0xce: {  	v4 =	vld [tilespmem:s23+$0x50]  }
0xcf: {  	v13 =	vld [tilespmem:s23+$0xFFFFFF80]  }
0xd0: {  	v17 =	vld [tilespmem:s23+$0xFFFFFF90]  }
0xd1: {  	v18 =	vld [tilespmem:s23+$0xFFFFFFA0]  }
0xd2: {  	s8 =	sadd.s32 $0x2, s8;
	v23 =	vld [tilespmem:s23+$0xFFFFFFB0]  }
0xd3: {  	p2 =	slt.u32 s8, $0xC6;
	v15 =	vld [tilespmem:s23+$0xFFFFFFC0]  }
.Ltmp1:
0xd4: {  	v16 =	vld [tilespmem:s23+$0xFFFFFFD0];
	(pc) =	sbr.rel @p2 .LBB2_5-.Ltmp1, $4  }
0xd5: {  	v14 =	vld [tilespmem:s23+$0xFFFFFFE0]  }
0xd6: {  	v11 =	vadd.f32 v13, v11;
	v9 =	vadd.f32 v17, v9;
	v17 =	vld [tilespmem:s23+$0xFFFFFFF0]  }
0xd7: {  	v20 =	vadd.f32 v18, v20;
	v19 =	vadd.f32 v23, v19;
	v13 =	vld [tilespmem:s23+$0x60]  }
0xd8: {  	v11 =	vadd.f32 v21, v11;
	v9 =	vadd.f32 v22, v9;
	v18 =	vld [tilespmem:s23+$0x70];
	s23 =	sadd.s32 $0x100, s23  }
0xd9: {  	_ = 	snop  }
0xda: {  	v5 =	vadd.f32 v5, v20;
	v7 =	vadd.f32 v15, v7;
	v11 =	vmul.f32 v11, v2  }
0xdb: {  	v6 =	vadd.f32 v6, v19;
	v12 =	vadd.f32 v16, v12;
	v9 =	vmul.f32 v9, v2  }
0xdc: {  	v10 =	vadd.f32 v14, v10;
	v3 =	vadd.f32 v3, v7;
	v5 =	vmul.f32 v5, v2;
	[tilespmem:$0x1F480] =	vst v11  }
0xdd: {  	v7 =	vadd.f32 v17, v8;
	v4 =	vadd.f32 v4, v12;
	v6 =	vmul.f32 v6, v2;
	[tilespmem:$0x1F490] =	vst v9  }
0xde: {  	v8 =	vadd.f32 v13, v10;
	[tilespmem:$0x1F4A0] =	vst v5;
	v3 =	vmul.f32 v3, v2  }
0xdf: {  	v5 =	vadd.f32 v18, v7;
	[tilespmem:$0x1F4B0] =	vst v6;
	v4 =	vmul.f32 v4, v2  }
0xe0: {  	[tilespmem:$0x1F4C0] =	vst v3;
	v3 =	vmul.f32 v8, v2  }
0xe1: {  	s7 =	sshll.u32 s7, $0x4;
	[tilespmem:$0x1F4D0] =	vst v4;
	v2 =	vmul.f32 v5, v2  }
0xe2: {  	s1 =	sadd.s32 s4, s1;
	s7 =	sand.u32 $0x50, s7;
	[tilespmem:$0x1F4E0] =	vst v3  }
0xe3: {  	s7 =	sadd.s32 s7, s1;
	[tilespmem:$0x1F4F0] =	vst v2  }
0xe4: {  	[hbm4b:s7+s3] =	stream.linear.scatter [tilespmem:s18], [sflag:$0x6], $0x80, $0x38;
	[tilespmem:$0x1F600] =	vst v63  }
0xe5: {  	_ =	swait.ge [sflag:s19], $0x6400  }
0xe6: {  	s8 =	simm.s32 @!p1 $0x30;
	[sflag:s19] =	ssyncset.done $0x0  }
0xe7: {  	s23 =	simm.s32 @!p1 $0xC800;
	s7 =	sadd.s32 @!p1 $0x3E8, s0;
	[sflag:s19] =	ssyncadd.s32 $0xFFFF9C00  }
0xe8: {  	[tilespmem:s23], [sflag:$0x2] =	stream.indirect.gather @!p1 [hbm4b:s2+s8], $0x80, s7, s8, $0xb8;
	[tilespmem:$0x1F600] =	vst v63  }
0xe9: {  	s5 =	sor.u32 $0x2, s5;
	s7 =	sadd.s32 @!p1 $0x418, s0;
	s23 =	simm.s32 @!p1 $0xE000  }
0xea: {  	[tilespmem:s23], [sflag:$0x2] =	stream.indirect.gather @!p1 [hbm4b:s2+s8], $0x80, s7, s8, $0xb8;
	[tilespmem:$0x1F600] =	vst v63  }
0xeb: {  	s24 =	smul.u32 $0xC8, s5;
	s7 =	sadd.s32 @!p1 $0x448, s0;
	s23 =	simm.s32 @!p1 $0xF800  }
0xec: {  	[tilespmem:s23], [sflag:$0x2] =	stream.indirect.gather @!p1 [hbm4b:s2+s8], $0x80, s7, s8, $0xb8;
	[tilespmem:$0x1F600] =	vst v63  }
0xed: {  	s7 =	sadd.s32 @!p1 $0x478, s0;
	s8 =	simm.s32 @!p1 $0x38;
	s23 =	simm.s32 @!p1 $0x11000  }
0xee: {  	[tilespmem:s23], [sflag:$0x2] =	stream.indirect.gather @!p1 [hbm4b:s2+s8], $0x80, s7, s8, $0xb8;
	[tilespmem:$0x1F600] =	vst v63  }
0xef: {  	v2 =	vld [tilespmem:s24+$0x0]  }
0xf0: {  	v3 =	vld [tilespmem:s24+$0x10];
	_ =	sdelay $0x1  }
0xf1: {  	v4 =	vld [tilespmem:s24+$0x20];
	_ =	sdelay $0x1  }
0xf2: {  	v5 =	vld [tilespmem:s24+$0x30]  }
0xf3: {  	vm0 =	veq.s32 v2, $0x0;
	vm1 =	veq.s32 v3, $0x0  }
0xf4: {  	v6 =	vld [tilespmem:s24+$0x40];
	v2 =	vsel vm0, $0x0, v0;
	v3 =	vsel vm1, $0x0, v0  }
0xf5: {  	vm5 =	veq.s32 v4, $0x0;
	v2 =	vadd.f32 v3, v2  }
0xf6: {  	v4 =	vld [tilespmem:s24+$0x50];
	v3 =	vsel vm5, $0x0, v0  }
0xf7: {  	vm6 =	veq.s32 v5, $0x0;
	v2 =	vadd.f32 v3, v2  }
0xf8: {  	v5 =	vld [tilespmem:s24+$0x60];
	v3 =	vsel vm6, $0x0, v0  }
0xf9: {  	vm7 =	veq.s32 v6, $0x0;
	v2 =	vadd.f32 v3, v2  }
0xfa: {  	v6 =	vld [tilespmem:s24+$0x70];
	v3 =	vsel vm7, $0x0, v0  }
0xfb: {  	s23 =	sand.u32 $0x7FF0, s24;
	vm8 =	veq.s32 v4, $0x0;
	v2 =	vadd.f32 v3, v2  }
0xfc: {  	v4 =	vld [tilespmem:s23+$0x80];
	v3 =	vsel vm8, $0x0, v0  }
0xfd: {  	vm9 =	veq.s32 v5, $0x0;
	v2 =	vadd.f32 v3, v2  }
0xfe: {  	v5 =	vld [tilespmem:s24+$0x90];
	v3 =	vsel vm9, $0x0, v0  }
0xff: {  	vm10 =	veq.s32 v6, $0x0;
	v2 =	vadd.f32 v3, v2  }
0x100: {  	v6 =	vld [tilespmem:s24+$0xA0];
	v3 =	vsel vm10, $0x0, v0  }
0x101: {  	vm11 =	veq.s32 v4, $0x0;
	v2 =	vadd.f32 v3, v2  }
0x102: {  	v4 =	vld [tilespmem:s24+$0xB0];
	v3 =	vsel vm11, $0x0, v0  }
0x103: {  	vm12 =	veq.s32 v5, $0x0;
	v2 =	vadd.f32 v3, v2  }
0x104: {  	v5 =	vld [tilespmem:s24+$0xB8];
	v3 =	vsel vm12, $0x0, v0  }
0x105: {  	vm13 =	veq.s32 v6, $0x0;
	v2 =	vadd.f32 v3, v2  }
0x106: {  	v3 =	vsel vm13, $0x0, v0  }
0x107: {  	vm14 =	veq.s32 v4, $0x0;
	v2 =	vadd.f32 v3, v2  }
0x108: {  	v3 =	vsel vm14, $0x0, v0  }
0x109: {  	vm15 =	veq.s32 v5, $0x0;
	v2 =	vadd.f32 v3, v2  }
0x10a: {  	v3 =	vsel vm15, $0x0, v1  }
0x10b: {  	v2 =	vadd.f32 v3, v2;
	_ =	sdelay $0x1  }
0x10c: {  	(xrf2) =	vadd.scan.msk.f32 $0xffff, v2;
	_ =	sdelay $0x9  }
0x10d: {  	v2, _, _ =	vpop (xrf2)  }
0x10e: {  	v2 =	vadd.f32 $9.999999740e-06, v2;
	_ =	sdelay $0x1  }
0x10f: {  	v2 =	vbroadcast v2, $0xF;
	_ =	sdelay $0x1  }
0x110: {  	(erf) = vrcp.f32 v2;
	_ =	sdelay $0x8  }
0x111: {  	s7 =	simm.s32 @!p0 $0x7;
	v2 =	vpop (erf)  }
0x112: {  	_ =	swait.ge @!p0 [sflag:s7], $0x80  }
0x113: {  	[sflag:s7] =	ssyncset.done @!p0 $0x0  }
0x114: {  	s25 =	simm.s32 $0x12C80;
	[sflag:s7] =	ssyncadd.s32 @!p0 $0xFFFFFF80  }
0x115: {  	v8 =	vld [tilespmem:s25+$0x0]  }
0x116: {  	v9 =	vld [tilespmem:s25+$0x10]  }
0x117: {  	v5 =	vld [tilespmem:s25+$0x20]  }
0x118: {  	v6 =	vld [tilespmem:s25+$0x30]  }
0x119: {  	v3 =	vld [tilespmem:s25+$0x40]  }
0x11a: {  	v10 =	vld [tilespmem:s25+$0xFFFFFF80]  }
0x11b: {  	v11 =	vld [tilespmem:s25+$0xFFFFFF90]  }
0x11c: {  	v12 =	vld [tilespmem:s25+$0xFFFFFFA0]  }
0x11d: {  	v13 =	vld [tilespmem:s25+$0xFFFFFFB0]  }
0x11e: {  	v4 =	vld [tilespmem:s25+$0x50]  }
0x11f: {  	v15 =	vld [tilespmem:s25+$0xFFFFFFC0]  }
0x120: {  	v7 =	vimm.f32 $0.0e+00;
	v16 =	vld [tilespmem:s25+$0xFFFFFFD0]  }
0x121: {  	v14 =	vld [tilespmem:s25+$0xFFFFFFE0];
	v10 =	vadd.f32 v10, v7  }
0x122: {  	v17 =	vld [tilespmem:s25+$0xFFFFFFF0];
	v18 =	vadd.f32 v11, v7;
	v20 =	vadd.f32 v12, v7  }
0x123: {  	v19 =	vadd.f32 v13, v7;
	v13 =	vld [tilespmem:s25+$0x60];
	v12 =	vimm.f32 $0.0e+00;
	v11 =	vadd.f32 v8, v10  }
0x124: {  	s8 =	simm.s32 $0x12D80;
	s7 =	simm.s32 $0x0;
	v9 =	vadd.f32 v9, v18;
	v18 =	vld [tilespmem:s25+$0x70];
	v10 =	vimm.f32 $0.0e+00;
	v8 =	vimm.f32 $0.0e+00  }
.LBB2_7:
0x125: {  	v21 =	vld [tilespmem:s8+$0x0];
	v20 =	vadd.f32 v5, v20;
	v19 =	vadd.f32 v6, v19  }
0x126: {  	v7 =	vadd.f32 v15, v7;
	v12 =	vadd.f32 v16, v12;
	v22 =	vld [tilespmem:s8+$0x10]  }
0x127: {  	v10 =	vadd.f32 v14, v10;
	v5 =	vld [tilespmem:s8+$0x20];
	v8 =	vadd.f32 v17, v8  }
0x128: {  	v7 =	vadd.f32 v3, v7;
	v12 =	vadd.f32 v4, v12;
	v6 =	vld [tilespmem:s8+$0x30]  }
0x129: {  	v10 =	vadd.f32 v13, v10;
	v3 =	vld [tilespmem:s8+$0x40];
	v8 =	vadd.f32 v18, v8  }
0x12a: {  	v4 =	vld [tilespmem:s8+$0x50]  }
0x12b: {  	v13 =	vld [tilespmem:s8+$0xFFFFFF80]  }
0x12c: {  	v17 =	vld [tilespmem:s8+$0xFFFFFF90]  }
0x12d: {  	v18 =	vld [tilespmem:s8+$0xFFFFFFA0]  }
0x12e: {  	s7 =	sadd.s32 $0x2, s7;
	v23 =	vld [tilespmem:s8+$0xFFFFFFB0]  }
0x12f: {  	p2 =	slt.u32 s7, $0xC6;
	v15 =	vld [tilespmem:s8+$0xFFFFFFC0]  }
.Ltmp2:
0x130: {  	v16 =	vld [tilespmem:s8+$0xFFFFFFD0];
	(pc) =	sbr.rel @p2 .LBB2_7-.Ltmp2, $4  }
0x131: {  	v14 =	vld [tilespmem:s8+$0xFFFFFFE0]  }
0x132: {  	v11 =	vadd.f32 v13, v11;
	v9 =	vadd.f32 v17, v9;
	v17 =	vld [tilespmem:s8+$0xFFFFFFF0]  }
0x133: {  	v20 =	vadd.f32 v18, v20;
	v19 =	vadd.f32 v23, v19;
	v13 =	vld [tilespmem:s8+$0x60]  }
0x134: {  	v11 =	vadd.f32 v21, v11;
	v9 =	vadd.f32 v22, v9;
	v18 =	vld [tilespmem:s8+$0x70];
	s8 =	sadd.s32 $0x100, s8  }
0x135: {  	_ = 	snop  }
0x136: {  	v5 =	vadd.f32 v5, v20;
	v7 =	vadd.f32 v15, v7;
	v11 =	vmul.f32 v11, v2  }
0x137: {  	v6 =	vadd.f32 v6, v19;
	v12 =	vadd.f32 v16, v12;
	v9 =	vmul.f32 v9, v2  }
0x138: {  	v10 =	vadd.f32 v14, v10;
	v3 =	vadd.f32 v3, v7;
	v5 =	vmul.f32 v5, v2;
	[tilespmem:$0x1F500] =	vst v11  }
0x139: {  	v7 =	vadd.f32 v17, v8;
	v4 =	vadd.f32 v4, v12;
	v6 =	vmul.f32 v6, v2;
	[tilespmem:$0x1F510] =	vst v9  }
0x13a: {  	v8 =	vadd.f32 v13, v10;
	[tilespmem:$0x1F520] =	vst v5;
	v3 =	vmul.f32 v3, v2  }
0x13b: {  	v5 =	vadd.f32 v18, v7;
	[tilespmem:$0x1F530] =	vst v6;
	v4 =	vmul.f32 v4, v2  }
0x13c: {  	[tilespmem:$0x1F540] =	vst v3;
	v3 =	vmul.f32 v8, v2  }
0x13d: {  	s5 =	sshll.u32 s5, $0x4;
	[tilespmem:$0x1F550] =	vst v4;
	v2 =	vmul.f32 v5, v2  }
0x13e: {  	s5 =	sand.u32 $0x60, s5;
	[tilespmem:$0x1F560] =	vst v3  }
0x13f: {  	s5 =	sadd.s32 s5, s1;
	[tilespmem:$0x1F570] =	vst v2  }
0x140: {  	[hbm4b:s5+s3] =	stream.linear.scatter [tilespmem:s20], [sflag:$0x7], $0x80, $0x38;
	[tilespmem:$0x1F600] =	vst v63  }
0x141: {  	_ =	swait.ge [sflag:s21], $0x6400  }
0x142: {  	s7 =	simm.s32 @!p1 $0x30;
	[sflag:s21] =	ssyncset.done $0x0  }
0x143: {  	s8 =	simm.s32 @!p1 $0x12C00;
	s5 =	sadd.s32 @!p1 $0x4B0, s0;
	[sflag:s21] =	ssyncadd.s32 $0xFFFF9C00  }
0x144: {  	[tilespmem:s8], [sflag:$0x3] =	stream.indirect.gather @!p1 [hbm4b:s2+s7], $0x80, s5, s7, $0xb8;
	[tilespmem:$0x1F600] =	vst v63  }
0x145: {  	s5 =	sadd.s32 @!p1 $0x4E0, s0;
	s8 =	simm.s32 @!p1 $0x14400  }
0x146: {  	[tilespmem:s8], [sflag:$0x3] =	stream.indirect.gather @!p1 [hbm4b:s2+s7], $0x80, s5, s7, $0xb8;
	[tilespmem:$0x1F600] =	vst v63  }
0x147: {  	s5 =	sadd.s32 @!p1 $0x510, s0;
	s8 =	simm.s32 @!p1 $0x15C00  }
0x148: {  	[tilespmem:s8], [sflag:$0x3] =	stream.indirect.gather @!p1 [hbm4b:s2+s7], $0x80, s5, s7, $0xb8;
	[tilespmem:$0x1F600] =	vst v63  }
0x149: {  	s0 =	sadd.s32 @!p1 $0x540, s0;
	s5 =	simm.s32 @!p1 $0x38;
	s7 =	simm.s32 @!p1 $0x17400  }
0x14a: {  	[tilespmem:s7], [sflag:$0x3] =	stream.indirect.gather @!p1 [hbm4b:s2+s5], $0x80, s0, s5, $0xb8;
	[tilespmem:$0x1F600] =	vst v63  }
0x14b: {  	v2 =	vld [tilespmem:s31+$0x0]  }
0x14c: {  	v3 =	vld [tilespmem:s31+$0x10];
	_ =	sdelay $0x1  }
0x14d: {  	v4 =	vld [tilespmem:s31+$0x20];
	_ =	sdelay $0x1  }
0x14e: {  	v5 =	vld [tilespmem:s31+$0x30]  }
0x14f: {  	vm0 =	veq.s32 v2, $0x0;
	vm1 =	veq.s32 v3, $0x0  }
0x150: {  	v6 =	vld [tilespmem:s31+$0x40];
	v2 =	vsel vm0, $0x0, v0;
	v3 =	vsel vm1, $0x0, v0  }
0x151: {  	vm5 =	veq.s32 v4, $0x0;
	v2 =	vadd.f32 v3, v2  }
0x152: {  	v4 =	vld [tilespmem:s31+$0x50];
	v3 =	vsel vm5, $0x0, v0  }
0x153: {  	vm6 =	veq.s32 v5, $0x0;
	v2 =	vadd.f32 v3, v2  }
0x154: {  	v5 =	vld [tilespmem:s31+$0x60];
	v3 =	vsel vm6, $0x0, v0  }
0x155: {  	vm7 =	veq.s32 v6, $0x0;
	v2 =	vadd.f32 v3, v2  }
0x156: {  	v6 =	vld [tilespmem:s31+$0x70];
	v3 =	vsel vm7, $0x0, v0  }
0x157: {  	s25 =	sand.u32 $0x7FF8, s31;
	vm8 =	veq.s32 v4, $0x0;
	v2 =	vadd.f32 v3, v2  }
0x158: {  	v4 =	vld [tilespmem:s25+$0x80];
	v3 =	vsel vm8, $0x0, v0  }
0x159: {  	vm9 =	veq.s32 v5, $0x0;
	v2 =	vadd.f32 v3, v2  }
0x15a: {  	v5 =	vld [tilespmem:s31+$0x90];
	v3 =	vsel vm9, $0x0, v0  }
0x15b: {  	vm10 =	veq.s32 v6, $0x0;
	v2 =	vadd.f32 v3, v2  }
0x15c: {  	v6 =	vld [tilespmem:s31+$0xA0];
	v3 =	vsel vm10, $0x0, v0  }
0x15d: {  	vm11 =	veq.s32 v4, $0x0;
	v2 =	vadd.f32 v3, v2  }
0x15e: {  	v4 =	vld [tilespmem:s31+$0xB0];
	v3 =	vsel vm11, $0x0, v0  }
0x15f: {  	vm12 =	veq.s32 v5, $0x0;
	v2 =	vadd.f32 v3, v2  }
0x160: {  	v5 =	vld [tilespmem:s31+$0xB8];
	v3 =	vsel vm12, $0x0, v0  }
0x161: {  	vm13 =	veq.s32 v6, $0x0;
	v2 =	vadd.f32 v3, v2  }
0x162: {  	v3 =	vsel vm13, $0x0, v0  }
0x163: {  	vm14 =	veq.s32 v4, $0x0;
	v2 =	vadd.f32 v3, v2  }
0x164: {  	v3 =	vsel vm14, $0x0, v0  }
0x165: {  	vm15 =	veq.s32 v5, $0x0;
	v2 =	vadd.f32 v3, v2  }
0x166: {  	v3 =	vsel vm15, $0x0, v1  }
0x167: {  	v2 =	vadd.f32 v3, v2;
	_ =	sdelay $0x1  }
0x168: {  	(xrf2) =	vadd.scan.msk.f32 $0xffff, v2;
	_ =	sdelay $0x9  }
0x169: {  	v2, _, _ =	vpop (xrf2)  }
0x16a: {  	v2 =	vadd.f32 $9.999999740e-06, v2;
	_ =	sdelay $0x1  }
0x16b: {  	v2 =	vbroadcast v2, $0xF;
	_ =	sdelay $0x1  }
0x16c: {  	(erf) = vrcp.f32 v2;
	_ =	sdelay $0x8  }
0x16d: {  	s0 =	simm.s32 @!p0 $0x8;
	v2 =	vpop (erf)  }
0x16e: {  	_ =	swait.ge @!p0 [sflag:s0], $0x80  }
0x16f: {  	[sflag:s0] =	ssyncset.done @!p0 $0x0  }
0x170: {  	s31 =	simm.s32 $0x19080;
	[sflag:s0] =	ssyncadd.s32 @!p0 $0xFFFFFF80  }
0x171: {  	v8 =	vld [tilespmem:s31+$0x0]  }
0x172: {  	v9 =	vld [tilespmem:s31+$0x10]  }
0x173: {  	v5 =	vld [tilespmem:s31+$0x20]  }
0x174: {  	v6 =	vld [tilespmem:s31+$0x30]  }
0x175: {  	v3 =	vld [tilespmem:s31+$0x40]  }
0x176: {  	v10 =	vld [tilespmem:s31+$0xFFFFFF80]  }
0x177: {  	v11 =	vld [tilespmem:s31+$0xFFFFFF90]  }
0x178: {  	v12 =	vld [tilespmem:s31+$0xFFFFFFA0]  }
0x179: {  	v13 =	vld [tilespmem:s31+$0xFFFFFFB0]  }
0x17a: {  	v4 =	vld [tilespmem:s31+$0x50]  }
0x17b: {  	v15 =	vld [tilespmem:s31+$0xFFFFFFC0]  }
0x17c: {  	v7 =	vimm.f32 $0.0e+00;
	v16 =	vld [tilespmem:s31+$0xFFFFFFD0]  }
0x17d: {  	v14 =	vld [tilespmem:s31+$0xFFFFFFE0];
	v10 =	vadd.f32 v10, v7  }
0x17e: {  	v17 =	vld [tilespmem:s31+$0xFFFFFFF0];
	v18 =	vadd.f32 v11, v7;
	v20 =	vadd.f32 v12, v7  }
0x17f: {  	v19 =	vadd.f32 v13, v7;
	v13 =	vld [tilespmem:s31+$0x60];
	v12 =	vimm.f32 $0.0e+00;
	v11 =	vadd.f32 v8, v10  }
0x180: {  	s5 =	simm.s32 $0x19180;
	s0 =	simm.s32 $0x0;
	v9 =	vadd.f32 v9, v18;
	v18 =	vld [tilespmem:s31+$0x70];
	v10 =	vimm.f32 $0.0e+00;
	v8 =	vimm.f32 $0.0e+00  }
.LBB2_9:
0x181: {  	v21 =	vld [tilespmem:s5+$0x0];
	v20 =	vadd.f32 v5, v20;
	v19 =	vadd.f32 v6, v19  }
0x182: {  	v7 =	vadd.f32 v15, v7;
	v12 =	vadd.f32 v16, v12;
	v22 =	vld [tilespmem:s5+$0x10]  }
0x183: {  	v10 =	vadd.f32 v14, v10;
	v5 =	vld [tilespmem:s5+$0x20];
	v8 =	vadd.f32 v17, v8  }
0x184: {  	v7 =	vadd.f32 v3, v7;
	v12 =	vadd.f32 v4, v12;
	v6 =	vld [tilespmem:s5+$0x30]  }
0x185: {  	v10 =	vadd.f32 v13, v10;
	v3 =	vld [tilespmem:s5+$0x40];
	v8 =	vadd.f32 v18, v8  }
0x186: {  	v4 =	vld [tilespmem:s5+$0x50]  }
0x187: {  	v13 =	vld [tilespmem:s5+$0xFFFFFF80]  }
0x188: {  	v17 =	vld [tilespmem:s5+$0xFFFFFF90]  }
0x189: {  	v18 =	vld [tilespmem:s5+$0xFFFFFFA0]  }
0x18a: {  	s0 =	sadd.s32 $0x2, s0;
	v23 =	vld [tilespmem:s5+$0xFFFFFFB0]  }
0x18b: {  	p0 =	slt.u32 s0, $0xC6;
	v15 =	vld [tilespmem:s5+$0xFFFFFFC0]  }
.Ltmp3:
0x18c: {  	v16 =	vld [tilespmem:s5+$0xFFFFFFD0];
	(pc) =	sbr.rel @p0 .LBB2_9-.Ltmp3, $4  }
0x18d: {  	v14 =	vld [tilespmem:s5+$0xFFFFFFE0]  }
0x18e: {  	v11 =	vadd.f32 v13, v11;
	v9 =	vadd.f32 v17, v9;
	v17 =	vld [tilespmem:s5+$0xFFFFFFF0]  }
0x18f: {  	v20 =	vadd.f32 v18, v20;
	v19 =	vadd.f32 v23, v19;
	v13 =	vld [tilespmem:s5+$0x60]  }
0x190: {  	v11 =	vadd.f32 v21, v11;
	v9 =	vadd.f32 v22, v9;
	v18 =	vld [tilespmem:s5+$0x70];
	s5 =	sadd.s32 $0x100, s5  }
0x191: {  	_ = 	snop  }
0x192: {  	v5 =	vadd.f32 v5, v20;
	v7 =	vadd.f32 v15, v7;
	v11 =	vmul.f32 v11, v2  }
0x193: {  	v6 =	vadd.f32 v6, v19;
	v12 =	vadd.f32 v16, v12;
	v9 =	vmul.f32 v9, v2  }
0x194: {  	v10 =	vadd.f32 v14, v10;
	v3 =	vadd.f32 v3, v7;
	v5 =	vmul.f32 v5, v2;
	[tilespmem:$0x1F580] =	vst v11  }
0x195: {  	v61 =	vadd.f32 v17, v8;
	v4 =	vadd.f32 v4, v12;
	v6 =	vmul.f32 v6, v2;
	[tilespmem:$0x1F590] =	vst v9  }
0x196: {  	s29 =	sadd.s32 $0x1, s29;
	v62 =	vadd.f32 v13, v10;
	[tilespmem:$0x1F5A0] =	vst v5;
	v3 =	vmul.f32 v3, v2  }
0x197: {  	p0 =	sne.s32 s29, $0x20;
	v63 =	vadd.f32 v18, v61;
	[tilespmem:$0x1F5B0] =	vst v6;
	v4 =	vmul.f32 v4, v2  }
.Ltmp4:
0x198: {  	[tilespmem:$0x1F5C0] =	vst v3;
	v3 =	vmul.f32 v62, v2;
	(pc) =	sbr.rel @p0 .LBB2_2-.Ltmp4, $4  }
0x199: {  	s0 =	sshll.u32 s30, $0x4;
	[tilespmem:$0x1F5D0] =	vst v4;
	v2 =	vmul.f32 v63, v2  }
0x19a: {  	s0 =	sand.u32 $0x70, s0;
	[tilespmem:$0x1F5E0] =	vst v3  }
0x19b: {  	s0 =	sadd.s32 s0, s1;
	[tilespmem:$0x1F5F0] =	vst v2  }
0x19c: {  	[hbm4b:s0+s3] =	stream.linear.scatter [tilespmem:s22], [sflag:$0x8], $0x80, $0x38;
	[tilespmem:$0x1F600] =	vst v63  }
0x19d: {  	s0 =	simm.s32 $0x5  }
0x19e: {  	_ =	swait.ge [sflag:s0], $0x80  }
0x19f: {  	[sflag:s0] =	ssyncset.done $0x0  }
0x1a0: {  	s29 =	simm.s32 $0x6;
	[sflag:s0] =	ssyncadd.s32 $0xFFFFFF80  }
0x1a1: {  	_ =	swait.ge [sflag:s29], $0x80  }
0x1a2: {  	[sflag:s29] =	ssyncset.done $0x0  }
0x1a3: {  	s30 =	simm.s32 $0x7;
	[sflag:s29] =	ssyncadd.s32 $0xFFFFFF80  }
0x1a4: {  	_ =	swait.ge [sflag:s30], $0x80  }
0x1a5: {  	[sflag:s30] =	ssyncset.done $0x0  }
0x1a6: {  	[sflag:s30] =	ssyncadd.s32 $0xFFFFFF80  }
0x1a7: {  	_ =	swait.ge [sflag:s26], $0x80  }
0x1a8: {  	s28 =	sadd.s32 $0x1, s28;
	s31 =	rddreg [dreg:$0x5]  }
0x1a9: {  	p0 =	sne.s32 s28, s31  }
.Ltmp5:
0x1aa: {  	_ = 	snop;
	(pc) =	sbr.rel @p0 .LBB2_1-.Ltmp5, $3  }
0x1ab: {  	_ =	sdelay $0x1  }
0x1ac: {  	[sflag:s26] =	ssyncset.done $0x0  }
0x1ad: {  	[sflag:s26] =	ssyncadd.s32 $0xFFFFFF80  }
0x1ae: {  	_ =	sfence.sel $0x180000  }
0x1af: {  	[bflag:$0x0] =	sbarrier.arrive $0xFFFF  }
0x1b0: {  	_ =	strace $0x90000047  }
0x1b1: {  	s0 =	stileid.u32;
	[bflag:$0x2] =	sbarrier.arrive $0xFFFF  }
0x1b2: {  	p0 =	sne.s32 s0, $0x0;
	s0 =	rddreg [dreg:$0x3]  }
0x1b3: {  	s0 =	sadd.s32 @!p0 $0x100000, s0  }
0x1b4: {  	[sflag:s0] =	ssyncadd.tile.s32 @!p0 $0x1;
	_ =	shalt  }
.Lfunc_end2:
_tile_overlayer_lowered:
.L_overlay_start_2:
0x1b5: {  	(tag) =	ssettag $0x2  }
0x1b6: {  	s0 =	rddreg [dreg:$0x0];
	s2 =	stileid.u32  }
0x1b7: {  	s1 =	rddreg [dreg:$0x1];
	p0 =	sne.s32 s2, $0x0  }
0x1b8: {  	s3 =	rddreg [dreg:$0x2];
	[bflag:$0x3] =	sbarrier.arrive $0xFFFF;
	s2 =	simm.s32 @!p0 $0x1C09  }
0x1b9: {  	[timem:s3], [sflag:s2] =	dma.local @!p0 [hbm:s0], s1  }
0x1ba: {  	s0 =	simm.s32 @!p0 $0x9  }
0x1bb: {  	_ =	swait.ge @!p0 [sflag:s0], s1  }
0x1bc: {  	s1 =	ssub.s32 @!p0 $0x0, s1;
	[sflag:s0] =	ssyncset.done @!p0 $0x0  }
0x1bd: {  	[sflag:s0] =	ssyncadd.s32 @!p0 s1  }
0x1be: {  	[bflag:$0x3] =	sbarrier.arrive $0xFFFF  }
0x1bf: {  	_ =	shalt  }

</sc_bundles>
